<compile_context>
chip_gen: v7x
topology: tpu7x:2x2x1
jax: 0.10.2.dev20260603
libtpu: 0.0.44.dev20260713+nightly
codegen_flags: <defaults>
</compile_context>

<pallas_src>
import functools

import jax
import jax.numpy as jnp
from jax import lax
from jax.experimental import pallas as pl
from jax.experimental.pallas import tpu as pltpu
import jax.experimental.pallas.tpu_sc as plsc

_NC = 2
_NS = 16
_NW = _NC * _NS
_C = 128


def _pad_chunks(idx):
    nchunk = idx.shape[0] // _C
    iters = -(-nchunk // _NW)
    idx2 = idx.reshape(nchunk, _C)
    pad = _NW * iters - nchunk
    if pad:
        idx2 = jnp.concatenate([idx2, jnp.zeros((pad, _C), jnp.int32)], 0)
    return idx2.reshape(_NW, iters, _C), nchunk, iters


def _sc_gather(table, idx):
    m = idx.shape[0]
    d = table.shape[1]
    idx3, nchunk, iters = _pad_chunks(idx)

    nb = 3

    def body(table_hbm, idx_hbm, out_hbm, idx_all, rv0, rv1, rv2,
             g0, g1, g2, w0, w1, w2):
        wid = lax.axis_index("s") * _NC + lax.axis_index("c")
        base = wid * iters
        pltpu.sync_copy(idx_hbm.at[wid], idx_all)
        bufs = ((rv0, g0, w0), (rv1, g1, w1), (rv2, g2, w2))

        def ok(j):
            return (j >= 0) & (j < iters) & (base + j < nchunk)

        def start(j, b):
            rv, gs, _ = bufs[b]

            @pl.when(ok(j))
            def _():
                pltpu.async_copy(table_hbm.at[idx_all.at[j]], rv, gs)

        def finish(j, b):
            rv, gs, ws = bufs[b]

            @pl.when(ok(j))
            def _():
                pltpu.make_async_copy(table_hbm.at[idx_all.at[j]], rv, gs).wait()
                pltpu.async_copy(rv, out_hbm.at[pl.ds((base + j) * _C, _C)], ws)

        def drain(j, b):
            rv, _, ws = bufs[b]

            @pl.when(ok(j))
            def _():
                pltpu.make_async_copy(rv, out_hbm.at[pl.ds((base + j) * _C, _C)], ws).wait()

        for j0 in range(min(nb - 1, iters)):
            start(j0, j0 % nb)

        def outer(g, carry):
            for b in range(nb):
                j = nb * g + b
                finish(j, b)
                drain(j - 1, (b - 1) % nb)
                start(j + nb - 1, (b - 1) % nb)
            return carry

        lax.fori_loop(0, (iters + nb) // nb, outer, 0)

    return pl.kernel(
        body,
        out_type=jax.ShapeDtypeStruct((m, d), table.dtype),
        mesh=plsc.VectorSubcoreMesh(core_axis_name="c", subcore_axis_name="s", num_cores=_NC, num_subcores=_NS),
        scratch_types=[
            pltpu.VMEM((idx3.shape[1], _C), jnp.int32),
            pltpu.VMEM((_C, d), table.dtype),
            pltpu.VMEM((_C, d), table.dtype),
            pltpu.VMEM((_C, d), table.dtype),
            pltpu.SemaphoreType.DMA,
            pltpu.SemaphoreType.DMA,
            pltpu.SemaphoreType.DMA,
            pltpu.SemaphoreType.DMA,
            pltpu.SemaphoreType.DMA,
            pltpu.SemaphoreType.DMA,
        ],
        compiler_params=pltpu.CompilerParams(use_tc_tiling_on_sc=False),
    )(table, idx3)


def _sc_scatter_add(msg, dst, nrows):
    m, d = msg.shape
    dst3, nchunk, iters = _pad_chunks(dst)
    rpt = nrows // _NS

    nb = 3

    def body(msg_hbm, dst_hbm, zeros_hbm, out_hbm, idx_all, rv0, rv1, rv2,
             l0, l1, l2, s0, s1, s2, acc_sh):
        cidx = lax.axis_index("c")
        sid = lax.axis_index("s")
        wid = sid * _NC + cidx
        base = wid * iters
        r0 = sid * rpt
        pltpu.sync_copy(dst_hbm.at[wid], idx_all)
        pltpu.sync_copy(zeros_hbm.at[pl.ds(r0, rpt)], acc_sh.at[pl.ds(r0, rpt)])
        plsc.subcore_barrier()
        bufs = ((rv0, l0, s0), (rv1, l1, s1), (rv2, l2, s2))

        def ok(j):
            return (j >= 0) & (j < iters) & (base + j < nchunk)

        def start(j, b):
            rv, ls, _ = bufs[b]

            @pl.when(ok(j))
            def _():
                pltpu.async_copy(msg_hbm.at[pl.ds((base + j) * _C, _C)], rv, ls)

        def finish(j, b):
            rv, ls, ss = bufs[b]

            @pl.when(ok(j))
            def _():
                pltpu.make_async_copy(msg_hbm.at[pl.ds((base + j) * _C, _C)], rv, ls).wait()
                pltpu.async_copy(rv, acc_sh.at[idx_all.at[j]], ss, add=True)

        def drain(j, b):
            rv, _, ss = bufs[b]

            @pl.when(ok(j))
            def _():
                pltpu.make_async_copy(rv, acc_sh.at[idx_all.at[j]], ss).wait()

        for j0 in range(min(nb - 1, iters)):
            start(j0, j0 % nb)

        def outer(g, carry):
            for b in range(nb):
                j = nb * g + b
                finish(j, b)
                drain(j - 1, (b - 1) % nb)
                start(j + nb - 1, (b - 1) % nb)
            return carry

        lax.fori_loop(0, (iters + nb) // nb, outer, 0)
        plsc.subcore_barrier()
        pltpu.sync_copy(acc_sh.at[pl.ds(r0, rpt)], out_hbm.at[cidx, pl.ds(r0, rpt)])

    return pl.kernel(
        body,
        out_type=jax.ShapeDtypeStruct((_NC, nrows, d), msg.dtype),
        mesh=plsc.VectorSubcoreMesh(core_axis_name="c", subcore_axis_name="s", num_cores=_NC, num_subcores=_NS),
        scratch_types=[
            pltpu.VMEM((dst3.shape[1], _C), jnp.int32),
            pltpu.VMEM((_C, d), msg.dtype),
            pltpu.VMEM((_C, d), msg.dtype),
            pltpu.VMEM((_C, d), msg.dtype),
            pltpu.SemaphoreType.DMA,
            pltpu.SemaphoreType.DMA,
            pltpu.SemaphoreType.DMA,
            pltpu.SemaphoreType.DMA,
            pltpu.SemaphoreType.DMA,
            pltpu.SemaphoreType.DMA,
            pltpu.VMEM_SHARED((nrows, d), msg.dtype),
        ],
        compiler_params=pltpu.CompilerParams(use_tc_tiling_on_sc=False),
    )(msg, dst3, jnp.zeros((nrows, d), msg.dtype))


def _tc_encoder(x, w1, b1, w2, b2):
    n, din = x.shape
    h = w1.shape[1]
    r = 1000

    def body(x_ref, w1_ref, b1_ref, w2_ref, b2_ref, o_ref):
        a = jnp.maximum(x_ref[...] @ w1_ref[...] + b1_ref[...], 0.0)
        o_ref[...] = a @ w2_ref[...] + b2_ref[...]

    return pl.pallas_call(
        body,
        grid=(n // r,),
        in_specs=[
            pl.BlockSpec((r, din), lambda i: (i, 0)),
            pl.BlockSpec((din, h), lambda i: (0, 0)),
            pl.BlockSpec((1, h), lambda i: (0, 0)),
            pl.BlockSpec((h, h), lambda i: (0, 0)),
            pl.BlockSpec((1, h), lambda i: (0, 0)),
        ],
        out_specs=pl.BlockSpec((r, h), lambda i: (i, 0)),
        out_shape=jax.ShapeDtypeStruct((n, h), jnp.float32),
    )(x, w1, b1, w2, b2)


def _tc_edge_msg(ea, xj, w1, b1, m2, bt):
    e, ed = ea.shape
    h = w1.shape[1]
    r = 3200

    kk = jnp.arange(h * h, dtype=jnp.int32) // h
    jj = jnp.arange(h * h, dtype=jnp.int32) % h
    rep = (jnp.arange(h, dtype=jnp.int32)[:, None] == kk[None, :]).astype(jnp.float32)
    tile = (jnp.arange(h, dtype=jnp.int32)[:, None] == jj[None, :]).astype(jnp.float32)
    w1rep = w1 @ rep
    b1rep = b1 @ rep

    def body(ea_ref, xj_ref, w1r_ref, b1r_ref, m2_ref, bt_ref, o_ref):
        xjv = xj_ref[...]
        p = jnp.maximum(ea_ref[...] @ w1r_ref[...] + b1r_ref[...], 0.0) * jnp.tile(xjv, (1, h))
        o_ref[...] = p @ m2_ref[...] + xjv @ bt_ref[...]

    return pl.pallas_call(
        body,
        grid=(e // r,),
        in_specs=[
            pl.BlockSpec((r, ed), lambda i: (i, 0)),
            pl.BlockSpec((r, h), lambda i: (i, 0)),
            pl.BlockSpec((ed, h * h), lambda i: (0, 0)),
            pl.BlockSpec((1, h * h), lambda i: (0, 0)),
            pl.BlockSpec((h * h, h), lambda i: (0, 0)),
            pl.BlockSpec((h, h), lambda i: (0, 0)),
        ],
        out_specs=pl.BlockSpec((r, h), lambda i: (i, 0)),
        out_shape=jax.ShapeDtypeStruct((e, h), jnp.float32),
    )(ea, xj, w1rep, b1rep, m2, bt)


def _tc_post(parts, h_res, g, b):
    _, n, h = parts.shape
    r = 1000

    def body(p_ref, hr_ref, g_ref, b_ref, o_ref):
        t = jnp.maximum(p_ref[0] + p_ref[1], 0.0)
        mu = jnp.mean(t, axis=-1, keepdims=True)
        dlt = t - mu
        var = jnp.mean(dlt * dlt, axis=-1, keepdims=True)
        o_ref[...] = dlt * lax.rsqrt(var + 1e-5) * g_ref[...] + b_ref[...] + hr_ref[...]

    return pl.pallas_call(
        body,
        grid=(n // r,),
        in_specs=[
            pl.BlockSpec((2, r, h), lambda i: (0, i, 0)),
            pl.BlockSpec((r, h), lambda i: (i, 0)),
            pl.BlockSpec((1, h), lambda i: (0, 0)),
            pl.BlockSpec((1, h), lambda i: (0, 0)),
        ],
        out_specs=pl.BlockSpec((r, h), lambda i: (i, 0)),
        out_shape=jax.ShapeDtypeStruct((n, h), jnp.float32),
    )(parts, h_res, g, b)


def _tc_head(hyp, w1, b1, w2, b2):
    m, h = hyp.shape
    h2 = w1.shape[1]

    def body(x_ref, w1_ref, b1_ref, w2_ref, b2_ref, o_ref):
        a = jnp.maximum(x_ref[...] @ w1_ref[...] + b1_ref[...], 0.0)
        o_ref[...] = a @ w2_ref[...] + b2_ref[...]

    return pl.pallas_call(
        body,
        in_specs=[
            pl.BlockSpec((m, h), lambda: (0, 0)),
            pl.BlockSpec((h, h2), lambda: (0, 0)),
            pl.BlockSpec((1, h2), lambda: (0, 0)),
            pl.BlockSpec((h2, 1), lambda: (0, 0)),
            pl.BlockSpec((1, 1), lambda: (0, 0)),
        ],
        out_specs=pl.BlockSpec((m, 1), lambda: (0, 0)),
        out_shape=jax.ShapeDtypeStruct((m, 1), jnp.float32),
    )(hyp, w1, b1, w2, b2)


def kernel(x, edge_index, edge_attr, hypoth_idx, enc_w1, enc_b1, enc_w2, enc_b2,
           mlp_w1, mlp_b1, mlp_w2, mlp_b2, ln_g, ln_b, head_w1, head_b1,
           head_w2, head_b2):
    n = x.shape[0]
    h = enc_w1.shape[1]
    layers = mlp_w1.shape[0]

    src = edge_index[0].astype(jnp.int32)
    dst = edge_index[1].astype(jnp.int32)

    hcur = _tc_encoder(x, enc_w1, enc_b1.reshape(1, -1), enc_w2,
                       enc_b2.reshape(1, -1))
    for l in range(layers):
        m2 = mlp_w2[l].reshape(h, h, h).transpose(0, 2, 1).reshape(h * h, h)
        bt = mlp_b2[l].reshape(h, h).T
        xj = _sc_gather(hcur, src)
        msg = _tc_edge_msg(edge_attr, xj, mlp_w1[l], mlp_b1[l].reshape(1, -1),
                           m2, bt)
        parts = _sc_scatter_add(msg, dst, n)
        hcur = _tc_post(parts, hcur, ln_g[l].reshape(1, -1),
                        ln_b[l].reshape(1, -1))

    hyp = _sc_gather(hcur, hypoth_idx.astype(jnp.int32))
    logits = _tc_head(hyp, head_w1, head_b1.reshape(1, -1), head_w2,
                      head_b2.reshape(1, 1))
    return logits.reshape(-1)

# --- scband reference (transcript-rebuilt; emitter-appended) ---
"""Pipeline reference for scband-hypothesis-ecc-3959959847190 (READ-ONLY COPY).

The authoritative reference and input builder live on the scoring server;
editing this copy changes nothing except your own understanding.
"""

import jax, jax.numpy as jnp
import numpy as np

N = 10000
E = 160000
IN_DIM = 128
EDGE_DIM = 16
H = 32
LAYERS = 2
NHYP = 1024


def _k(i):
    return jax.random.fold_in(jax.random.key(0), i)


def setup_inputs() -> dict:
    inp = {}
    inp['x'] = jax.random.normal(_k(0), (N, IN_DIM), dtype=jnp.float32)
    inp['edge_index'] = jax.random.randint(_k(1), (2, E), 0, N, dtype=jnp.int64)
    inp['edge_attr'] = jax.random.normal(_k(2), (E, EDGE_DIM), dtype=jnp.float32)
    inp['hypoth_idx'] = jax.random.randint(_k(3), (NHYP,), 0, N, dtype=jnp.int64)
    # encoder params
    inp['enc_w1'] = jax.random.normal(_k(4), (IN_DIM, H), dtype=jnp.float32) / np.sqrt(IN_DIM)
    inp['enc_b1'] = jnp.zeros((H,), dtype=jnp.float32)
    inp['enc_w2'] = jax.random.normal(_k(5), (H, H), dtype=jnp.float32) / np.sqrt(H)
    inp['enc_b2'] = jnp.zeros((H,), dtype=jnp.float32)
    # ECC layer params (stacked over layers)
    inp['mlp_w1'] = jax.random.normal(_k(6), (LAYERS, EDGE_DIM, H), dtype=jnp.float32) / np.sqrt(EDGE_DIM)
    inp['mlp_b1'] = jnp.zeros((LAYERS, H), dtype=jnp.float32)
    inp['mlp_w2'] = jax.random.normal(_k(7), (LAYERS, H, H * H), dtype=jnp.float32) / np.sqrt(H) * 0.1
    inp['mlp_b2'] = jnp.zeros((LAYERS, H * H), dtype=jnp.float32)
    inp['ln_g'] = jnp.ones((LAYERS, H), dtype=jnp.float32)
    inp['ln_b'] = jnp.zeros((LAYERS, H), dtype=jnp.float32)
    # head params
    inp['head_w1'] = jax.random.normal(_k(8), (H, H // 2), dtype=jnp.float32) / np.sqrt(H)
    inp['head_b1'] = jnp.zeros((H // 2,), dtype=jnp.float32)
    inp['head_w2'] = jax.random.normal(_k(9), (H // 2, 1), dtype=jnp.float32) / np.sqrt(H // 2)
    inp['head_b2'] = jnp.zeros((1,), dtype=jnp.float32)
    return inp


def _layernorm(h, g, b, eps=1e-5):
    mu = jnp.mean(h, axis=-1, keepdims=True)
    var = jnp.mean(jnp.square(h - mu), axis=-1, keepdims=True)
    return (h - mu) / jnp.sqrt(var + eps) * g + b


def reference(x, edge_index, edge_attr, hypoth_idx, enc_w1, enc_b1, enc_w2, enc_b2, mlp_w1, mlp_b1, mlp_w2, mlp_b2, ln_g, ln_b, head_w1, head_b1, head_w2, head_b2):
    src = edge_index[0]
    dst = edge_index[1]
    # encoder
    h = jax.nn.relu(x @ enc_w1 + enc_b1) @ enc_w2 + enc_b2
    for l in range(LAYERS):
        h_res = h
        # edge-conditioned weight prediction: MLP on edge_attr
        hid = jax.nn.relu(edge_attr @ mlp_w1[l] + mlp_b1[l])
        W_flat = hid @ mlp_w2[l] + mlp_b2[l]          # [E, H*H]
        W = W_flat.reshape(E, H, H)
        # message: W(e_ij) @ h_j  (x_j gathered from source nodes)
        x_j = jnp.take(h, src, axis=0)                # [E, H]
        msg = jnp.einsum('eij,ej->ei', W, x_j)        # [E, H]
        # aggregate (add) at destination nodes
        agg = jax.ops.segment_sum(msg, dst, num_segments=N)
        h = _layernorm(jax.nn.relu(agg), ln_g[l], ln_b[l]) + h_res
    # head on hypothesis nodes
    hyp = jnp.take(h, hypoth_idx, axis=0)
    logits = (jax.nn.relu(hyp @ head_w1 + head_b1) @ head_w2 + head_b2).squeeze(-1)
    return logits

if __name__ == "__main__":
    import jax
    _d = setup_inputs()
    print(jax.jit(kernel)(*tuple(_d.values())))

</pallas_src>

<mosaic_0001>
#map = affine_map<(d0, d1) -> (0, 0)>
#map1 = affine_map<(d0, d1) -> (0, 0, 0)>
module attributes {stable_mosaic.version = 14 : i64} {
  func.func @body(%arg0: i32, %arg1: i32, %arg2: memref<10000x32xf32, #tpu.memory_space<hbm>>, %arg3: memref<32x40x128xi32, #tpu.memory_space<hbm>>, %arg4: memref<160000x32xf32, #tpu.memory_space<hbm>>, %arg5: memref<40x128xi32, #tpu.memory_space<vmem>>, %arg6: memref<128x32xf32, #tpu.memory_space<vmem>>, %arg7: memref<128x32xf32, #tpu.memory_space<vmem>>, %arg8: memref<128x32xf32, #tpu.memory_space<vmem>>, %arg9: memref<!tpu.dma_semaphore, #tpu.memory_space<semaphore_mem>>, %arg10: memref<!tpu.dma_semaphore, #tpu.memory_space<semaphore_mem>>, %arg11: memref<!tpu.dma_semaphore, #tpu.memory_space<semaphore_mem>>, %arg12: memref<!tpu.dma_semaphore, #tpu.memory_space<semaphore_mem>>, %arg13: memref<!tpu.dma_semaphore, #tpu.memory_space<semaphore_mem>>, %arg14: memref<!tpu.dma_semaphore, #tpu.memory_space<semaphore_mem>>) attributes {dimension_semantics = [#tpu.dimension_semantics<core_parallel>, #tpu.dimension_semantics<subcore_parallel>], iteration_bounds = array<i64: 2, 16>, scalar_prefetch = 0 : i64, scratch_operands = 10 : i64, tpu.core_type = #tpu.core_type<sc_vector_subcore>, window_params = [{transform_indices = #map}, {transform_indices = #map1}, {transform_indices = #map}]} {
    %mul3A = arith.constant 2 : i32
    %mul3A_0 = arith.muli %arg1, %mul3A : i32
    %add3A = arith.addi %mul3A_0, %arg0 : i32
    %mul3A_1 = arith.constant 40 : i32
    %mul3A_2 = arith.muli %add3A, %mul3A_1 : i32
    "tpu.region"() ({
      %run_scoped3A = tpu.sem_alloc : memref<!tpu.dma_semaphore, #tpu.memory_space<semaphore_mem>>
      %dma_start3A = arith.constant 0 : i32
      %dma_start3A_22 = arith.constant 0 : i32
      %dma_start3A_23 = tpu.memref_slice %arg3[%add3A, %dma_start3A, %dma_start3A_22] : memref<32x40x128xi32, #tpu.memory_space<hbm>> -> memref<1x40x128xi32, #tpu.memory_space<hbm>>
      %dma_start3A_24 = tpu.memref_squeeze %dma_start3A_23 : memref<1x40x128xi32, #tpu.memory_space<hbm>> -> memref<40x128xi32, #tpu.memory_space<hbm>>
      %dma_start3A_25 = arith.constant 0 : i32
      %dma_start3A_26 = arith.constant 0 : i32
      %dma_start3A_27 = tpu.memref_slice %arg3[%add3A, %dma_start3A_25, %dma_start3A_26] : memref<32x40x128xi32, #tpu.memory_space<hbm>> -> memref<1x40x128xi32, #tpu.memory_space<hbm>>
      %dma_start3A_28 = tpu.memref_squeeze %dma_start3A_27 : memref<1x40x128xi32, #tpu.memory_space<hbm>> -> memref<40x128xi32, #tpu.memory_space<hbm>>
      tpu.enqueue_dma source(%dma_start3A_28 : memref<40x128xi32, #tpu.memory_space<hbm>>) target(%arg5 : memref<40x128xi32, #tpu.memory_space<vmem>>) target_semaphore(%run_scoped3A : memref<!tpu.dma_semaphore, #tpu.memory_space<semaphore_mem>>)
      %dma_wait3A = arith.constant 0 : i32
      %dma_wait3A_29 = arith.constant 0 : i32
      %dma_wait3A_30 = tpu.memref_slice %arg3[%add3A, %dma_wait3A, %dma_wait3A_29] : memref<32x40x128xi32, #tpu.memory_space<hbm>> -> memref<1x40x128xi32, #tpu.memory_space<hbm>>
      %dma_wait3A_31 = tpu.memref_squeeze %dma_wait3A_30 : memref<1x40x128xi32, #tpu.memory_space<hbm>> -> memref<40x128xi32, #tpu.memory_space<hbm>>
      %dma_wait3A_32 = arith.constant 0 : i32
      %dma_wait3A_33 = arith.constant 0 : i32
      %dma_wait3A_34 = tpu.memref_slice %arg3[%add3A, %dma_wait3A_32, %dma_wait3A_33] : memref<32x40x128xi32, #tpu.memory_space<hbm>> -> memref<1x40x128xi32, #tpu.memory_space<hbm>>
      %dma_wait3A_35 = tpu.memref_squeeze %dma_wait3A_34 : memref<1x40x128xi32, #tpu.memory_space<hbm>> -> memref<40x128xi32, #tpu.memory_space<hbm>>
      tpu.wait_dma2 semaphore(%run_scoped3A : memref<!tpu.dma_semaphore, #tpu.memory_space<semaphore_mem>>) src(%dma_wait3A_35 : memref<40x128xi32, #tpu.memory_space<hbm>>) dst(%arg5 : memref<40x128xi32, #tpu.memory_space<vmem>>)
      tpu.yield
    }) : () -> ()
    %add3A_3 = arith.constant 0 : i32
    %add3A_4 = arith.addi %mul3A_2, %add3A_3 : i32
    %lt3A = arith.constant 1250 : i32
    %lt3A_5 = arith.cmpi slt, %add3A_4, %lt3A : i32
    %and3A = arith.constant true
    %and3A_6 = arith.andi %and3A, %lt3A_5 : i1
    %convert_element_type3A = arith.extui %and3A_6 : i1 to i32
    %cond3A = arith.constant 0 : i32
    %cond3A_7 = arith.cmpi ne, %convert_element_type3A, %cond3A : i32
    scf.if %cond3A_7 {
      %dma_start3A = arith.constant 0 : i32
      %dma_start3A_22 = arith.constant 0 : i32
      %dma_start3A_23 = tpu.memref_slice %arg5[%dma_start3A, %dma_start3A_22] : memref<40x128xi32, #tpu.memory_space<vmem>> -> memref<1x128xi32, #tpu.memory_space<vmem>>
      %dma_start3A_24 = tpu.memref_squeeze %dma_start3A_23 : memref<1x128xi32, #tpu.memory_space<vmem>> -> memref<128xi32, #tpu.memory_space<vmem>>
      %dma_start3A_25 = arith.constant 0 : i32
      %dma_start3A_26 = arith.constant 0 : i32
      %dma_start3A_27 = tpu.memref_slice %arg2[%dma_start3A_25, %dma_start3A_26] : memref<10000x32xf32, #tpu.memory_space<hbm>> -> memref<10000x32xf32, #tpu.memory_space<hbm>>
      tpu.enqueue_indirect_dma source(%dma_start3A_27 : memref<10000x32xf32, #tpu.memory_space<hbm>>) target(%arg6 : memref<128x32xf32, #tpu.memory_space<vmem>>) offsets(%dma_start3A_24 : memref<128xi32, #tpu.memory_space<vmem>>) semaphore(%arg9 : memref<!tpu.dma_semaphore, #tpu.memory_space<semaphore_mem>>)
    } else {
    }
    %add3A_8 = arith.constant 1 : i32
    %add3A_9 = arith.addi %mul3A_2, %add3A_8 : i32
    %lt3A_10 = arith.constant 1250 : i32
    %lt3A_11 = arith.cmpi slt, %add3A_9, %lt3A_10 : i32
    %and3A_12 = arith.constant true
    %and3A_13 = arith.andi %and3A_12, %lt3A_11 : i1
    %convert_element_type3A_14 = arith.extui %and3A_13 : i1 to i32
    %cond3A_15 = arith.constant 0 : i32
    %cond3A_16 = arith.cmpi ne, %convert_element_type3A_14, %cond3A_15 : i32
    scf.if %cond3A_16 {
      %dma_start3A = arith.constant 1 : i32
      %dma_start3A_22 = arith.constant 0 : i32
      %dma_start3A_23 = tpu.memref_slice %arg5[%dma_start3A, %dma_start3A_22] : memref<40x128xi32, #tpu.memory_space<vmem>> -> memref<1x128xi32, #tpu.memory_space<vmem>>
      %dma_start3A_24 = tpu.memref_squeeze %dma_start3A_23 : memref<1x128xi32, #tpu.memory_space<vmem>> -> memref<128xi32, #tpu.memory_space<vmem>>
      %dma_start3A_25 = arith.constant 0 : i32
      %dma_start3A_26 = arith.constant 0 : i32
      %dma_start3A_27 = tpu.memref_slice %arg2[%dma_start3A_25, %dma_start3A_26] : memref<10000x32xf32, #tpu.memory_space<hbm>> -> memref<10000x32xf32, #tpu.memory_space<hbm>>
      tpu.enqueue_indirect_dma source(%dma_start3A_27 : memref<10000x32xf32, #tpu.memory_space<hbm>>) target(%arg7 : memref<128x32xf32, #tpu.memory_space<vmem>>) offsets(%dma_start3A_24 : memref<128xi32, #tpu.memory_space<vmem>>) semaphore(%arg10 : memref<!tpu.dma_semaphore, #tpu.memory_space<semaphore_mem>>)
    } else {
    }
    %scan3A = arith.constant 0 : i32
    %scan3A_17 = arith.constant 0 : i32
    %scan3A_18 = arith.constant 14 : i32
    %scan3A_19 = arith.addi %scan3A_17, %scan3A_18 : i32
    %scan3A_20 = arith.constant 1 : i32
    scf.for %scan3A_22 = %scan3A_17 to %scan3A_19 step %scan3A_20  : i32 {
      %mul3A_23 = arith.constant 3 : i32
      %mul3A_24 = arith.muli %mul3A_23, %scan3A_22 : i32
      %add3A_25 = arith.constant 0 : i32
      %add3A_26 = arith.addi %mul3A_24, %add3A_25 : i32
      %ge3A = arith.constant 0 : i32
      %ge3A_27 = arith.cmpi sge, %add3A_26, %ge3A : i32
      %lt3A_28 = arith.constant 40 : i32
      %lt3A_29 = arith.cmpi slt, %add3A_26, %lt3A_28 : i32
      %and3A_30 = arith.andi %ge3A_27, %lt3A_29 : i1
      %add3A_31 = arith.addi %mul3A_2, %add3A_26 : i32
      %lt3A_32 = arith.constant 1250 : i32
      %lt3A_33 = arith.cmpi slt, %add3A_31, %lt3A_32 : i32
      %and3A_34 = arith.andi %and3A_30, %lt3A_33 : i1
      %convert_element_type3A_35 = arith.extui %and3A_34 : i1 to i32
      %cond3A_36 = arith.constant 0 : i32
      %cond3A_37 = arith.cmpi ne, %convert_element_type3A_35, %cond3A_36 : i32
      scf.if %cond3A_37 {
        %dma_wait3A = arith.constant 0 : i32
        %dma_wait3A_159 = tpu.memref_slice %arg5[%add3A_26, %dma_wait3A] : memref<40x128xi32, #tpu.memory_space<vmem>> -> memref<1x128xi32, #tpu.memory_space<vmem>>
        %dma_wait3A_160 = tpu.memref_squeeze %dma_wait3A_159 : memref<1x128xi32, #tpu.memory_space<vmem>> -> memref<128xi32, #tpu.memory_space<vmem>>
        %dma_wait3A_161 = arith.constant 0 : i32
        %dma_wait3A_162 = arith.constant 0 : i32
        %dma_wait3A_163 = tpu.memref_slice %arg2[%dma_wait3A_161, %dma_wait3A_162] : memref<10000x32xf32, #tpu.memory_space<hbm>> -> memref<10000x32xf32, #tpu.memory_space<hbm>>
        tpu.wait_indirect_dma semaphore(%arg9 : memref<!tpu.dma_semaphore, #tpu.memory_space<semaphore_mem>>) src(%dma_wait3A_163 : memref<10000x32xf32, #tpu.memory_space<hbm>>) dst(%arg6 : memref<128x32xf32, #tpu.memory_space<vmem>>)
        %add3A_164 = arith.addi %mul3A_2, %add3A_26 : i32
        %mul3A_165 = arith.constant 128 : i32
        %mul3A_166 = arith.muli %add3A_164, %mul3A_165 : i32
        %dma_start3A = arith.constant 0 : i32
        %dma_start3A_167 = tpu.memref_slice %arg4[%mul3A_166, %dma_start3A] : memref<160000x32xf32, #tpu.memory_space<hbm>> -> memref<128x32xf32, #tpu.memory_space<hbm>>
        %dma_start3A_168 = arith.constant 0 : i32
        %dma_start3A_169 = tpu.memref_slice %arg4[%mul3A_166, %dma_start3A_168] : memref<160000x32xf32, #tpu.memory_space<hbm>> -> memref<128x32xf32, #tpu.memory_space<hbm>>
        tpu.enqueue_dma source(%arg6 : memref<128x32xf32, #tpu.memory_space<vmem>>) target(%dma_start3A_169 : memref<128x32xf32, #tpu.memory_space<hbm>>) target_semaphore(%arg12 : memref<!tpu.dma_semaphore, #tpu.memory_space<semaphore_mem>>)
      } else {
      }
      %sub3A = arith.constant 1 : i32
      %sub3A_38 = arith.subi %add3A_26, %sub3A : i32
      %ge3A_39 = arith.constant 0 : i32
      %ge3A_40 = arith.cmpi sge, %sub3A_38, %ge3A_39 : i32
      %lt3A_41 = arith.constant 40 : i32
      %lt3A_42 = arith.cmpi slt, %sub3A_38, %lt3A_41 : i32
      %and3A_43 = arith.andi %ge3A_40, %lt3A_42 : i1
      %add3A_44 = arith.addi %mul3A_2, %sub3A_38 : i32
      %lt3A_45 = arith.constant 1250 : i32
      %lt3A_46 = arith.cmpi slt, %add3A_44, %lt3A_45 : i32
      %and3A_47 = arith.andi %and3A_43, %lt3A_46 : i1
      %convert_element_type3A_48 = arith.extui %and3A_47 : i1 to i32
      %cond3A_49 = arith.constant 0 : i32
      %cond3A_50 = arith.cmpi ne, %convert_element_type3A_48, %cond3A_49 : i32
      scf.if %cond3A_50 {
        %add3A_159 = arith.addi %mul3A_2, %sub3A_38 : i32
        %mul3A_160 = arith.constant 128 : i32
        %mul3A_161 = arith.muli %add3A_159, %mul3A_160 : i32
        %dma_wait3A = arith.constant 0 : i32
        %dma_wait3A_162 = tpu.memref_slice %arg4[%mul3A_161, %dma_wait3A] : memref<160000x32xf32, #tpu.memory_space<hbm>> -> memref<128x32xf32, #tpu.memory_space<hbm>>
        %dma_wait3A_163 = arith.constant 0 : i32
        %dma_wait3A_164 = tpu.memref_slice %arg4[%mul3A_161, %dma_wait3A_163] : memref<160000x32xf32, #tpu.memory_space<hbm>> -> memref<128x32xf32, #tpu.memory_space<hbm>>
        tpu.wait_dma2 semaphore(%arg14 : memref<!tpu.dma_semaphore, #tpu.memory_space<semaphore_mem>>) src(%arg8 : memref<128x32xf32, #tpu.memory_space<vmem>>) dst(%dma_wait3A_164 : memref<128x32xf32, #tpu.memory_space<hbm>>)
      } else {
      }
      %add3A_51 = arith.constant 3 : i32
      %add3A_52 = arith.addi %add3A_26, %add3A_51 : i32
      %sub3A_53 = arith.constant 1 : i32
      %sub3A_54 = arith.subi %add3A_52, %sub3A_53 : i32
      %ge3A_55 = arith.constant 0 : i32
      %ge3A_56 = arith.cmpi sge, %sub3A_54, %ge3A_55 : i32
      %lt3A_57 = arith.constant 40 : i32
      %lt3A_58 = arith.cmpi slt, %sub3A_54, %lt3A_57 : i32
      %and3A_59 = arith.andi %ge3A_56, %lt3A_58 : i1
      %add3A_60 = arith.addi %mul3A_2, %sub3A_54 : i32
      %lt3A_61 = arith.constant 1250 : i32
      %lt3A_62 = arith.cmpi slt, %add3A_60, %lt3A_61 : i32
      %and3A_63 = arith.andi %and3A_59, %lt3A_62 : i1
      %convert_element_type3A_64 = arith.extui %and3A_63 : i1 to i32
      %cond3A_65 = arith.constant 0 : i32
      %cond3A_66 = arith.cmpi ne, %convert_element_type3A_64, %cond3A_65 : i32
      scf.if %cond3A_66 {
        %dma_start3A = arith.constant 0 : i32
        %dma_start3A_159 = tpu.memref_slice %arg5[%sub3A_54, %dma_start3A] : memref<40x128xi32, #tpu.memory_space<vmem>> -> memref<1x128xi32, #tpu.memory_space<vmem>>
        %dma_start3A_160 = tpu.memref_squeeze %dma_start3A_159 : memref<1x128xi32, #tpu.memory_space<vmem>> -> memref<128xi32, #tpu.memory_space<vmem>>
        %dma_start3A_161 = arith.constant 0 : i32
        %dma_start3A_162 = arith.constant 0 : i32
        %dma_start3A_163 = tpu.memref_slice %arg2[%dma_start3A_161, %dma_start3A_162] : memref<10000x32xf32, #tpu.memory_space<hbm>> -> memref<10000x32xf32, #tpu.memory_space<hbm>>
        tpu.enqueue_indirect_dma source(%dma_start3A_163 : memref<10000x32xf32, #tpu.memory_space<hbm>>) target(%arg8 : memref<128x32xf32, #tpu.memory_space<vmem>>) offsets(%dma_start3A_160 : memref<128xi32, #tpu.memory_space<vmem>>) semaphore(%arg11 : memref<!tpu.dma_semaphore, #tpu.memory_space<semaphore_mem>>)
      } else {
      }
      %mul3A_67 = arith.constant 3 : i32
      %mul3A_68 = arith.muli %mul3A_67, %scan3A_22 : i32
      %add3A_69 = arith.constant 1 : i32
      %add3A_70 = arith.addi %mul3A_68, %add3A_69 : i32
      %ge3A_71 = arith.constant 0 : i32
      %ge3A_72 = arith.cmpi sge, %add3A_70, %ge3A_71 : i32
      %lt3A_73 = arith.constant 40 : i32
      %lt3A_74 = arith.cmpi slt, %add3A_70, %lt3A_73 : i32
      %and3A_75 = arith.andi %ge3A_72, %lt3A_74 : i1
      %add3A_76 = arith.addi %mul3A_2, %add3A_70 : i32
      %lt3A_77 = arith.constant 1250 : i32
      %lt3A_78 = arith.cmpi slt, %add3A_76, %lt3A_77 : i32
      %and3A_79 = arith.andi %and3A_75, %lt3A_78 : i1
      %convert_element_type3A_80 = arith.extui %and3A_79 : i1 to i32
      %cond3A_81 = arith.constant 0 : i32
      %cond3A_82 = arith.cmpi ne, %convert_element_type3A_80, %cond3A_81 : i32
      scf.if %cond3A_82 {
        %dma_wait3A = arith.constant 0 : i32
        %dma_wait3A_159 = tpu.memref_slice %arg5[%add3A_70, %dma_wait3A] : memref<40x128xi32, #tpu.memory_space<vmem>> -> memref<1x128xi32, #tpu.memory_space<vmem>>
        %dma_wait3A_160 = tpu.memref_squeeze %dma_wait3A_159 : memref<1x128xi32, #tpu.memory_space<vmem>> -> memref<128xi32, #tpu.memory_space<vmem>>
        %dma_wait3A_161 = arith.constant 0 : i32
        %dma_wait3A_162 = arith.constant 0 : i32
        %dma_wait3A_163 = tpu.memref_slice %arg2[%dma_wait3A_161, %dma_wait3A_162] : memref<10000x32xf32, #tpu.memory_space<hbm>> -> memref<10000x32xf32, #tpu.memory_space<hbm>>
        tpu.wait_indirect_dma semaphore(%arg10 : memref<!tpu.dma_semaphore, #tpu.memory_space<semaphore_mem>>) src(%dma_wait3A_163 : memref<10000x32xf32, #tpu.memory_space<hbm>>) dst(%arg7 : memref<128x32xf32, #tpu.memory_space<vmem>>)
        %add3A_164 = arith.addi %mul3A_2, %add3A_70 : i32
        %mul3A_165 = arith.constant 128 : i32
        %mul3A_166 = arith.muli %add3A_164, %mul3A_165 : i32
        %dma_start3A = arith.constant 0 : i32
        %dma_start3A_167 = tpu.memref_slice %arg4[%mul3A_166, %dma_start3A] : memref<160000x32xf32, #tpu.memory_space<hbm>> -> memref<128x32xf32, #tpu.memory_space<hbm>>
        %dma_start3A_168 = arith.constant 0 : i32
        %dma_start3A_169 = tpu.memref_slice %arg4[%mul3A_166, %dma_start3A_168] : memref<160000x32xf32, #tpu.memory_space<hbm>> -> memref<128x32xf32, #tpu.memory_space<hbm>>
        tpu.enqueue_dma source(%arg7 : memref<128x32xf32, #tpu.memory_space<vmem>>) target(%dma_start3A_169 : memref<128x32xf32, #tpu.memory_space<hbm>>) target_semaphore(%arg13 : memref<!tpu.dma_semaphore, #tpu.memory_space<semaphore_mem>>)
      } else {
      }
      %sub3A_83 = arith.constant 1 : i32
      %sub3A_84 = arith.subi %add3A_70, %sub3A_83 : i32
      %ge3A_85 = arith.constant 0 : i32
      %ge3A_86 = arith.cmpi sge, %sub3A_84, %ge3A_85 : i32
      %lt3A_87 = arith.constant 40 : i32
      %lt3A_88 = arith.cmpi slt, %sub3A_84, %lt3A_87 : i32
      %and3A_89 = arith.andi %ge3A_86, %lt3A_88 : i1
      %add3A_90 = arith.addi %mul3A_2, %sub3A_84 : i32
      %lt3A_91 = arith.constant 1250 : i32
      %lt3A_92 = arith.cmpi slt, %add3A_90, %lt3A_91 : i32
      %and3A_93 = arith.andi %and3A_89, %lt3A_92 : i1
      %convert_element_type3A_94 = arith.extui %and3A_93 : i1 to i32
      %cond3A_95 = arith.constant 0 : i32
      %cond3A_96 = arith.cmpi ne, %convert_element_type3A_94, %cond3A_95 : i32
      scf.if %cond3A_96 {
        %add3A_159 = arith.addi %mul3A_2, %sub3A_84 : i32
        %mul3A_160 = arith.constant 128 : i32
        %mul3A_161 = arith.muli %add3A_159, %mul3A_160 : i32
        %dma_wait3A = arith.constant 0 : i32
        %dma_wait3A_162 = tpu.memref_slice %arg4[%mul3A_161, %dma_wait3A] : memref<160000x32xf32, #tpu.memory_space<hbm>> -> memref<128x32xf32, #tpu.memory_space<hbm>>
        %dma_wait3A_163 = arith.constant 0 : i32
        %dma_wait3A_164 = tpu.memref_slice %arg4[%mul3A_161, %dma_wait3A_163] : memref<160000x32xf32, #tpu.memory_space<hbm>> -> memref<128x32xf32, #tpu.memory_space<hbm>>
        tpu.wait_dma2 semaphore(%arg12 : memref<!tpu.dma_semaphore, #tpu.memory_space<semaphore_mem>>) src(%arg6 : memref<128x32xf32, #tpu.memory_space<vmem>>) dst(%dma_wait3A_164 : memref<128x32xf32, #tpu.memory_space<hbm>>)
      } else {
      }
      %add3A_97 = arith.constant 3 : i32
      %add3A_98 = arith.addi %add3A_70, %add3A_97 : i32
      %sub3A_99 = arith.constant 1 : i32
      %sub3A_100 = arith.subi %add3A_98, %sub3A_99 : i32
      %ge3A_101 = arith.constant 0 : i32
      %ge3A_102 = arith.cmpi sge, %sub3A_100, %ge3A_101 : i32
      %lt3A_103 = arith.constant 40 : i32
      %lt3A_104 = arith.cmpi slt, %sub3A_100, %lt3A_103 : i32
      %and3A_105 = arith.andi %ge3A_102, %lt3A_104 : i1
      %add3A_106 = arith.addi %mul3A_2, %sub3A_100 : i32
      %lt3A_107 = arith.constant 1250 : i32
      %lt3A_108 = arith.cmpi slt, %add3A_106, %lt3A_107 : i32
      %and3A_109 = arith.andi %and3A_105, %lt3A_108 : i1
      %convert_element_type3A_110 = arith.extui %and3A_109 : i1 to i32
      %cond3A_111 = arith.constant 0 : i32
      %cond3A_112 = arith.cmpi ne, %convert_element_type3A_110, %cond3A_111 : i32
      scf.if %cond3A_112 {
        %dma_start3A = arith.constant 0 : i32
        %dma_start3A_159 = tpu.memref_slice %arg5[%sub3A_100, %dma_start3A] : memref<40x128xi32, #tpu.memory_space<vmem>> -> memref<1x128xi32, #tpu.memory_space<vmem>>
        %dma_start3A_160 = tpu.memref_squeeze %dma_start3A_159 : memref<1x128xi32, #tpu.memory_space<vmem>> -> memref<128xi32, #tpu.memory_space<vmem>>
        %dma_start3A_161 = arith.constant 0 : i32
        %dma_start3A_162 = arith.constant 0 : i32
        %dma_start3A_163 = tpu.memref_slice %arg2[%dma_start3A_161, %dma_start3A_162] : memref<10000x32xf32, #tpu.memory_space<hbm>> -> memref<10000x32xf32, #tpu.memory_space<hbm>>
        tpu.enqueue_indirect_dma source(%dma_start3A_163 : memref<10000x32xf32, #tpu.memory_space<hbm>>) target(%arg6 : memref<128x32xf32, #tpu.memory_space<vmem>>) offsets(%dma_start3A_160 : memref<128xi32, #tpu.memory_space<vmem>>) semaphore(%arg9 : memref<!tpu.dma_semaphore, #tpu.memory_space<semaphore_mem>>)
      } else {
      }
      %mul3A_113 = arith.constant 3 : i32
      %mul3A_114 = arith.muli %mul3A_113, %scan3A_22 : i32
      %add3A_115 = arith.constant 2 : i32
      %add3A_116 = arith.addi %mul3A_114, %add3A_115 : i32
      %ge3A_117 = arith.constant 0 : i32
      %ge3A_118 = arith.cmpi sge, %add3A_116, %ge3A_117 : i32
      %lt3A_119 = arith.constant 40 : i32
      %lt3A_120 = arith.cmpi slt, %add3A_116, %lt3A_119 : i32
      %and3A_121 = arith.andi %ge3A_118, %lt3A_120 : i1
      %add3A_122 = arith.addi %mul3A_2, %add3A_116 : i32
      %lt3A_123 = arith.constant 1250 : i32
      %lt3A_124 = arith.cmpi slt, %add3A_122, %lt3A_123 : i32
      %and3A_125 = arith.andi %and3A_121, %lt3A_124 : i1
      %convert_element_type3A_126 = arith.extui %and3A_125 : i1 to i32
      %cond3A_127 = arith.constant 0 : i32
      %cond3A_128 = arith.cmpi ne, %convert_element_type3A_126, %cond3A_127 : i32
      scf.if %cond3A_128 {
        %dma_wait3A = arith.constant 0 : i32
        %dma_wait3A_159 = tpu.memref_slice %arg5[%add3A_116, %dma_wait3A] : memref<40x128xi32, #tpu.memory_space<vmem>> -> memref<1x128xi32, #tpu.memory_space<vmem>>
        %dma_wait3A_160 = tpu.memref_squeeze %dma_wait3A_159 : memref<1x128xi32, #tpu.memory_space<vmem>> -> memref<128xi32, #tpu.memory_space<vmem>>
        %dma_wait3A_161 = arith.constant 0 : i32
        %dma_wait3A_162 = arith.constant 0 : i32
        %dma_wait3A_163 = tpu.memref_slice %arg2[%dma_wait3A_161, %dma_wait3A_162] : memref<10000x32xf32, #tpu.memory_space<hbm>> -> memref<10000x32xf32, #tpu.memory_space<hbm>>
        tpu.wait_indirect_dma semaphore(%arg11 : memref<!tpu.dma_semaphore, #tpu.memory_space<semaphore_mem>>) src(%dma_wait3A_163 : memref<10000x32xf32, #tpu.memory_space<hbm>>) dst(%arg8 : memref<128x32xf32, #tpu.memory_space<vmem>>)
        %add3A_164 = arith.addi %mul3A_2, %add3A_116 : i32
        %mul3A_165 = arith.constant 128 : i32
        %mul3A_166 = arith.muli %add3A_164, %mul3A_165 : i32
        %dma_start3A = arith.constant 0 : i32
        %dma_start3A_167 = tpu.memref_slice %arg4[%mul3A_166, %dma_start3A] : memref<160000x32xf32, #tpu.memory_space<hbm>> -> memref<128x32xf32, #tpu.memory_space<hbm>>
        %dma_start3A_168 = arith.constant 0 : i32
        %dma_start3A_169 = tpu.memref_slice %arg4[%mul3A_166, %dma_start3A_168] : memref<160000x32xf32, #tpu.memory_space<hbm>> -> memref<128x32xf32, #tpu.memory_space<hbm>>
        tpu.enqueue_dma source(%arg8 : memref<128x32xf32, #tpu.memory_space<vmem>>) target(%dma_start3A_169 : memref<128x32xf32, #tpu.memory_space<hbm>>) target_semaphore(%arg14 : memref<!tpu.dma_semaphore, #tpu.memory_space<semaphore_mem>>)
      } else {
      }
      %sub3A_129 = arith.constant 1 : i32
      %sub3A_130 = arith.subi %add3A_116, %sub3A_129 : i32
      %ge3A_131 = arith.constant 0 : i32
      %ge3A_132 = arith.cmpi sge, %sub3A_130, %ge3A_131 : i32
      %lt3A_133 = arith.constant 40 : i32
      %lt3A_134 = arith.cmpi slt, %sub3A_130, %lt3A_133 : i32
      %and3A_135 = arith.andi %ge3A_132, %lt3A_134 : i1
      %add3A_136 = arith.addi %mul3A_2, %sub3A_130 : i32
      %lt3A_137 = arith.constant 1250 : i32
      %lt3A_138 = arith.cmpi slt, %add3A_136, %lt3A_137 : i32
      %and3A_139 = arith.andi %and3A_135, %lt3A_138 : i1
      %convert_element_type3A_140 = arith.extui %and3A_139 : i1 to i32
      %cond3A_141 = arith.constant 0 : i32
      %cond3A_142 = arith.cmpi ne, %convert_element_type3A_140, %cond3A_141 : i32
      scf.if %cond3A_142 {
        %add3A_159 = arith.addi %mul3A_2, %sub3A_130 : i32
        %mul3A_160 = arith.constant 128 : i32
        %mul3A_161 = arith.muli %add3A_159, %mul3A_160 : i32
        %dma_wait3A = arith.constant 0 : i32
        %dma_wait3A_162 = tpu.memref_slice %arg4[%mul3A_161, %dma_wait3A] : memref<160000x32xf32, #tpu.memory_space<hbm>> -> memref<128x32xf32, #tpu.memory_space<hbm>>
        %dma_wait3A_163 = arith.constant 0 : i32
        %dma_wait3A_164 = tpu.memref_slice %arg4[%mul3A_161, %dma_wait3A_163] : memref<160000x32xf32, #tpu.memory_space<hbm>> -> memref<128x32xf32, #tpu.memory_space<hbm>>
        tpu.wait_dma2 semaphore(%arg13 : memref<!tpu.dma_semaphore, #tpu.memory_space<semaphore_mem>>) src(%arg7 : memref<128x32xf32, #tpu.memory_space<vmem>>) dst(%dma_wait3A_164 : memref<128x32xf32, #tpu.memory_space<hbm>>)
      } else {
      }
      %add3A_143 = arith.constant 3 : i32
      %add3A_144 = arith.addi %add3A_116, %add3A_143 : i32
      %sub3A_145 = arith.constant 1 : i32
      %sub3A_146 = arith.subi %add3A_144, %sub3A_145 : i32
      %ge3A_147 = arith.constant 0 : i32
      %ge3A_148 = arith.cmpi sge, %sub3A_146, %ge3A_147 : i32
      %lt3A_149 = arith.constant 40 : i32
      %lt3A_150 = arith.cmpi slt, %sub3A_146, %lt3A_149 : i32
      %and3A_151 = arith.andi %ge3A_148, %lt3A_150 : i1
      %add3A_152 = arith.addi %mul3A_2, %sub3A_146 : i32
      %lt3A_153 = arith.constant 1250 : i32
      %lt3A_154 = arith.cmpi slt, %add3A_152, %lt3A_153 : i32
      %and3A_155 = arith.andi %and3A_151, %lt3A_154 : i1
      %convert_element_type3A_156 = arith.extui %and3A_155 : i1 to i32
      %cond3A_157 = arith.constant 0 : i32
      %cond3A_158 = arith.cmpi ne, %convert_element_type3A_156, %cond3A_157 : i32
      scf.if %cond3A_158 {
        %dma_start3A = arith.constant 0 : i32
        %dma_start3A_159 = tpu.memref_slice %arg5[%sub3A_146, %dma_start3A] : memref<40x128xi32, #tpu.memory_space<vmem>> -> memref<1x128xi32, #tpu.memory_space<vmem>>
        %dma_start3A_160 = tpu.memref_squeeze %dma_start3A_159 : memref<1x128xi32, #tpu.memory_space<vmem>> -> memref<128xi32, #tpu.memory_space<vmem>>
        %dma_start3A_161 = arith.constant 0 : i32
        %dma_start3A_162 = arith.constant 0 : i32
        %dma_start3A_163 = tpu.memref_slice %arg2[%dma_start3A_161, %dma_start3A_162] : memref<10000x32xf32, #tpu.memory_space<hbm>> -> memref<10000x32xf32, #tpu.memory_space<hbm>>
        tpu.enqueue_indirect_dma source(%dma_start3A_163 : memref<10000x32xf32, #tpu.memory_space<hbm>>) target(%arg7 : memref<128x32xf32, #tpu.memory_space<vmem>>) offsets(%dma_start3A_160 : memref<128xi32, #tpu.memory_space<vmem>>) semaphore(%arg10 : memref<!tpu.dma_semaphore, #tpu.memory_space<semaphore_mem>>)
      } else {
      }
    }
    %scan3A_21 = arith.constant 14 : i32
    return
  }
}

#map = affine_map<(d0, d1) -> (0, 0)>
#map1 = affine_map<(d0, d1) -> (0, 0, 0)>
module attributes {stable_mosaic.version = 14 : i64} {
  func.func @body(%arg0: i32, %arg1: i32, %arg2: memref<160000x32xf32, #tpu.memory_space<hbm>>, %arg3: memref<32x40x128xi32, #tpu.memory_space<hbm>>, %arg4: memref<10000x32xf32, #tpu.memory_space<hbm>>, %arg5: memref<2x10000x32xf32, #tpu.memory_space<hbm>>, %arg6: memref<40x128xi32, #tpu.memory_space<vmem>>, %arg7: memref<128x32xf32, #tpu.memory_space<vmem>>, %arg8: memref<128x32xf32, #tpu.memory_space<vmem>>, %arg9: memref<128x32xf32, #tpu.memory_space<vmem>>, %arg10: memref<!tpu.dma_semaphore, #tpu.memory_space<semaphore_mem>>, %arg11: memref<!tpu.dma_semaphore, #tpu.memory_space<semaphore_mem>>, %arg12: memref<!tpu.dma_semaphore, #tpu.memory_space<semaphore_mem>>, %arg13: memref<!tpu.dma_semaphore, #tpu.memory_space<semaphore_mem>>, %arg14: memref<!tpu.dma_semaphore, #tpu.memory_space<semaphore_mem>>, %arg15: memref<!tpu.dma_semaphore, #tpu.memory_space<semaphore_mem>>, %arg16: memref<10000x32xf32, #tpu.memory_space<vmem_shared>>) attributes {dimension_semantics = [#tpu.dimension_semantics<core_parallel>, #tpu.dimension_semantics<subcore_parallel>], iteration_bounds = array<i64: 2, 16>, scalar_prefetch = 0 : i64, scratch_operands = 11 : i64, tpu.core_type = #tpu.core_type<sc_vector_subcore>, window_params = [{transform_indices = #map}, {transform_indices = #map1}, {transform_indices = #map}, {transform_indices = #map1}]} {
    %mul3A = arith.constant 2 : i32
    %mul3A_0 = arith.muli %arg1, %mul3A : i32
    %add3A = arith.addi %mul3A_0, %arg0 : i32
    %mul3A_1 = arith.constant 40 : i32
    %mul3A_2 = arith.muli %add3A, %mul3A_1 : i32
    %mul3A_3 = arith.constant 625 : i32
    %mul3A_4 = arith.muli %arg1, %mul3A_3 : i32
    "tpu.region"() ({
      %run_scoped3A = tpu.sem_alloc : memref<!tpu.dma_semaphore, #tpu.memory_space<semaphore_mem>>
      %dma_start3A = arith.constant 0 : i32
      %dma_start3A_25 = arith.constant 0 : i32
      %dma_start3A_26 = tpu.memref_slice %arg3[%add3A, %dma_start3A, %dma_start3A_25] : memref<32x40x128xi32, #tpu.memory_space<hbm>> -> memref<1x40x128xi32, #tpu.memory_space<hbm>>
      %dma_start3A_27 = tpu.memref_squeeze %dma_start3A_26 : memref<1x40x128xi32, #tpu.memory_space<hbm>> -> memref<40x128xi32, #tpu.memory_space<hbm>>
      %dma_start3A_28 = arith.constant 0 : i32
      %dma_start3A_29 = arith.constant 0 : i32
      %dma_start3A_30 = tpu.memref_slice %arg3[%add3A, %dma_start3A_28, %dma_start3A_29] : memref<32x40x128xi32, #tpu.memory_space<hbm>> -> memref<1x40x128xi32, #tpu.memory_space<hbm>>
      %dma_start3A_31 = tpu.memref_squeeze %dma_start3A_30 : memref<1x40x128xi32, #tpu.memory_space<hbm>> -> memref<40x128xi32, #tpu.memory_space<hbm>>
      tpu.enqueue_dma source(%dma_start3A_31 : memref<40x128xi32, #tpu.memory_space<hbm>>) target(%arg6 : memref<40x128xi32, #tpu.memory_space<vmem>>) target_semaphore(%run_scoped3A : memref<!tpu.dma_semaphore, #tpu.memory_space<semaphore_mem>>)
      %dma_wait3A = arith.constant 0 : i32
      %dma_wait3A_32 = arith.constant 0 : i32
      %dma_wait3A_33 = tpu.memref_slice %arg3[%add3A, %dma_wait3A, %dma_wait3A_32] : memref<32x40x128xi32, #tpu.memory_space<hbm>> -> memref<1x40x128xi32, #tpu.memory_space<hbm>>
      %dma_wait3A_34 = tpu.memref_squeeze %dma_wait3A_33 : memref<1x40x128xi32, #tpu.memory_space<hbm>> -> memref<40x128xi32, #tpu.memory_space<hbm>>
      %dma_wait3A_35 = arith.constant 0 : i32
      %dma_wait3A_36 = arith.constant 0 : i32
      %dma_wait3A_37 = tpu.memref_slice %arg3[%add3A, %dma_wait3A_35, %dma_wait3A_36] : memref<32x40x128xi32, #tpu.memory_space<hbm>> -> memref<1x40x128xi32, #tpu.memory_space<hbm>>
      %dma_wait3A_38 = tpu.memref_squeeze %dma_wait3A_37 : memref<1x40x128xi32, #tpu.memory_space<hbm>> -> memref<40x128xi32, #tpu.memory_space<hbm>>
      tpu.wait_dma2 semaphore(%run_scoped3A : memref<!tpu.dma_semaphore, #tpu.memory_space<semaphore_mem>>) src(%dma_wait3A_38 : memref<40x128xi32, #tpu.memory_space<hbm>>) dst(%arg6 : memref<40x128xi32, #tpu.memory_space<vmem>>)
      tpu.yield
    }) : () -> ()
    "tpu.region"() ({
      %run_scoped3A = tpu.sem_alloc : memref<!tpu.dma_semaphore, #tpu.memory_space<semaphore_mem>>
      %dma_start3A = arith.constant 0 : i32
      %dma_start3A_25 = tpu.memref_slice %arg16[%mul3A_4, %dma_start3A] : memref<10000x32xf32, #tpu.memory_space<vmem_shared>> -> memref<625x32xf32, #tpu.memory_space<vmem_shared>>
      %dma_start3A_26 = arith.constant 0 : i32
      %dma_start3A_27 = tpu.memref_slice %arg4[%mul3A_4, %dma_start3A_26] : memref<10000x32xf32, #tpu.memory_space<hbm>> -> memref<625x32xf32, #tpu.memory_space<hbm>>
      tpu.enqueue_dma source(%dma_start3A_27 : memref<625x32xf32, #tpu.memory_space<hbm>>) target(%dma_start3A_25 : memref<625x32xf32, #tpu.memory_space<vmem_shared>>) target_semaphore(%run_scoped3A : memref<!tpu.dma_semaphore, #tpu.memory_space<semaphore_mem>>)
      %dma_wait3A = arith.constant 0 : i32
      %dma_wait3A_28 = tpu.memref_slice %arg16[%mul3A_4, %dma_wait3A] : memref<10000x32xf32, #tpu.memory_space<vmem_shared>> -> memref<625x32xf32, #tpu.memory_space<vmem_shared>>
      %dma_wait3A_29 = arith.constant 0 : i32
      %dma_wait3A_30 = tpu.memref_slice %arg4[%mul3A_4, %dma_wait3A_29] : memref<10000x32xf32, #tpu.memory_space<hbm>> -> memref<625x32xf32, #tpu.memory_space<hbm>>
      tpu.wait_dma2 semaphore(%run_scoped3A : memref<!tpu.dma_semaphore, #tpu.memory_space<semaphore_mem>>) src(%dma_wait3A_30 : memref<625x32xf32, #tpu.memory_space<hbm>>) dst(%dma_wait3A_28 : memref<625x32xf32, #tpu.memory_space<vmem_shared>>)
      tpu.yield
    }) : () -> ()
    %barrier3A = arith.constant 0 : index
    tpu.barrier barrier_id(%barrier3A)
    %add3A_5 = arith.constant 0 : i32
    %add3A_6 = arith.addi %mul3A_2, %add3A_5 : i32
    %lt3A = arith.constant 1250 : i32
    %lt3A_7 = arith.cmpi slt, %add3A_6, %lt3A : i32
    %and3A = arith.constant true
    %and3A_8 = arith.andi %and3A, %lt3A_7 : i1
    %convert_element_type3A = arith.extui %and3A_8 : i1 to i32
    %cond3A = arith.constant 0 : i32
    %cond3A_9 = arith.cmpi ne, %convert_element_type3A, %cond3A : i32
    scf.if %cond3A_9 {
      %add3A_25 = arith.constant 0 : i32
      %add3A_26 = arith.addi %mul3A_2, %add3A_25 : i32
      %mul3A_27 = arith.constant 128 : i32
      %mul3A_28 = arith.muli %add3A_26, %mul3A_27 : i32
      %dma_start3A = arith.constant 0 : i32
      %dma_start3A_29 = tpu.memref_slice %arg2[%mul3A_28, %dma_start3A] : memref<160000x32xf32, #tpu.memory_space<hbm>> -> memref<128x32xf32, #tpu.memory_space<hbm>>
      %dma_start3A_30 = arith.constant 0 : i32
      %dma_start3A_31 = tpu.memref_slice %arg2[%mul3A_28, %dma_start3A_30] : memref<160000x32xf32, #tpu.memory_space<hbm>> -> memref<128x32xf32, #tpu.memory_space<hbm>>
      tpu.enqueue_dma source(%dma_start3A_31 : memref<128x32xf32, #tpu.memory_space<hbm>>) target(%arg7 : memref<128x32xf32, #tpu.memory_space<vmem>>) target_semaphore(%arg10 : memref<!tpu.dma_semaphore, #tpu.memory_space<semaphore_mem>>)
    } else {
    }
    %add3A_10 = arith.constant 1 : i32
    %add3A_11 = arith.addi %mul3A_2, %add3A_10 : i32
    %lt3A_12 = arith.constant 1250 : i32
    %lt3A_13 = arith.cmpi slt, %add3A_11, %lt3A_12 : i32
    %and3A_14 = arith.constant true
    %and3A_15 = arith.andi %and3A_14, %lt3A_13 : i1
    %convert_element_type3A_16 = arith.extui %and3A_15 : i1 to i32
    %cond3A_17 = arith.constant 0 : i32
    %cond3A_18 = arith.cmpi ne, %convert_element_type3A_16, %cond3A_17 : i32
    scf.if %cond3A_18 {
      %add3A_25 = arith.constant 1 : i32
      %add3A_26 = arith.addi %mul3A_2, %add3A_25 : i32
      %mul3A_27 = arith.constant 128 : i32
      %mul3A_28 = arith.muli %add3A_26, %mul3A_27 : i32
      %dma_start3A = arith.constant 0 : i32
      %dma_start3A_29 = tpu.memref_slice %arg2[%mul3A_28, %dma_start3A] : memref<160000x32xf32, #tpu.memory_space<hbm>> -> memref<128x32xf32, #tpu.memory_space<hbm>>
      %dma_start3A_30 = arith.constant 0 : i32
      %dma_start3A_31 = tpu.memref_slice %arg2[%mul3A_28, %dma_start3A_30] : memref<160000x32xf32, #tpu.memory_space<hbm>> -> memref<128x32xf32, #tpu.memory_space<hbm>>
      tpu.enqueue_dma source(%dma_start3A_31 : memref<128x32xf32, #tpu.memory_space<hbm>>) target(%arg8 : memref<128x32xf32, #tpu.memory_space<vmem>>) target_semaphore(%arg11 : memref<!tpu.dma_semaphore, #tpu.memory_space<semaphore_mem>>)
    } else {
    }
    %scan3A = arith.constant 0 : i32
    %scan3A_19 = arith.constant 0 : i32
    %scan3A_20 = arith.constant 14 : i32
    %scan3A_21 = arith.addi %scan3A_19, %scan3A_20 : i32
    %scan3A_22 = arith.constant 1 : i32
    scf.for %scan3A_25 = %scan3A_19 to %scan3A_21 step %scan3A_22  : i32 {
      %mul3A_26 = arith.constant 3 : i32
      %mul3A_27 = arith.muli %mul3A_26, %scan3A_25 : i32
      %add3A_28 = arith.constant 0 : i32
      %add3A_29 = arith.addi %mul3A_27, %add3A_28 : i32
      %ge3A = arith.constant 0 : i32
      %ge3A_30 = arith.cmpi sge, %add3A_29, %ge3A : i32
      %lt3A_31 = arith.constant 40 : i32
      %lt3A_32 = arith.cmpi slt, %add3A_29, %lt3A_31 : i32
      %and3A_33 = arith.andi %ge3A_30, %lt3A_32 : i1
      %add3A_34 = arith.addi %mul3A_2, %add3A_29 : i32
      %lt3A_35 = arith.constant 1250 : i32
      %lt3A_36 = arith.cmpi slt, %add3A_34, %lt3A_35 : i32
      %and3A_37 = arith.andi %and3A_33, %lt3A_36 : i1
      %convert_element_type3A_38 = arith.extui %and3A_37 : i1 to i32
      %cond3A_39 = arith.constant 0 : i32
      %cond3A_40 = arith.cmpi ne, %convert_element_type3A_38, %cond3A_39 : i32
      scf.if %cond3A_40 {
        %add3A_162 = arith.addi %mul3A_2, %add3A_29 : i32
        %mul3A_163 = arith.constant 128 : i32
        %mul3A_164 = arith.muli %add3A_162, %mul3A_163 : i32
        %dma_wait3A = arith.constant 0 : i32
        %dma_wait3A_165 = tpu.memref_slice %arg2[%mul3A_164, %dma_wait3A] : memref<160000x32xf32, #tpu.memory_space<hbm>> -> memref<128x32xf32, #tpu.memory_space<hbm>>
        %dma_wait3A_166 = arith.constant 0 : i32
        %dma_wait3A_167 = tpu.memref_slice %arg2[%mul3A_164, %dma_wait3A_166] : memref<160000x32xf32, #tpu.memory_space<hbm>> -> memref<128x32xf32, #tpu.memory_space<hbm>>
        tpu.wait_dma2 semaphore(%arg10 : memref<!tpu.dma_semaphore, #tpu.memory_space<semaphore_mem>>) src(%dma_wait3A_167 : memref<128x32xf32, #tpu.memory_space<hbm>>) dst(%arg7 : memref<128x32xf32, #tpu.memory_space<vmem>>)
        %dma_start3A = arith.constant 0 : i32
        %dma_start3A_168 = tpu.memref_slice %arg6[%add3A_29, %dma_start3A] : memref<40x128xi32, #tpu.memory_space<vmem>> -> memref<1x128xi32, #tpu.memory_space<vmem>>
        %dma_start3A_169 = tpu.memref_squeeze %dma_start3A_168 : memref<1x128xi32, #tpu.memory_space<vmem>> -> memref<128xi32, #tpu.memory_space<vmem>>
        %dma_start3A_170 = arith.constant 0 : i32
        %dma_start3A_171 = arith.constant 0 : i32
        %dma_start3A_172 = tpu.memref_slice %arg16[%dma_start3A_170, %dma_start3A_171] : memref<10000x32xf32, #tpu.memory_space<vmem_shared>> -> memref<10000x32xf32, #tpu.memory_space<vmem_shared>>
        tpu.enqueue_indirect_dma source(%arg7 : memref<128x32xf32, #tpu.memory_space<vmem>>) target(%dma_start3A_172 : memref<10000x32xf32, #tpu.memory_space<vmem_shared>>) offsets(%dma_start3A_169 : memref<128xi32, #tpu.memory_space<vmem>>) semaphore(%arg13 : memref<!tpu.dma_semaphore, #tpu.memory_space<semaphore_mem>>) {add = true}
      } else {
      }
      %sub3A = arith.constant 1 : i32
      %sub3A_41 = arith.subi %add3A_29, %sub3A : i32
      %ge3A_42 = arith.constant 0 : i32
      %ge3A_43 = arith.cmpi sge, %sub3A_41, %ge3A_42 : i32
      %lt3A_44 = arith.constant 40 : i32
      %lt3A_45 = arith.cmpi slt, %sub3A_41, %lt3A_44 : i32
      %and3A_46 = arith.andi %ge3A_43, %lt3A_45 : i1
      %add3A_47 = arith.addi %mul3A_2, %sub3A_41 : i32
      %lt3A_48 = arith.constant 1250 : i32
      %lt3A_49 = arith.cmpi slt, %add3A_47, %lt3A_48 : i32
      %and3A_50 = arith.andi %and3A_46, %lt3A_49 : i1
      %convert_element_type3A_51 = arith.extui %and3A_50 : i1 to i32
      %cond3A_52 = arith.constant 0 : i32
      %cond3A_53 = arith.cmpi ne, %convert_element_type3A_51, %cond3A_52 : i32
      scf.if %cond3A_53 {
        %dma_wait3A = arith.constant 0 : i32
        %dma_wait3A_162 = tpu.memref_slice %arg6[%sub3A_41, %dma_wait3A] : memref<40x128xi32, #tpu.memory_space<vmem>> -> memref<1x128xi32, #tpu.memory_space<vmem>>
        %dma_wait3A_163 = tpu.memref_squeeze %dma_wait3A_162 : memref<1x128xi32, #tpu.memory_space<vmem>> -> memref<128xi32, #tpu.memory_space<vmem>>
        %dma_wait3A_164 = arith.constant 0 : i32
        %dma_wait3A_165 = arith.constant 0 : i32
        %dma_wait3A_166 = tpu.memref_slice %arg16[%dma_wait3A_164, %dma_wait3A_165] : memref<10000x32xf32, #tpu.memory_space<vmem_shared>> -> memref<10000x32xf32, #tpu.memory_space<vmem_shared>>
        tpu.wait_indirect_dma semaphore(%arg15 : memref<!tpu.dma_semaphore, #tpu.memory_space<semaphore_mem>>) src(%arg9 : memref<128x32xf32, #tpu.memory_space<vmem>>) dst(%dma_wait3A_166 : memref<10000x32xf32, #tpu.memory_space<vmem_shared>>)
      } else {
      }
      %add3A_54 = arith.constant 3 : i32
      %add3A_55 = arith.addi %add3A_29, %add3A_54 : i32
      %sub3A_56 = arith.constant 1 : i32
      %sub3A_57 = arith.subi %add3A_55, %sub3A_56 : i32
      %ge3A_58 = arith.constant 0 : i32
      %ge3A_59 = arith.cmpi sge, %sub3A_57, %ge3A_58 : i32
      %lt3A_60 = arith.constant 40 : i32
      %lt3A_61 = arith.cmpi slt, %sub3A_57, %lt3A_60 : i32
      %and3A_62 = arith.andi %ge3A_59, %lt3A_61 : i1
      %add3A_63 = arith.addi %mul3A_2, %sub3A_57 : i32
      %lt3A_64 = arith.constant 1250 : i32
      %lt3A_65 = arith.cmpi slt, %add3A_63, %lt3A_64 : i32
      %and3A_66 = arith.andi %and3A_62, %lt3A_65 : i1
      %convert_element_type3A_67 = arith.extui %and3A_66 : i1 to i32
      %cond3A_68 = arith.constant 0 : i32
      %cond3A_69 = arith.cmpi ne, %convert_element_type3A_67, %cond3A_68 : i32
      scf.if %cond3A_69 {
        %add3A_162 = arith.addi %mul3A_2, %sub3A_57 : i32
        %mul3A_163 = arith.constant 128 : i32
        %mul3A_164 = arith.muli %add3A_162, %mul3A_163 : i32
        %dma_start3A = arith.constant 0 : i32
        %dma_start3A_165 = tpu.memref_slice %arg2[%mul3A_164, %dma_start3A] : memref<160000x32xf32, #tpu.memory_space<hbm>> -> memref<128x32xf32, #tpu.memory_space<hbm>>
        %dma_start3A_166 = arith.constant 0 : i32
        %dma_start3A_167 = tpu.memref_slice %arg2[%mul3A_164, %dma_start3A_166] : memref<160000x32xf32, #tpu.memory_space<hbm>> -> memref<128x32xf32, #tpu.memory_space<hbm>>
        tpu.enqueue_dma source(%dma_start3A_167 : memref<128x32xf32, #tpu.memory_space<hbm>>) target(%arg9 : memref<128x32xf32, #tpu.memory_space<vmem>>) target_semaphore(%arg12 : memref<!tpu.dma_semaphore, #tpu.memory_space<semaphore_mem>>)
      } else {
      }
      %mul3A_70 = arith.constant 3 : i32
      %mul3A_71 = arith.muli %mul3A_70, %scan3A_25 : i32
      %add3A_72 = arith.constant 1 : i32
      %add3A_73 = arith.addi %mul3A_71, %add3A_72 : i32
      %ge3A_74 = arith.constant 0 : i32
      %ge3A_75 = arith.cmpi sge, %add3A_73, %ge3A_74 : i32
      %lt3A_76 = arith.constant 40 : i32
      %lt3A_77 = arith.cmpi slt, %add3A_73, %lt3A_76 : i32
      %and3A_78 = arith.andi %ge3A_75, %lt3A_77 : i1
      %add3A_79 = arith.addi %mul3A_2, %add3A_73 : i32
      %lt3A_80 = arith.constant 1250 : i32
      %lt3A_81 = arith.cmpi slt, %add3A_79, %lt3A_80 : i32
      %and3A_82 = arith.andi %and3A_78, %lt3A_81 : i1
      %convert_element_type3A_83 = arith.extui %and3A_82 : i1 to i32
      %cond3A_84 = arith.constant 0 : i32
      %cond3A_85 = arith.cmpi ne, %convert_element_type3A_83, %cond3A_84 : i32
      scf.if %cond3A_85 {
        %add3A_162 = arith.addi %mul3A_2, %add3A_73 : i32
        %mul3A_163 = arith.constant 128 : i32
        %mul3A_164 = arith.muli %add3A_162, %mul3A_163 : i32
        %dma_wait3A = arith.constant 0 : i32
        %dma_wait3A_165 = tpu.memref_slice %arg2[%mul3A_164, %dma_wait3A] : memref<160000x32xf32, #tpu.memory_space<hbm>> -> memref<128x32xf32, #tpu.memory_space<hbm>>
        %dma_wait3A_166 = arith.constant 0 : i32
        %dma_wait3A_167 = tpu.memref_slice %arg2[%mul3A_164, %dma_wait3A_166] : memref<160000x32xf32, #tpu.memory_space<hbm>> -> memref<128x32xf32, #tpu.memory_space<hbm>>
        tpu.wait_dma2 semaphore(%arg11 : memref<!tpu.dma_semaphore, #tpu.memory_space<semaphore_mem>>) src(%dma_wait3A_167 : memref<128x32xf32, #tpu.memory_space<hbm>>) dst(%arg8 : memref<128x32xf32, #tpu.memory_space<vmem>>)
        %dma_start3A = arith.constant 0 : i32
        %dma_start3A_168 = tpu.memref_slice %arg6[%add3A_73, %dma_start3A] : memref<40x128xi32, #tpu.memory_space<vmem>> -> memref<1x128xi32, #tpu.memory_space<vmem>>
        %dma_start3A_169 = tpu.memref_squeeze %dma_start3A_168 : memref<1x128xi32, #tpu.memory_space<vmem>> -> memref<128xi32, #tpu.memory_space<vmem>>
        %dma_start3A_170 = arith.constant 0 : i32
        %dma_start3A_171 = arith.constant 0 : i32
        %dma_start3A_172 = tpu.memref_slice %arg16[%dma_start3A_170, %dma_start3A_171] : memref<10000x32xf32, #tpu.memory_space<vmem_shared>> -> memref<10000x32xf32, #tpu.memory_space<vmem_shared>>
        tpu.enqueue_indirect_dma source(%arg8 : memref<128x32xf32, #tpu.memory_space<vmem>>) target(%dma_start3A_172 : memref<10000x32xf32, #tpu.memory_space<vmem_shared>>) offsets(%dma_start3A_169 : memref<128xi32, #tpu.memory_space<vmem>>) semaphore(%arg14 : memref<!tpu.dma_semaphore, #tpu.memory_space<semaphore_mem>>) {add = true}
      } else {
      }
      %sub3A_86 = arith.constant 1 : i32
      %sub3A_87 = arith.subi %add3A_73, %sub3A_86 : i32
      %ge3A_88 = arith.constant 0 : i32
      %ge3A_89 = arith.cmpi sge, %sub3A_87, %ge3A_88 : i32
      %lt3A_90 = arith.constant 40 : i32
      %lt3A_91 = arith.cmpi slt, %sub3A_87, %lt3A_90 : i32
      %and3A_92 = arith.andi %ge3A_89, %lt3A_91 : i1
      %add3A_93 = arith.addi %mul3A_2, %sub3A_87 : i32
      %lt3A_94 = arith.constant 1250 : i32
      %lt3A_95 = arith.cmpi slt, %add3A_93, %lt3A_94 : i32
      %and3A_96 = arith.andi %and3A_92, %lt3A_95 : i1
      %convert_element_type3A_97 = arith.extui %and3A_96 : i1 to i32
      %cond3A_98 = arith.constant 0 : i32
      %cond3A_99 = arith.cmpi ne, %convert_element_type3A_97, %cond3A_98 : i32
      scf.if %cond3A_99 {
        %dma_wait3A = arith.constant 0 : i32
        %dma_wait3A_162 = tpu.memref_slice %arg6[%sub3A_87, %dma_wait3A] : memref<40x128xi32, #tpu.memory_space<vmem>> -> memref<1x128xi32, #tpu.memory_space<vmem>>
        %dma_wait3A_163 = tpu.memref_squeeze %dma_wait3A_162 : memref<1x128xi32, #tpu.memory_space<vmem>> -> memref<128xi32, #tpu.memory_space<vmem>>
        %dma_wait3A_164 = arith.constant 0 : i32
        %dma_wait3A_165 = arith.constant 0 : i32
        %dma_wait3A_166 = tpu.memref_slice %arg16[%dma_wait3A_164, %dma_wait3A_165] : memref<10000x32xf32, #tpu.memory_space<vmem_shared>> -> memref<10000x32xf32, #tpu.memory_space<vmem_shared>>
        tpu.wait_indirect_dma semaphore(%arg13 : memref<!tpu.dma_semaphore, #tpu.memory_space<semaphore_mem>>) src(%arg7 : memref<128x32xf32, #tpu.memory_space<vmem>>) dst(%dma_wait3A_166 : memref<10000x32xf32, #tpu.memory_space<vmem_shared>>)
      } else {
      }
      %add3A_100 = arith.constant 3 : i32
      %add3A_101 = arith.addi %add3A_73, %add3A_100 : i32
      %sub3A_102 = arith.constant 1 : i32
      %sub3A_103 = arith.subi %add3A_101, %sub3A_102 : i32
      %ge3A_104 = arith.constant 0 : i32
      %ge3A_105 = arith.cmpi sge, %sub3A_103, %ge3A_104 : i32
      %lt3A_106 = arith.constant 40 : i32
      %lt3A_107 = arith.cmpi slt, %sub3A_103, %lt3A_106 : i32
      %and3A_108 = arith.andi %ge3A_105, %lt3A_107 : i1
      %add3A_109 = arith.addi %mul3A_2, %sub3A_103 : i32
      %lt3A_110 = arith.constant 1250 : i32
      %lt3A_111 = arith.cmpi slt, %add3A_109, %lt3A_110 : i32
      %and3A_112 = arith.andi %and3A_108, %lt3A_111 : i1
      %convert_element_type3A_113 = arith.extui %and3A_112 : i1 to i32
      %cond3A_114 = arith.constant 0 : i32
      %cond3A_115 = arith.cmpi ne, %convert_element_type3A_113, %cond3A_114 : i32
      scf.if %cond3A_115 {
        %add3A_162 = arith.addi %mul3A_2, %sub3A_103 : i32
        %mul3A_163 = arith.constant 128 : i32
        %mul3A_164 = arith.muli %add3A_162, %mul3A_163 : i32
        %dma_start3A = arith.constant 0 : i32
        %dma_start3A_165 = tpu.memref_slice %arg2[%mul3A_164, %dma_start3A] : memref<160000x32xf32, #tpu.memory_space<hbm>> -> memref<128x32xf32, #tpu.memory_space<hbm>>
        %dma_start3A_166 = arith.constant 0 : i32
        %dma_start3A_167 = tpu.memref_slice %arg2[%mul3A_164, %dma_start3A_166] : memref<160000x32xf32, #tpu.memory_space<hbm>> -> memref<128x32xf32, #tpu.memory_space<hbm>>
        tpu.enqueue_dma source(%dma_start3A_167 : memref<128x32xf32, #tpu.memory_space<hbm>>) target(%arg7 : memref<128x32xf32, #tpu.memory_space<vmem>>) target_semaphore(%arg10 : memref<!tpu.dma_semaphore, #tpu.memory_space<semaphore_mem>>)
      } else {
      }
      %mul3A_116 = arith.constant 3 : i32
      %mul3A_117 = arith.muli %mul3A_116, %scan3A_25 : i32
      %add3A_118 = arith.constant 2 : i32
      %add3A_119 = arith.addi %mul3A_117, %add3A_118 : i32
      %ge3A_120 = arith.constant 0 : i32
      %ge3A_121 = arith.cmpi sge, %add3A_119, %ge3A_120 : i32
      %lt3A_122 = arith.constant 40 : i32
      %lt3A_123 = arith.cmpi slt, %add3A_119, %lt3A_122 : i32
      %and3A_124 = arith.andi %ge3A_121, %lt3A_123 : i1
      %add3A_125 = arith.addi %mul3A_2, %add3A_119 : i32
      %lt3A_126 = arith.constant 1250 : i32
      %lt3A_127 = arith.cmpi slt, %add3A_125, %lt3A_126 : i32
      %and3A_128 = arith.andi %and3A_124, %lt3A_127 : i1
      %convert_element_type3A_129 = arith.extui %and3A_128 : i1 to i32
      %cond3A_130 = arith.constant 0 : i32
      %cond3A_131 = arith.cmpi ne, %convert_element_type3A_129, %cond3A_130 : i32
      scf.if %cond3A_131 {
        %add3A_162 = arith.addi %mul3A_2, %add3A_119 : i32
        %mul3A_163 = arith.constant 128 : i32
        %mul3A_164 = arith.muli %add3A_162, %mul3A_163 : i32
        %dma_wait3A = arith.constant 0 : i32
        %dma_wait3A_165 = tpu.memref_slice %arg2[%mul3A_164, %dma_wait3A] : memref<160000x32xf32, #tpu.memory_space<hbm>> -> memref<128x32xf32, #tpu.memory_space<hbm>>
        %dma_wait3A_166 = arith.constant 0 : i32
        %dma_wait3A_167 = tpu.memref_slice %arg2[%mul3A_164, %dma_wait3A_166] : memref<160000x32xf32, #tpu.memory_space<hbm>> -> memref<128x32xf32, #tpu.memory_space<hbm>>
        tpu.wait_dma2 semaphore(%arg12 : memref<!tpu.dma_semaphore, #tpu.memory_space<semaphore_mem>>) src(%dma_wait3A_167 : memref<128x32xf32, #tpu.memory_space<hbm>>) dst(%arg9 : memref<128x32xf32, #tpu.memory_space<vmem>>)
        %dma_start3A = arith.constant 0 : i32
        %dma_start3A_168 = tpu.memref_slice %arg6[%add3A_119, %dma_start3A] : memref<40x128xi32, #tpu.memory_space<vmem>> -> memref<1x128xi32, #tpu.memory_space<vmem>>
        %dma_start3A_169 = tpu.memref_squeeze %dma_start3A_168 : memref<1x128xi32, #tpu.memory_space<vmem>> -> memref<128xi32, #tpu.memory_space<vmem>>
        %dma_start3A_170 = arith.constant 0 : i32
        %dma_start3A_171 = arith.constant 0 : i32
        %dma_start3A_172 = tpu.memref_slice %arg16[%dma_start3A_170, %dma_start3A_171] : memref<10000x32xf32, #tpu.memory_space<vmem_shared>> -> memref<10000x32xf32, #tpu.memory_space<vmem_shared>>
        tpu.enqueue_indirect_dma source(%arg9 : memref<128x32xf32, #tpu.memory_space<vmem>>) target(%dma_start3A_172 : memref<10000x32xf32, #tpu.memory_space<vmem_shared>>) offsets(%dma_start3A_169 : memref<128xi32, #tpu.memory_space<vmem>>) semaphore(%arg15 : memref<!tpu.dma_semaphore, #tpu.memory_space<semaphore_mem>>) {add = true}
      } else {
      }
      %sub3A_132 = arith.constant 1 : i32
      %sub3A_133 = arith.subi %add3A_119, %sub3A_132 : i32
      %ge3A_134 = arith.constant 0 : i32
      %ge3A_135 = arith.cmpi sge, %sub3A_133, %ge3A_134 : i32
      %lt3A_136 = arith.constant 40 : i32
      %lt3A_137 = arith.cmpi slt, %sub3A_133, %lt3A_136 : i32
      %and3A_138 = arith.andi %ge3A_135, %lt3A_137 : i1
      %add3A_139 = arith.addi %mul3A_2, %sub3A_133 : i32
      %lt3A_140 = arith.constant 1250 : i32
      %lt3A_141 = arith.cmpi slt, %add3A_139, %lt3A_140 : i32
      %and3A_142 = arith.andi %and3A_138, %lt3A_141 : i1
      %convert_element_type3A_143 = arith.extui %and3A_142 : i1 to i32
      %cond3A_144 = arith.constant 0 : i32
      %cond3A_145 = arith.cmpi ne, %convert_element_type3A_143, %cond3A_144 : i32
      scf.if %cond3A_145 {
        %dma_wait3A = arith.constant 0 : i32
        %dma_wait3A_162 = tpu.memref_slice %arg6[%sub3A_133, %dma_wait3A] : memref<40x128xi32, #tpu.memory_space<vmem>> -> memref<1x128xi32, #tpu.memory_space<vmem>>
        %dma_wait3A_163 = tpu.memref_squeeze %dma_wait3A_162 : memref<1x128xi32, #tpu.memory_space<vmem>> -> memref<128xi32, #tpu.memory_space<vmem>>
        %dma_wait3A_164 = arith.constant 0 : i32
        %dma_wait3A_165 = arith.constant 0 : i32
        %dma_wait3A_166 = tpu.memref_slice %arg16[%dma_wait3A_164, %dma_wait3A_165] : memref<10000x32xf32, #tpu.memory_space<vmem_shared>> -> memref<10000x32xf32, #tpu.memory_space<vmem_shared>>
        tpu.wait_indirect_dma semaphore(%arg14 : memref<!tpu.dma_semaphore, #tpu.memory_space<semaphore_mem>>) src(%arg8 : memref<128x32xf32, #tpu.memory_space<vmem>>) dst(%dma_wait3A_166 : memref<10000x32xf32, #tpu.memory_space<vmem_shared>>)
      } else {
      }
      %add3A_146 = arith.constant 3 : i32
      %add3A_147 = arith.addi %add3A_119, %add3A_146 : i32
      %sub3A_148 = arith.constant 1 : i32
      %sub3A_149 = arith.subi %add3A_147, %sub3A_148 : i32
      %ge3A_150 = arith.constant 0 : i32
      %ge3A_151 = arith.cmpi sge, %sub3A_149, %ge3A_150 : i32
      %lt3A_152 = arith.constant 40 : i32
      %lt3A_153 = arith.cmpi slt, %sub3A_149, %lt3A_152 : i32
      %and3A_154 = arith.andi %ge3A_151, %lt3A_153 : i1
      %add3A_155 = arith.addi %mul3A_2, %sub3A_149 : i32
      %lt3A_156 = arith.constant 1250 : i32
      %lt3A_157 = arith.cmpi slt, %add3A_155, %lt3A_156 : i32
      %and3A_158 = arith.andi %and3A_154, %lt3A_157 : i1
      %convert_element_type3A_159 = arith.extui %and3A_158 : i1 to i32
      %cond3A_160 = arith.constant 0 : i32
      %cond3A_161 = arith.cmpi ne, %convert_element_type3A_159, %cond3A_160 : i32
      scf.if %cond3A_161 {
        %add3A_162 = arith.addi %mul3A_2, %sub3A_149 : i32
        %mul3A_163 = arith.constant 128 : i32
        %mul3A_164 = arith.muli %add3A_162, %mul3A_163 : i32
        %dma_start3A = arith.constant 0 : i32
        %dma_start3A_165 = tpu.memref_slice %arg2[%mul3A_164, %dma_start3A] : memref<160000x32xf32, #tpu.memory_space<hbm>> -> memref<128x32xf32, #tpu.memory_space<hbm>>
        %dma_start3A_166 = arith.constant 0 : i32
        %dma_start3A_167 = tpu.memref_slice %arg2[%mul3A_164, %dma_start3A_166] : memref<160000x32xf32, #tpu.memory_space<hbm>> -> memref<128x32xf32, #tpu.memory_space<hbm>>
        tpu.enqueue_dma source(%dma_start3A_167 : memref<128x32xf32, #tpu.memory_space<hbm>>) target(%arg8 : memref<128x32xf32, #tpu.memory_space<vmem>>) target_semaphore(%arg11 : memref<!tpu.dma_semaphore, #tpu.memory_space<semaphore_mem>>)
      } else {
      }
    }
    %scan3A_23 = arith.constant 14 : i32
    %barrier3A_24 = arith.constant 0 : index
    tpu.barrier barrier_id(%barrier3A_24)
    "tpu.region"() ({
      %run_scoped3A = tpu.sem_alloc : memref<!tpu.dma_semaphore, #tpu.memory_space<semaphore_mem>>
      %dma_start3A = arith.constant 0 : i32
      %dma_start3A_25 = tpu.memref_slice %arg5[%arg0, %mul3A_4, %dma_start3A] : memref<2x10000x32xf32, #tpu.memory_space<hbm>> -> memref<1x625x32xf32, #tpu.memory_space<hbm>>
      %dma_start3A_26 = tpu.memref_squeeze %dma_start3A_25 : memref<1x625x32xf32, #tpu.memory_space<hbm>> -> memref<625x32xf32, #tpu.memory_space<hbm>>
      %dma_start3A_27 = arith.constant 0 : i32
      %dma_start3A_28 = tpu.memref_slice %arg16[%mul3A_4, %dma_start3A_27] : memref<10000x32xf32, #tpu.memory_space<vmem_shared>> -> memref<625x32xf32, #tpu.memory_space<vmem_shared>>
      tpu.enqueue_dma source(%dma_start3A_28 : memref<625x32xf32, #tpu.memory_space<vmem_shared>>) target(%dma_start3A_26 : memref<625x32xf32, #tpu.memory_space<hbm>>) target_semaphore(%run_scoped3A : memref<!tpu.dma_semaphore, #tpu.memory_space<semaphore_mem>>)
      %dma_wait3A = arith.constant 0 : i32
      %dma_wait3A_29 = tpu.memref_slice %arg5[%arg0, %mul3A_4, %dma_wait3A] : memref<2x10000x32xf32, #tpu.memory_space<hbm>> -> memref<1x625x32xf32, #tpu.memory_space<hbm>>
      %dma_wait3A_30 = tpu.memref_squeeze %dma_wait3A_29 : memref<1x625x32xf32, #tpu.memory_space<hbm>> -> memref<625x32xf32, #tpu.memory_space<hbm>>
      %dma_wait3A_31 = arith.constant 0 : i32
      %dma_wait3A_32 = tpu.memref_slice %arg16[%mul3A_4, %dma_wait3A_31] : memref<10000x32xf32, #tpu.memory_space<vmem_shared>> -> memref<625x32xf32, #tpu.memory_space<vmem_shared>>
      tpu.wait_dma2 semaphore(%run_scoped3A : memref<!tpu.dma_semaphore, #tpu.memory_space<semaphore_mem>>) src(%dma_wait3A_32 : memref<625x32xf32, #tpu.memory_space<vmem_shared>>) dst(%dma_wait3A_30 : memref<625x32xf32, #tpu.memory_space<hbm>>)
      tpu.yield
    }) : () -> ()
    return
  }
}

#map = affine_map<(d0, d1) -> (0, 0)>
#map1 = affine_map<(d0, d1) -> (0, 0, 0)>
module attributes {stable_mosaic.version = 14 : i64} {
  func.func @body(%arg0: i32, %arg1: i32, %arg2: memref<10000x32xf32, #tpu.memory_space<hbm>>, %arg3: memref<32x40x128xi32, #tpu.memory_space<hbm>>, %arg4: memref<160000x32xf32, #tpu.memory_space<hbm>>, %arg5: memref<40x128xi32, #tpu.memory_space<vmem>>, %arg6: memref<128x32xf32, #tpu.memory_space<vmem>>, %arg7: memref<128x32xf32, #tpu.memory_space<vmem>>, %arg8: memref<128x32xf32, #tpu.memory_space<vmem>>, %arg9: memref<!tpu.dma_semaphore, #tpu.memory_space<semaphore_mem>>, %arg10: memref<!tpu.dma_semaphore, #tpu.memory_space<semaphore_mem>>, %arg11: memref<!tpu.dma_semaphore, #tpu.memory_space<semaphore_mem>>, %arg12: memref<!tpu.dma_semaphore, #tpu.memory_space<semaphore_mem>>, %arg13: memref<!tpu.dma_semaphore, #tpu.memory_space<semaphore_mem>>, %arg14: memref<!tpu.dma_semaphore, #tpu.memory_space<semaphore_mem>>) attributes {dimension_semantics = [#tpu.dimension_semantics<core_parallel>, #tpu.dimension_semantics<subcore_parallel>], iteration_bounds = array<i64: 2, 16>, scalar_prefetch = 0 : i64, scratch_operands = 10 : i64, tpu.core_type = #tpu.core_type<sc_vector_subcore>, window_params = [{transform_indices = #map}, {transform_indices = #map1}, {transform_indices = #map}]} {
    %mul3A = arith.constant 2 : i32
    %mul3A_0 = arith.muli %arg1, %mul3A : i32
    %add3A = arith.addi %mul3A_0, %arg0 : i32
    %mul3A_1 = arith.constant 40 : i32
    %mul3A_2 = arith.muli %add3A, %mul3A_1 : i32
    "tpu.region"() ({
      %run_scoped3A = tpu.sem_alloc : memref<!tpu.dma_semaphore, #tpu.memory_space<semaphore_mem>>
      %dma_start3A = arith.constant 0 : i32
      %dma_start3A_22 = arith.constant 0 : i32
      %dma_start3A_23 = tpu.memref_slice %arg3[%add3A, %dma_start3A, %dma_start3A_22] : memref<32x40x128xi32, #tpu.memory_space<hbm>> -> memref<1x40x128xi32, #tpu.memory_space<hbm>>
      %dma_start3A_24 = tpu.memref_squeeze %dma_start3A_23 : memref<1x40x128xi32, #tpu.memory_space<hbm>> -> memref<40x128xi32, #tpu.memory_space<hbm>>
      %dma_start3A_25 = arith.constant 0 : i32
      %dma_start3A_26 = arith.constant 0 : i32
      %dma_start3A_27 = tpu.memref_slice %arg3[%add3A, %dma_start3A_25, %dma_start3A_26] : memref<32x40x128xi32, #tpu.memory_space<hbm>> -> memref<1x40x128xi32, #tpu.memory_space<hbm>>
      %dma_start3A_28 = tpu.memref_squeeze %dma_start3A_27 : memref<1x40x128xi32, #tpu.memory_space<hbm>> -> memref<40x128xi32, #tpu.memory_space<hbm>>
      tpu.enqueue_dma source(%dma_start3A_28 : memref<40x128xi32, #tpu.memory_space<hbm>>) target(%arg5 : memref<40x128xi32, #tpu.memory_space<vmem>>) target_semaphore(%run_scoped3A : memref<!tpu.dma_semaphore, #tpu.memory_space<semaphore_mem>>)
      %dma_wait3A = arith.constant 0 : i32
      %dma_wait3A_29 = arith.constant 0 : i32
      %dma_wait3A_30 = tpu.memref_slice %arg3[%add3A, %dma_wait3A, %dma_wait3A_29] : memref<32x40x128xi32, #tpu.memory_space<hbm>> -> memref<1x40x128xi32, #tpu.memory_space<hbm>>
      %dma_wait3A_31 = tpu.memref_squeeze %dma_wait3A_30 : memref<1x40x128xi32, #tpu.memory_space<hbm>> -> memref<40x128xi32, #tpu.memory_space<hbm>>
      %dma_wait3A_32 = arith.constant 0 : i32
      %dma_wait3A_33 = arith.constant 0 : i32
      %dma_wait3A_34 = tpu.memref_slice %arg3[%add3A, %dma_wait3A_32, %dma_wait3A_33] : memref<32x40x128xi32, #tpu.memory_space<hbm>> -> memref<1x40x128xi32, #tpu.memory_space<hbm>>
      %dma_wait3A_35 = tpu.memref_squeeze %dma_wait3A_34 : memref<1x40x128xi32, #tpu.memory_space<hbm>> -> memref<40x128xi32, #tpu.memory_space<hbm>>
      tpu.wait_dma2 semaphore(%run_scoped3A : memref<!tpu.dma_semaphore, #tpu.memory_space<semaphore_mem>>) src(%dma_wait3A_35 : memref<40x128xi32, #tpu.memory_space<hbm>>) dst(%arg5 : memref<40x128xi32, #tpu.memory_space<vmem>>)
      tpu.yield
    }) : () -> ()
    %add3A_3 = arith.constant 0 : i32
    %add3A_4 = arith.addi %mul3A_2, %add3A_3 : i32
    %lt3A = arith.constant 1250 : i32
    %lt3A_5 = arith.cmpi slt, %add3A_4, %lt3A : i32
    %and3A = arith.constant true
    %and3A_6 = arith.andi %and3A, %lt3A_5 : i1
    %convert_element_type3A = arith.extui %and3A_6 : i1 to i32
    %cond3A = arith.constant 0 : i32
    %cond3A_7 = arith.cmpi ne, %convert_element_type3A, %cond3A : i32
    scf.if %cond3A_7 {
      %dma_start3A = arith.constant 0 : i32
      %dma_start3A_22 = arith.constant 0 : i32
      %dma_start3A_23 = tpu.memref_slice %arg5[%dma_start3A, %dma_start3A_22] : memref<40x128xi32, #tpu.memory_space<vmem>> -> memref<1x128xi32, #tpu.memory_space<vmem>>
      %dma_start3A_24 = tpu.memref_squeeze %dma_start3A_23 : memref<1x128xi32, #tpu.memory_space<vmem>> -> memref<128xi32, #tpu.memory_space<vmem>>
      %dma_start3A_25 = arith.constant 0 : i32
      %dma_start3A_26 = arith.constant 0 : i32
      %dma_start3A_27 = tpu.memref_slice %arg2[%dma_start3A_25, %dma_start3A_26] : memref<10000x32xf32, #tpu.memory_space<hbm>> -> memref<10000x32xf32, #tpu.memory_space<hbm>>
      tpu.enqueue_indirect_dma source(%dma_start3A_27 : memref<10000x32xf32, #tpu.memory_space<hbm>>) target(%arg6 : memref<128x32xf32, #tpu.memory_space<vmem>>) offsets(%dma_start3A_24 : memref<128xi32, #tpu.memory_space<vmem>>) semaphore(%arg9 : memref<!tpu.dma_semaphore, #tpu.memory_space<semaphore_mem>>)
    } else {
    }
    %add3A_8 = arith.constant 1 : i32
    %add3A_9 = arith.addi %mul3A_2, %add3A_8 : i32
    %lt3A_10 = arith.constant 1250 : i32
    %lt3A_11 = arith.cmpi slt, %add3A_9, %lt3A_10 : i32
    %and3A_12 = arith.constant true
    %and3A_13 = arith.andi %and3A_12, %lt3A_11 : i1
    %convert_element_type3A_14 = arith.extui %and3A_13 : i1 to i32
    %cond3A_15 = arith.constant 0 : i32
    %cond3A_16 = arith.cmpi ne, %convert_element_type3A_14, %cond3A_15 : i32
    scf.if %cond3A_16 {
      %dma_start3A = arith.constant 1 : i32
      %dma_start3A_22 = arith.constant 0 : i32
      %dma_start3A_23 = tpu.memref_slice %arg5[%dma_start3A, %dma_start3A_22] : memref<40x128xi32, #tpu.memory_space<vmem>> -> memref<1x128xi32, #tpu.memory_space<vmem>>
      %dma_start3A_24 = tpu.memref_squeeze %dma_start3A_23 : memref<1x128xi32, #tpu.memory_space<vmem>> -> memref<128xi32, #tpu.memory_space<vmem>>
      %dma_start3A_25 = arith.constant 0 : i32
      %dma_start3A_26 = arith.constant 0 : i32
      %dma_start3A_27 = tpu.memref_slice %arg2[%dma_start3A_25, %dma_start3A_26] : memref<10000x32xf32, #tpu.memory_space<hbm>> -> memref<10000x32xf32, #tpu.memory_space<hbm>>
      tpu.enqueue_indirect_dma source(%dma_start3A_27 : memref<10000x32xf32, #tpu.memory_space<hbm>>) target(%arg7 : memref<128x32xf32, #tpu.memory_space<vmem>>) offsets(%dma_start3A_24 : memref<128xi32, #tpu.memory_space<vmem>>) semaphore(%arg10 : memref<!tpu.dma_semaphore, #tpu.memory_space<semaphore_mem>>)
    } else {
    }
    %scan3A = arith.constant 0 : i32
    %scan3A_17 = arith.constant 0 : i32
    %scan3A_18 = arith.constant 14 : i32
    %scan3A_19 = arith.addi %scan3A_17, %scan3A_18 : i32
    %scan3A_20 = arith.constant 1 : i32
    scf.for %scan3A_22 = %scan3A_17 to %scan3A_19 step %scan3A_20  : i32 {
      %mul3A_23 = arith.constant 3 : i32
      %mul3A_24 = arith.muli %mul3A_23, %scan3A_22 : i32
      %add3A_25 = arith.constant 0 : i32
      %add3A_26 = arith.addi %mul3A_24, %add3A_25 : i32
      %ge3A = arith.constant 0 : i32
      %ge3A_27 = arith.cmpi sge, %add3A_26, %ge3A : i32
      %lt3A_28 = arith.constant 40 : i32
      %lt3A_29 = arith.cmpi slt, %add3A_26, %lt3A_28 : i32
      %and3A_30 = arith.andi %ge3A_27, %lt3A_29 : i1
      %add3A_31 = arith.addi %mul3A_2, %add3A_26 : i32
      %lt3A_32 = arith.constant 1250 : i32
      %lt3A_33 = arith.cmpi slt, %add3A_31, %lt3A_32 : i32
      %and3A_34 = arith.andi %and3A_30, %lt3A_33 : i1
      %convert_element_type3A_35 = arith.extui %and3A_34 : i1 to i32
      %cond3A_36 = arith.constant 0 : i32
      %cond3A_37 = arith.cmpi ne, %convert_element_type3A_35, %cond3A_36 : i32
      scf.if %cond3A_37 {
        %dma_wait3A = arith.constant 0 : i32
        %dma_wait3A_159 = tpu.memref_slice %arg5[%add3A_26, %dma_wait3A] : memref<40x128xi32, #tpu.memory_space<vmem>> -> memref<1x128xi32, #tpu.memory_space<vmem>>
        %dma_wait3A_160 = tpu.memref_squeeze %dma_wait3A_159 : memref<1x128xi32, #tpu.memory_space<vmem>> -> memref<128xi32, #tpu.memory_space<vmem>>
        %dma_wait3A_161 = arith.constant 0 : i32
        %dma_wait3A_162 = arith.constant 0 : i32
        %dma_wait3A_163 = tpu.memref_slice %arg2[%dma_wait3A_161, %dma_wait3A_162] : memref<10000x32xf32, #tpu.memory_space<hbm>> -> memref<10000x32xf32, #tpu.memory_space<hbm>>
        tpu.wait_indirect_dma semaphore(%arg9 : memref<!tpu.dma_semaphore, #tpu.memory_space<semaphore_mem>>) src(%dma_wait3A_163 : memref<10000x32xf32, #tpu.memory_space<hbm>>) dst(%arg6 : memref<128x32xf32, #tpu.memory_space<vmem>>)
        %add3A_164 = arith.addi %mul3A_2, %add3A_26 : i32
        %mul3A_165 = arith.constant 128 : i32
        %mul3A_166 = arith.muli %add3A_164, %mul3A_165 : i32
        %dma_start3A = arith.constant 0 : i32
        %dma_start3A_167 = tpu.memref_slice %arg4[%mul3A_166, %dma_start3A] : memref<160000x32xf32, #tpu.memory_space<hbm>> -> memref<128x32xf32, #tpu.memory_space<hbm>>
        %dma_start3A_168 = arith.constant 0 : i32
        %dma_start3A_169 = tpu.memref_slice %arg4[%mul3A_166, %dma_start3A_168] : memref<160000x32xf32, #tpu.memory_space<hbm>> -> memref<128x32xf32, #tpu.memory_space<hbm>>
        tpu.enqueue_dma source(%arg6 : memref<128x32xf32, #tpu.memory_space<vmem>>) target(%dma_start3A_169 : memref<128x32xf32, #tpu.memory_space<hbm>>) target_semaphore(%arg12 : memref<!tpu.dma_semaphore, #tpu.memory_space<semaphore_mem>>)
      } else {
      }
      %sub3A = arith.constant 1 : i32
      %sub3A_38 = arith.subi %add3A_26, %sub3A : i32
      %ge3A_39 = arith.constant 0 : i32
      %ge3A_40 = arith.cmpi sge, %sub3A_38, %ge3A_39 : i32
      %lt3A_41 = arith.constant 40 : i32
      %lt3A_42 = arith.cmpi slt, %sub3A_38, %lt3A_41 : i32
      %and3A_43 = arith.andi %ge3A_40, %lt3A_42 : i1
      %add3A_44 = arith.addi %mul3A_2, %sub3A_38 : i32
      %lt3A_45 = arith.constant 1250 : i32
      %lt3A_46 = arith.cmpi slt, %add3A_44, %lt3A_45 : i32
      %and3A_47 = arith.andi %and3A_43, %lt3A_46 : i1
      %convert_element_type3A_48 = arith.extui %and3A_47 : i1 to i32
      %cond3A_49 = arith.constant 0 : i32
      %cond3A_50 = arith.cmpi ne, %convert_element_type3A_48, %cond3A_49 : i32
      scf.if %cond3A_50 {
        %add3A_159 = arith.addi %mul3A_2, %sub3A_38 : i32
        %mul3A_160 = arith.constant 128 : i32
        %mul3A_161 = arith.muli %add3A_159, %mul3A_160 : i32
        %dma_wait3A = arith.constant 0 : i32
        %dma_wait3A_162 = tpu.memref_slice %arg4[%mul3A_161, %dma_wait3A] : memref<160000x32xf32, #tpu.memory_space<hbm>> -> memref<128x32xf32, #tpu.memory_space<hbm>>
        %dma_wait3A_163 = arith.constant 0 : i32
        %dma_wait3A_164 = tpu.memref_slice %arg4[%mul3A_161, %dma_wait3A_163] : memref<160000x32xf32, #tpu.memory_space<hbm>> -> memref<128x32xf32, #tpu.memory_space<hbm>>
        tpu.wait_dma2 semaphore(%arg14 : memref<!tpu.dma_semaphore, #tpu.memory_space<semaphore_mem>>) src(%arg8 : memref<128x32xf32, #tpu.memory_space<vmem>>) dst(%dma_wait3A_164 : memref<128x32xf32, #tpu.memory_space<hbm>>)
      } else {
      }
      %add3A_51 = arith.constant 3 : i32
      %add3A_52 = arith.addi %add3A_26, %add3A_51 : i32
      %sub3A_53 = arith.constant 1 : i32
      %sub3A_54 = arith.subi %add3A_52, %sub3A_53 : i32
      %ge3A_55 = arith.constant 0 : i32
      %ge3A_56 = arith.cmpi sge, %sub3A_54, %ge3A_55 : i32
      %lt3A_57 = arith.constant 40 : i32
      %lt3A_58 = arith.cmpi slt, %sub3A_54, %lt3A_57 : i32
      %and3A_59 = arith.andi %ge3A_56, %lt3A_58 : i1
      %add3A_60 = arith.addi %mul3A_2, %sub3A_54 : i32
      %lt3A_61 = arith.constant 1250 : i32
      %lt3A_62 = arith.cmpi slt, %add3A_60, %lt3A_61 : i32
      %and3A_63 = arith.andi %and3A_59, %lt3A_62 : i1
      %convert_element_type3A_64 = arith.extui %and3A_63 : i1 to i32
      %cond3A_65 = arith.constant 0 : i32
      %cond3A_66 = arith.cmpi ne, %convert_element_type3A_64, %cond3A_65 : i32
      scf.if %cond3A_66 {
        %dma_start3A = arith.constant 0 : i32
        %dma_start3A_159 = tpu.memref_slice %arg5[%sub3A_54, %dma_start3A] : memref<40x128xi32, #tpu.memory_space<vmem>> -> memref<1x128xi32, #tpu.memory_space<vmem>>
        %dma_start3A_160 = tpu.memref_squeeze %dma_start3A_159 : memref<1x128xi32, #tpu.memory_space<vmem>> -> memref<128xi32, #tpu.memory_space<vmem>>
        %dma_start3A_161 = arith.constant 0 : i32
        %dma_start3A_162 = arith.constant 0 : i32
        %dma_start3A_163 = tpu.memref_slice %arg2[%dma_start3A_161, %dma_start3A_162] : memref<10000x32xf32, #tpu.memory_space<hbm>> -> memref<10000x32xf32, #tpu.memory_space<hbm>>
        tpu.enqueue_indirect_dma source(%dma_start3A_163 : memref<10000x32xf32, #tpu.memory_space<hbm>>) target(%arg8 : memref<128x32xf32, #tpu.memory_space<vmem>>) offsets(%dma_start3A_160 : memref<128xi32, #tpu.memory_space<vmem>>) semaphore(%arg11 : memref<!tpu.dma_semaphore, #tpu.memory_space<semaphore_mem>>)
      } else {
      }
      %mul3A_67 = arith.constant 3 : i32
      %mul3A_68 = arith.muli %mul3A_67, %scan3A_22 : i32
      %add3A_69 = arith.constant 1 : i32
      %add3A_70 = arith.addi %mul3A_68, %add3A_69 : i32
      %ge3A_71 = arith.constant 0 : i32
      %ge3A_72 = arith.cmpi sge, %add3A_70, %ge3A_71 : i32
      %lt3A_73 = arith.constant 40 : i32
      %lt3A_74 = arith.cmpi slt, %add3A_70, %lt3A_73 : i32
      %and3A_75 = arith.andi %ge3A_72, %lt3A_74 : i1
      %add3A_76 = arith.addi %mul3A_2, %add3A_70 : i32
      %lt3A_77 = arith.constant 1250 : i32
      %lt3A_78 = arith.cmpi slt, %add3A_76, %lt3A_77 : i32
      %and3A_79 = arith.andi %and3A_75, %lt3A_78 : i1
      %convert_element_type3A_80 = arith.extui %and3A_79 : i1 to i32
      %cond3A_81 = arith.constant 0 : i32
      %cond3A_82 = arith.cmpi ne, %convert_element_type3A_80, %cond3A_81 : i32
      scf.if %cond3A_82 {
        %dma_wait3A = arith.constant 0 : i32
        %dma_wait3A_159 = tpu.memref_slice %arg5[%add3A_70, %dma_wait3A] : memref<40x128xi32, #tpu.memory_space<vmem>> -> memref<1x128xi32, #tpu.memory_space<vmem>>
        %dma_wait3A_160 = tpu.memref_squeeze %dma_wait3A_159 : memref<1x128xi32, #tpu.memory_space<vmem>> -> memref<128xi32, #tpu.memory_space<vmem>>
        %dma_wait3A_161 = arith.constant 0 : i32
        %dma_wait3A_162 = arith.constant 0 : i32
        %dma_wait3A_163 = tpu.memref_slice %arg2[%dma_wait3A_161, %dma_wait3A_162] : memref<10000x32xf32, #tpu.memory_space<hbm>> -> memref<10000x32xf32, #tpu.memory_space<hbm>>
        tpu.wait_indirect_dma semaphore(%arg10 : memref<!tpu.dma_semaphore, #tpu.memory_space<semaphore_mem>>) src(%dma_wait3A_163 : memref<10000x32xf32, #tpu.memory_space<hbm>>) dst(%arg7 : memref<128x32xf32, #tpu.memory_space<vmem>>)
        %add3A_164 = arith.addi %mul3A_2, %add3A_70 : i32
        %mul3A_165 = arith.constant 128 : i32
        %mul3A_166 = arith.muli %add3A_164, %mul3A_165 : i32
        %dma_start3A = arith.constant 0 : i32
        %dma_start3A_167 = tpu.memref_slice %arg4[%mul3A_166, %dma_start3A] : memref<160000x32xf32, #tpu.memory_space<hbm>> -> memref<128x32xf32, #tpu.memory_space<hbm>>
        %dma_start3A_168 = arith.constant 0 : i32
        %dma_start3A_169 = tpu.memref_slice %arg4[%mul3A_166, %dma_start3A_168] : memref<160000x32xf32, #tpu.memory_space<hbm>> -> memref<128x32xf32, #tpu.memory_space<hbm>>
        tpu.enqueue_dma source(%arg7 : memref<128x32xf32, #tpu.memory_space<vmem>>) target(%dma_start3A_169 : memref<128x32xf32, #tpu.memory_space<hbm>>) target_semaphore(%arg13 : memref<!tpu.dma_semaphore, #tpu.memory_space<semaphore_mem>>)
      } else {
      }
      %sub3A_83 = arith.constant 1 : i32
      %sub3A_84 = arith.subi %add3A_70, %sub3A_83 : i32
      %ge3A_85 = arith.constant 0 : i32
      %ge3A_86 = arith.cmpi sge, %sub3A_84, %ge3A_85 : i32
      %lt3A_87 = arith.constant 40 : i32
      %lt3A_88 = arith.cmpi slt, %sub3A_84, %lt3A_87 : i32
      %and3A_89 = arith.andi %ge3A_86, %lt3A_88 : i1
      %add3A_90 = arith.addi %mul3A_2, %sub3A_84 : i32
      %lt3A_91 = arith.constant 1250 : i32
      %lt3A_92 = arith.cmpi slt, %add3A_90, %lt3A_91 : i32
      %and3A_93 = arith.andi %and3A_89, %lt3A_92 : i1
      %convert_element_type3A_94 = arith.extui %and3A_93 : i1 to i32
      %cond3A_95 = arith.constant 0 : i32
      %cond3A_96 = arith.cmpi ne, %convert_element_type3A_94, %cond3A_95 : i32
      scf.if %cond3A_96 {
        %add3A_159 = arith.addi %mul3A_2, %sub3A_84 : i32
        %mul3A_160 = arith.constant 128 : i32
        %mul3A_161 = arith.muli %add3A_159, %mul3A_160 : i32
        %dma_wait3A = arith.constant 0 : i32
        %dma_wait3A_162 = tpu.memref_slice %arg4[%mul3A_161, %dma_wait3A] : memref<160000x32xf32, #tpu.memory_space<hbm>> -> memref<128x32xf32, #tpu.memory_space<hbm>>
        %dma_wait3A_163 = arith.constant 0 : i32
        %dma_wait3A_164 = tpu.memref_slice %arg4[%mul3A_161, %dma_wait3A_163] : memref<160000x32xf32, #tpu.memory_space<hbm>> -> memref<128x32xf32, #tpu.memory_space<hbm>>
        tpu.wait_dma2 semaphore(%arg12 : memref<!tpu.dma_semaphore, #tpu.memory_space<semaphore_mem>>) src(%arg6 : memref<128x32xf32, #tpu.memory_space<vmem>>) dst(%dma_wait3A_164 : memref<128x32xf32, #tpu.memory_space<hbm>>)
      } else {
      }
      %add3A_97 = arith.constant 3 : i32
      %add3A_98 = arith.addi %add3A_70, %add3A_97 : i32
      %sub3A_99 = arith.constant 1 : i32
      %sub3A_100 = arith.subi %add3A_98, %sub3A_99 : i32
      %ge3A_101 = arith.constant 0 : i32
      %ge3A_102 = arith.cmpi sge, %sub3A_100, %ge3A_101 : i32
      %lt3A_103 = arith.constant 40 : i32
      %lt3A_104 = arith.cmpi slt, %sub3A_100, %lt3A_103 : i32
      %and3A_105 = arith.andi %ge3A_102, %lt3A_104 : i1
      %add3A_106 = arith.addi %mul3A_2, %sub3A_100 : i32
      %lt3A_107 = arith.constant 1250 : i32
      %lt3A_108 = arith.cmpi slt, %add3A_106, %lt3A_107 : i32
      %and3A_109 = arith.andi %and3A_105, %lt3A_108 : i1
      %convert_element_type3A_110 = arith.extui %and3A_109 : i1 to i32
      %cond3A_111 = arith.constant 0 : i32
      %cond3A_112 = arith.cmpi ne, %convert_element_type3A_110, %cond3A_111 : i32
      scf.if %cond3A_112 {
        %dma_start3A = arith.constant 0 : i32
        %dma_start3A_159 = tpu.memref_slice %arg5[%sub3A_100, %dma_start3A] : memref<40x128xi32, #tpu.memory_space<vmem>> -> memref<1x128xi32, #tpu.memory_space<vmem>>
        %dma_start3A_160 = tpu.memref_squeeze %dma_start3A_159 : memref<1x128xi32, #tpu.memory_space<vmem>> -> memref<128xi32, #tpu.memory_space<vmem>>
        %dma_start3A_161 = arith.constant 0 : i32
        %dma_start3A_162 = arith.constant 0 : i32
        %dma_start3A_163 = tpu.memref_slice %arg2[%dma_start3A_161, %dma_start3A_162] : memref<10000x32xf32, #tpu.memory_space<hbm>> -> memref<10000x32xf32, #tpu.memory_space<hbm>>
        tpu.enqueue_indirect_dma source(%dma_start3A_163 : memref<10000x32xf32, #tpu.memory_space<hbm>>) target(%arg6 : memref<128x32xf32, #tpu.memory_space<vmem>>) offsets(%dma_start3A_160 : memref<128xi32, #tpu.memory_space<vmem>>) semaphore(%arg9 : memref<!tpu.dma_semaphore, #tpu.memory_space<semaphore_mem>>)
      } else {
      }
      %mul3A_113 = arith.constant 3 : i32
      %mul3A_114 = arith.muli %mul3A_113, %scan3A_22 : i32
      %add3A_115 = arith.constant 2 : i32
      %add3A_116 = arith.addi %mul3A_114, %add3A_115 : i32
      %ge3A_117 = arith.constant 0 : i32
      %ge3A_118 = arith.cmpi sge, %add3A_116, %ge3A_117 : i32
      %lt3A_119 = arith.constant 40 : i32
      %lt3A_120 = arith.cmpi slt, %add3A_116, %lt3A_119 : i32
      %and3A_121 = arith.andi %ge3A_118, %lt3A_120 : i1
      %add3A_122 = arith.addi %mul3A_2, %add3A_116 : i32
      %lt3A_123 = arith.constant 1250 : i32
      %lt3A_124 = arith.cmpi slt, %add3A_122, %lt3A_123 : i32
      %and3A_125 = arith.andi %and3A_121, %lt3A_124 : i1
      %convert_element_type3A_126 = arith.extui %and3A_125 : i1 to i32
      %cond3A_127 = arith.constant 0 : i32
      %cond3A_128 = arith.cmpi ne, %convert_element_type3A_126, %cond3A_127 : i32
      scf.if %cond3A_128 {
        %dma_wait3A = arith.constant 0 : i32
        %dma_wait3A_159 = tpu.memref_slice %arg5[%add3A_116, %dma_wait3A] : memref<40x128xi32, #tpu.memory_space<vmem>> -> memref<1x128xi32, #tpu.memory_space<vmem>>
        %dma_wait3A_160 = tpu.memref_squeeze %dma_wait3A_159 : memref<1x128xi32, #tpu.memory_space<vmem>> -> memref<128xi32, #tpu.memory_space<vmem>>
        %dma_wait3A_161 = arith.constant 0 : i32
        %dma_wait3A_162 = arith.constant 0 : i32
        %dma_wait3A_163 = tpu.memref_slice %arg2[%dma_wait3A_161, %dma_wait3A_162] : memref<10000x32xf32, #tpu.memory_space<hbm>> -> memref<10000x32xf32, #tpu.memory_space<hbm>>
        tpu.wait_indirect_dma semaphore(%arg11 : memref<!tpu.dma_semaphore, #tpu.memory_space<semaphore_mem>>) src(%dma_wait3A_163 : memref<10000x32xf32, #tpu.memory_space<hbm>>) dst(%arg8 : memref<128x32xf32, #tpu.memory_space<vmem>>)
        %add3A_164 = arith.addi %mul3A_2, %add3A_116 : i32
        %mul3A_165 = arith.constant 128 : i32
        %mul3A_166 = arith.muli %add3A_164, %mul3A_165 : i32
        %dma_start3A = arith.constant 0 : i32
        %dma_start3A_167 = tpu.memref_slice %arg4[%mul3A_166, %dma_start3A] : memref<160000x32xf32, #tpu.memory_space<hbm>> -> memref<128x32xf32, #tpu.memory_space<hbm>>
        %dma_start3A_168 = arith.constant 0 : i32
        %dma_start3A_169 = tpu.memref_slice %arg4[%mul3A_166, %dma_start3A_168] : memref<160000x32xf32, #tpu.memory_space<hbm>> -> memref<128x32xf32, #tpu.memory_space<hbm>>
        tpu.enqueue_dma source(%arg8 : memref<128x32xf32, #tpu.memory_space<vmem>>) target(%dma_start3A_169 : memref<128x32xf32, #tpu.memory_space<hbm>>) target_semaphore(%arg14 : memref<!tpu.dma_semaphore, #tpu.memory_space<semaphore_mem>>)
      } else {
      }
      %sub3A_129 = arith.constant 1 : i32
      %sub3A_130 = arith.subi %add3A_116, %sub3A_129 : i32
      %ge3A_131 = arith.constant 0 : i32
      %ge3A_132 = arith.cmpi sge, %sub3A_130, %ge3A_131 : i32
      %lt3A_133 = arith.constant 40 : i32
      %lt3A_134 = arith.cmpi slt, %sub3A_130, %lt3A_133 : i32
      %and3A_135 = arith.andi %ge3A_132, %lt3A_134 : i1
      %add3A_136 = arith.addi %mul3A_2, %sub3A_130 : i32
      %lt3A_137 = arith.constant 1250 : i32
      %lt3A_138 = arith.cmpi slt, %add3A_136, %lt3A_137 : i32
      %and3A_139 = arith.andi %and3A_135, %lt3A_138 : i1
      %convert_element_type3A_140 = arith.extui %and3A_139 : i1 to i32
      %cond3A_141 = arith.constant 0 : i32
      %cond3A_142 = arith.cmpi ne, %convert_element_type3A_140, %cond3A_141 : i32
      scf.if %cond3A_142 {
        %add3A_159 = arith.addi %mul3A_2, %sub3A_130 : i32
        %mul3A_160 = arith.constant 128 : i32
        %mul3A_161 = arith.muli %add3A_159, %mul3A_160 : i32
        %dma_wait3A = arith.constant 0 : i32
        %dma_wait3A_162 = tpu.memref_slice %arg4[%mul3A_161, %dma_wait3A] : memref<160000x32xf32, #tpu.memory_space<hbm>> -> memref<128x32xf32, #tpu.memory_space<hbm>>
        %dma_wait3A_163 = arith.constant 0 : i32
        %dma_wait3A_164 = tpu.memref_slice %arg4[%mul3A_161, %dma_wait3A_163] : memref<160000x32xf32, #tpu.memory_space<hbm>> -> memref<128x32xf32, #tpu.memory_space<hbm>>
        tpu.wait_dma2 semaphore(%arg13 : memref<!tpu.dma_semaphore, #tpu.memory_space<semaphore_mem>>) src(%arg7 : memref<128x32xf32, #tpu.memory_space<vmem>>) dst(%dma_wait3A_164 : memref<128x32xf32, #tpu.memory_space<hbm>>)
      } else {
      }
      %add3A_143 = arith.constant 3 : i32
      %add3A_144 = arith.addi %add3A_116, %add3A_143 : i32
      %sub3A_145 = arith.constant 1 : i32
      %sub3A_146 = arith.subi %add3A_144, %sub3A_145 : i32
      %ge3A_147 = arith.constant 0 : i32
      %ge3A_148 = arith.cmpi sge, %sub3A_146, %ge3A_147 : i32
      %lt3A_149 = arith.constant 40 : i32
      %lt3A_150 = arith.cmpi slt, %sub3A_146, %lt3A_149 : i32
      %and3A_151 = arith.andi %ge3A_148, %lt3A_150 : i1
      %add3A_152 = arith.addi %mul3A_2, %sub3A_146 : i32
      %lt3A_153 = arith.constant 1250 : i32
      %lt3A_154 = arith.cmpi slt, %add3A_152, %lt3A_153 : i32
      %and3A_155 = arith.andi %and3A_151, %lt3A_154 : i1
      %convert_element_type3A_156 = arith.extui %and3A_155 : i1 to i32
      %cond3A_157 = arith.constant 0 : i32
      %cond3A_158 = arith.cmpi ne, %convert_element_type3A_156, %cond3A_157 : i32
      scf.if %cond3A_158 {
        %dma_start3A = arith.constant 0 : i32
        %dma_start3A_159 = tpu.memref_slice %arg5[%sub3A_146, %dma_start3A] : memref<40x128xi32, #tpu.memory_space<vmem>> -> memref<1x128xi32, #tpu.memory_space<vmem>>
        %dma_start3A_160 = tpu.memref_squeeze %dma_start3A_159 : memref<1x128xi32, #tpu.memory_space<vmem>> -> memref<128xi32, #tpu.memory_space<vmem>>
        %dma_start3A_161 = arith.constant 0 : i32
        %dma_start3A_162 = arith.constant 0 : i32
        %dma_start3A_163 = tpu.memref_slice %arg2[%dma_start3A_161, %dma_start3A_162] : memref<10000x32xf32, #tpu.memory_space<hbm>> -> memref<10000x32xf32, #tpu.memory_space<hbm>>
        tpu.enqueue_indirect_dma source(%dma_start3A_163 : memref<10000x32xf32, #tpu.memory_space<hbm>>) target(%arg7 : memref<128x32xf32, #tpu.memory_space<vmem>>) offsets(%dma_start3A_160 : memref<128xi32, #tpu.memory_space<vmem>>) semaphore(%arg10 : memref<!tpu.dma_semaphore, #tpu.memory_space<semaphore_mem>>)
      } else {
      }
    }
    %scan3A_21 = arith.constant 14 : i32
    return
  }
}

#map = affine_map<(d0, d1) -> (0, 0)>
#map1 = affine_map<(d0, d1) -> (0, 0, 0)>
module attributes {stable_mosaic.version = 14 : i64} {
  func.func @body(%arg0: i32, %arg1: i32, %arg2: memref<160000x32xf32, #tpu.memory_space<hbm>>, %arg3: memref<32x40x128xi32, #tpu.memory_space<hbm>>, %arg4: memref<10000x32xf32, #tpu.memory_space<hbm>>, %arg5: memref<2x10000x32xf32, #tpu.memory_space<hbm>>, %arg6: memref<40x128xi32, #tpu.memory_space<vmem>>, %arg7: memref<128x32xf32, #tpu.memory_space<vmem>>, %arg8: memref<128x32xf32, #tpu.memory_space<vmem>>, %arg9: memref<128x32xf32, #tpu.memory_space<vmem>>, %arg10: memref<!tpu.dma_semaphore, #tpu.memory_space<semaphore_mem>>, %arg11: memref<!tpu.dma_semaphore, #tpu.memory_space<semaphore_mem>>, %arg12: memref<!tpu.dma_semaphore, #tpu.memory_space<semaphore_mem>>, %arg13: memref<!tpu.dma_semaphore, #tpu.memory_space<semaphore_mem>>, %arg14: memref<!tpu.dma_semaphore, #tpu.memory_space<semaphore_mem>>, %arg15: memref<!tpu.dma_semaphore, #tpu.memory_space<semaphore_mem>>, %arg16: memref<10000x32xf32, #tpu.memory_space<vmem_shared>>) attributes {dimension_semantics = [#tpu.dimension_semantics<core_parallel>, #tpu.dimension_semantics<subcore_parallel>], iteration_bounds = array<i64: 2, 16>, scalar_prefetch = 0 : i64, scratch_operands = 11 : i64, tpu.core_type = #tpu.core_type<sc_vector_subcore>, window_params = [{transform_indices = #map}, {transform_indices = #map1}, {transform_indices = #map}, {transform_indices = #map1}]} {
    %mul3A = arith.constant 2 : i32
    %mul3A_0 = arith.muli %arg1, %mul3A : i32
    %add3A = arith.addi %mul3A_0, %arg0 : i32
    %mul3A_1 = arith.constant 40 : i32
    %mul3A_2 = arith.muli %add3A, %mul3A_1 : i32
    %mul3A_3 = arith.constant 625 : i32
    %mul3A_4 = arith.muli %arg1, %mul3A_3 : i32
    "tpu.region"() ({
      %run_scoped3A = tpu.sem_alloc : memref<!tpu.dma_semaphore, #tpu.memory_space<semaphore_mem>>
      %dma_start3A = arith.constant 0 : i32
      %dma_start3A_25 = arith.constant 0 : i32
      %dma_start3A_26 = tpu.memref_slice %arg3[%add3A, %dma_start3A, %dma_start3A_25] : memref<32x40x128xi32, #tpu.memory_space<hbm>> -> memref<1x40x128xi32, #tpu.memory_space<hbm>>
      %dma_start3A_27 = tpu.memref_squeeze %dma_start3A_26 : memref<1x40x128xi32, #tpu.memory_space<hbm>> -> memref<40x128xi32, #tpu.memory_space<hbm>>
      %dma_start3A_28 = arith.constant 0 : i32
      %dma_start3A_29 = arith.constant 0 : i32
      %dma_start3A_30 = tpu.memref_slice %arg3[%add3A, %dma_start3A_28, %dma_start3A_29] : memref<32x40x128xi32, #tpu.memory_space<hbm>> -> memref<1x40x128xi32, #tpu.memory_space<hbm>>
      %dma_start3A_31 = tpu.memref_squeeze %dma_start3A_30 : memref<1x40x128xi32, #tpu.memory_space<hbm>> -> memref<40x128xi32, #tpu.memory_space<hbm>>
      tpu.enqueue_dma source(%dma_start3A_31 : memref<40x128xi32, #tpu.memory_space<hbm>>) target(%arg6 : memref<40x128xi32, #tpu.memory_space<vmem>>) target_semaphore(%run_scoped3A : memref<!tpu.dma_semaphore, #tpu.memory_space<semaphore_mem>>)
      %dma_wait3A = arith.constant 0 : i32
      %dma_wait3A_32 = arith.constant 0 : i32
      %dma_wait3A_33 = tpu.memref_slice %arg3[%add3A, %dma_wait3A, %dma_wait3A_32] : memref<32x40x128xi32, #tpu.memory_space<hbm>> -> memref<1x40x128xi32, #tpu.memory_space<hbm>>
      %dma_wait3A_34 = tpu.memref_squeeze %dma_wait3A_33 : memref<1x40x128xi32, #tpu.memory_space<hbm>> -> memref<40x128xi32, #tpu.memory_space<hbm>>
      %dma_wait3A_35 = arith.constant 0 : i32
      %dma_wait3A_36 = arith.constant 0 : i32
      %dma_wait3A_37 = tpu.memref_slice %arg3[%add3A, %dma_wait3A_35, %dma_wait3A_36] : memref<32x40x128xi32, #tpu.memory_space<hbm>> -> memref<1x40x128xi32, #tpu.memory_space<hbm>>
      %dma_wait3A_38 = tpu.memref_squeeze %dma_wait3A_37 : memref<1x40x128xi32, #tpu.memory_space<hbm>> -> memref<40x128xi32, #tpu.memory_space<hbm>>
      tpu.wait_dma2 semaphore(%run_scoped3A : memref<!tpu.dma_semaphore, #tpu.memory_space<semaphore_mem>>) src(%dma_wait3A_38 : memref<40x128xi32, #tpu.memory_space<hbm>>) dst(%arg6 : memref<40x128xi32, #tpu.memory_space<vmem>>)
      tpu.yield
    }) : () -> ()
    "tpu.region"() ({
      %run_scoped3A = tpu.sem_alloc : memref<!tpu.dma_semaphore, #tpu.memory_space<semaphore_mem>>
      %dma_start3A = arith.constant 0 : i32
      %dma_start3A_25 = tpu.memref_slice %arg16[%mul3A_4, %dma_start3A] : memref<10000x32xf32, #tpu.memory_space<vmem_shared>> -> memref<625x32xf32, #tpu.memory_space<vmem_shared>>
      %dma_start3A_26 = arith.constant 0 : i32
      %dma_start3A_27 = tpu.memref_slice %arg4[%mul3A_4, %dma_start3A_26] : memref<10000x32xf32, #tpu.memory_space<hbm>> -> memref<625x32xf32, #tpu.memory_space<hbm>>
      tpu.enqueue_dma source(%dma_start3A_27 : memref<625x32xf32, #tpu.memory_space<hbm>>) target(%dma_start3A_25 : memref<625x32xf32, #tpu.memory_space<vmem_shared>>) target_semaphore(%run_scoped3A : memref<!tpu.dma_semaphore, #tpu.memory_space<semaphore_mem>>)
      %dma_wait3A = arith.constant 0 : i32
      %dma_wait3A_28 = tpu.memref_slice %arg16[%mul3A_4, %dma_wait3A] : memref<10000x32xf32, #tpu.memory_space<vmem_shared>> -> memref<625x32xf32, #tpu.memory_space<vmem_shared>>
      %dma_wait3A_29 = arith.constant 0 : i32
      %dma_wait3A_30 = tpu.memref_slice %arg4[%mul3A_4, %dma_wait3A_29] : memref<10000x32xf32, #tpu.memory_space<hbm>> -> memref<625x32xf32, #tpu.memory_space<hbm>>
      tpu.wait_dma2 semaphore(%run_scoped3A : memref<!tpu.dma_semaphore, #tpu.memory_space<semaphore_mem>>) src(%dma_wait3A_30 : memref<625x32xf32, #tpu.memory_space<hbm>>) dst(%dma_wait3A_28 : memref<625x32xf32, #tpu.memory_space<vmem_shared>>)
      tpu.yield
    }) : () -> ()
    %barrier3A = arith.constant 0 : index
    tpu.barrier barrier_id(%barrier3A)
    %add3A_5 = arith.constant 0 : i32
    %add3A_6 = arith.addi %mul3A_2, %add3A_5 : i32
    %lt3A = arith.constant 1250 : i32
    %lt3A_7 = arith.cmpi slt, %add3A_6, %lt3A : i32
    %and3A = arith.constant true
    %and3A_8 = arith.andi %and3A, %lt3A_7 : i1
    %convert_element_type3A = arith.extui %and3A_8 : i1 to i32
    %cond3A = arith.constant 0 : i32
    %cond3A_9 = arith.cmpi ne, %convert_element_type3A, %cond3A : i32
    scf.if %cond3A_9 {
      %add3A_25 = arith.constant 0 : i32
      %add3A_26 = arith.addi %mul3A_2, %add3A_25 : i32
      %mul3A_27 = arith.constant 128 : i32
      %mul3A_28 = arith.muli %add3A_26, %mul3A_27 : i32
      %dma_start3A = arith.constant 0 : i32
      %dma_start3A_29 = tpu.memref_slice %arg2[%mul3A_28, %dma_start3A] : memref<160000x32xf32, #tpu.memory_space<hbm>> -> memref<128x32xf32, #tpu.memory_space<hbm>>
      %dma_start3A_30 = arith.constant 0 : i32
      %dma_start3A_31 = tpu.memref_slice %arg2[%mul3A_28, %dma_start3A_30] : memref<160000x32xf32, #tpu.memory_space<hbm>> -> memref<128x32xf32, #tpu.memory_space<hbm>>
      tpu.enqueue_dma source(%dma_start3A_31 : memref<128x32xf32, #tpu.memory_space<hbm>>) target(%arg7 : memref<128x32xf32, #tpu.memory_space<vmem>>) target_semaphore(%arg10 : memref<!tpu.dma_semaphore, #tpu.memory_space<semaphore_mem>>)
    } else {
    }
    %add3A_10 = arith.constant 1 : i32
    %add3A_11 = arith.addi %mul3A_2, %add3A_10 : i32
    %lt3A_12 = arith.constant 1250 : i32
    %lt3A_13 = arith.cmpi slt, %add3A_11, %lt3A_12 : i32
    %and3A_14 = arith.constant true
    %and3A_15 = arith.andi %and3A_14, %lt3A_13 : i1
    %convert_element_type3A_16 = arith.extui %and3A_15 : i1 to i32
    %cond3A_17 = arith.constant 0 : i32
    %cond3A_18 = arith.cmpi ne, %convert_element_type3A_16, %cond3A_17 : i32
    scf.if %cond3A_18 {
      %add3A_25 = arith.constant 1 : i32
      %add3A_26 = arith.addi %mul3A_2, %add3A_25 : i32
      %mul3A_27 = arith.constant 128 : i32
      %mul3A_28 = arith.muli %add3A_26, %mul3A_27 : i32
      %dma_start3A = arith.constant 0 : i32
      %dma_start3A_29 = tpu.memref_slice %arg2[%mul3A_28, %dma_start3A] : memref<160000x32xf32, #tpu.memory_space<hbm>> -> memref<128x32xf32, #tpu.memory_space<hbm>>
      %dma_start3A_30 = arith.constant 0 : i32
      %dma_start3A_31 = tpu.memref_slice %arg2[%mul3A_28, %dma_start3A_30] : memref<160000x32xf32, #tpu.memory_space<hbm>> -> memref<128x32xf32, #tpu.memory_space<hbm>>
      tpu.enqueue_dma source(%dma_start3A_31 : memref<128x32xf32, #tpu.memory_space<hbm>>) target(%arg8 : memref<128x32xf32, #tpu.memory_space<vmem>>) target_semaphore(%arg11 : memref<!tpu.dma_semaphore, #tpu.memory_space<semaphore_mem>>)
    } else {
    }
    %scan3A = arith.constant 0 : i32
    %scan3A_19 = arith.constant 0 : i32
    %scan3A_20 = arith.constant 14 : i32
    %scan3A_21 = arith.addi %scan3A_19, %scan3A_20 : i32
    %scan3A_22 = arith.constant 1 : i32
    scf.for %scan3A_25 = %scan3A_19 to %scan3A_21 step %scan3A_22  : i32 {
      %mul3A_26 = arith.constant 3 : i32
      %mul3A_27 = arith.muli %mul3A_26, %scan3A_25 : i32
      %add3A_28 = arith.constant 0 : i32
      %add3A_29 = arith.addi %mul3A_27, %add3A_28 : i32
      %ge3A = arith.constant 0 : i32
      %ge3A_30 = arith.cmpi sge, %add3A_29, %ge3A : i32
      %lt3A_31 = arith.constant 40 : i32
      %lt3A_32 = arith.cmpi slt, %add3A_29, %lt3A_31 : i32
      %and3A_33 = arith.andi %ge3A_30, %lt3A_32 : i1
      %add3A_34 = arith.addi %mul3A_2, %add3A_29 : i32
      %lt3A_35 = arith.constant 1250 : i32
      %lt3A_36 = arith.cmpi slt, %add3A_34, %lt3A_35 : i32
      %and3A_37 = arith.andi %and3A_33, %lt3A_36 : i1
      %convert_element_type3A_38 = arith.extui %and3A_37 : i1 to i32
      %cond3A_39 = arith.constant 0 : i32
      %cond3A_40 = arith.cmpi ne, %convert_element_type3A_38, %cond3A_39 : i32
      scf.if %cond3A_40 {
        %add3A_162 = arith.addi %mul3A_2, %add3A_29 : i32
        %mul3A_163 = arith.constant 128 : i32
        %mul3A_164 = arith.muli %add3A_162, %mul3A_163 : i32
        %dma_wait3A = arith.constant 0 : i32
        %dma_wait3A_165 = tpu.memref_slice %arg2[%mul3A_164, %dma_wait3A] : memref<160000x32xf32, #tpu.memory_space<hbm>> -> memref<128x32xf32, #tpu.memory_space<hbm>>
        %dma_wait3A_166 = arith.constant 0 : i32
        %dma_wait3A_167 = tpu.memref_slice %arg2[%mul3A_164, %dma_wait3A_166] : memref<160000x32xf32, #tpu.memory_space<hbm>> -> memref<128x32xf32, #tpu.memory_space<hbm>>
        tpu.wait_dma2 semaphore(%arg10 : memref<!tpu.dma_semaphore, #tpu.memory_space<semaphore_mem>>) src(%dma_wait3A_167 : memref<128x32xf32, #tpu.memory_space<hbm>>) dst(%arg7 : memref<128x32xf32, #tpu.memory_space<vmem>>)
        %dma_start3A = arith.constant 0 : i32
        %dma_start3A_168 = tpu.memref_slice %arg6[%add3A_29, %dma_start3A] : memref<40x128xi32, #tpu.memory_space<vmem>> -> memref<1x128xi32, #tpu.memory_space<vmem>>
        %dma_start3A_169 = tpu.memref_squeeze %dma_start3A_168 : memref<1x128xi32, #tpu.memory_space<vmem>> -> memref<128xi32, #tpu.memory_space<vmem>>
        %dma_start3A_170 = arith.constant 0 : i32
        %dma_start3A_171 = arith.constant 0 : i32
        %dma_start3A_172 = tpu.memref_slice %arg16[%dma_start3A_170, %dma_start3A_171] : memref<10000x32xf32, #tpu.memory_space<vmem_shared>> -> memref<10000x32xf32, #tpu.memory_space<vmem_shared>>
        tpu.enqueue_indirect_dma source(%arg7 : memref<128x32xf32, #tpu.memory_space<vmem>>) target(%dma_start3A_172 : memref<10000x32xf32, #tpu.memory_space<vmem_shared>>) offsets(%dma_start3A_169 : memref<128xi32, #tpu.memory_space<vmem>>) semaphore(%arg13 : memref<!tpu.dma_semaphore, #tpu.memory_space<semaphore_mem>>) {add = true}
      } else {
      }
      %sub3A = arith.constant 1 : i32
      %sub3A_41 = arith.subi %add3A_29, %sub3A : i32
      %ge3A_42 = arith.constant 0 : i32
      %ge3A_43 = arith.cmpi sge, %sub3A_41, %ge3A_42 : i32
      %lt3A_44 = arith.constant 40 : i32
      %lt3A_45 = arith.cmpi slt, %sub3A_41, %lt3A_44 : i32
      %and3A_46 = arith.andi %ge3A_43, %lt3A_45 : i1
      %add3A_47 = arith.addi %mul3A_2, %sub3A_41 : i32
      %lt3A_48 = arith.constant 1250 : i32
      %lt3A_49 = arith.cmpi slt, %add3A_47, %lt3A_48 : i32
      %and3A_50 = arith.andi %and3A_46, %lt3A_49 : i1
      %convert_element_type3A_51 = arith.extui %and3A_50 : i1 to i32
      %cond3A_52 = arith.constant 0 : i32
      %cond3A_53 = arith.cmpi ne, %convert_element_type3A_51, %cond3A_52 : i32
      scf.if %cond3A_53 {
        %dma_wait3A = arith.constant 0 : i32
        %dma_wait3A_162 = tpu.memref_slice %arg6[%sub3A_41, %dma_wait3A] : memref<40x128xi32, #tpu.memory_space<vmem>> -> memref<1x128xi32, #tpu.memory_space<vmem>>
        %dma_wait3A_163 = tpu.memref_squeeze %dma_wait3A_162 : memref<1x128xi32, #tpu.memory_space<vmem>> -> memref<128xi32, #tpu.memory_space<vmem>>
        %dma_wait3A_164 = arith.constant 0 : i32
        %dma_wait3A_165 = arith.constant 0 : i32
        %dma_wait3A_166 = tpu.memref_slice %arg16[%dma_wait3A_164, %dma_wait3A_165] : memref<10000x32xf32, #tpu.memory_space<vmem_shared>> -> memref<10000x32xf32, #tpu.memory_space<vmem_shared>>
        tpu.wait_indirect_dma semaphore(%arg15 : memref<!tpu.dma_semaphore, #tpu.memory_space<semaphore_mem>>) src(%arg9 : memref<128x32xf32, #tpu.memory_space<vmem>>) dst(%dma_wait3A_166 : memref<10000x32xf32, #tpu.memory_space<vmem_shared>>)
      } else {
      }
      %add3A_54 = arith.constant 3 : i32
      %add3A_55 = arith.addi %add3A_29, %add3A_54 : i32
      %sub3A_56 = arith.constant 1 : i32
      %sub3A_57 = arith.subi %add3A_55, %sub3A_56 : i32
      %ge3A_58 = arith.constant 0 : i32
      %ge3A_59 = arith.cmpi sge, %sub3A_57, %ge3A_58 : i32
      %lt3A_60 = arith.constant 40 : i32
      %lt3A_61 = arith.cmpi slt, %sub3A_57, %lt3A_60 : i32
      %and3A_62 = arith.andi %ge3A_59, %lt3A_61 : i1
      %add3A_63 = arith.addi %mul3A_2, %sub3A_57 : i32
      %lt3A_64 = arith.constant 1250 : i32
      %lt3A_65 = arith.cmpi slt, %add3A_63, %lt3A_64 : i32
      %and3A_66 = arith.andi %and3A_62, %lt3A_65 : i1
      %convert_element_type3A_67 = arith.extui %and3A_66 : i1 to i32
      %cond3A_68 = arith.constant 0 : i32
      %cond3A_69 = arith.cmpi ne, %convert_element_type3A_67, %cond3A_68 : i32
      scf.if %cond3A_69 {
        %add3A_162 = arith.addi %mul3A_2, %sub3A_57 : i32
        %mul3A_163 = arith.constant 128 : i32
        %mul3A_164 = arith.muli %add3A_162, %mul3A_163 : i32
        %dma_start3A = arith.constant 0 : i32
        %dma_start3A_165 = tpu.memref_slice %arg2[%mul3A_164, %dma_start3A] : memref<160000x32xf32, #tpu.memory_space<hbm>> -> memref<128x32xf32, #tpu.memory_space<hbm>>
        %dma_start3A_166 = arith.constant 0 : i32
        %dma_start3A_167 = tpu.memref_slice %arg2[%mul3A_164, %dma_start3A_166] : memref<160000x32xf32, #tpu.memory_space<hbm>> -> memref<128x32xf32, #tpu.memory_space<hbm>>
        tpu.enqueue_dma source(%dma_start3A_167 : memref<128x32xf32, #tpu.memory_space<hbm>>) target(%arg9 : memref<128x32xf32, #tpu.memory_space<vmem>>) target_semaphore(%arg12 : memref<!tpu.dma_semaphore, #tpu.memory_space<semaphore_mem>>)
      } else {
      }
      %mul3A_70 = arith.constant 3 : i32
      %mul3A_71 = arith.muli %mul3A_70, %scan3A_25 : i32
      %add3A_72 = arith.constant 1 : i32
      %add3A_73 = arith.addi %mul3A_71, %add3A_72 : i32
      %ge3A_74 = arith.constant 0 : i32
      %ge3A_75 = arith.cmpi sge, %add3A_73, %ge3A_74 : i32
      %lt3A_76 = arith.constant 40 : i32
      %lt3A_77 = arith.cmpi slt, %add3A_73, %lt3A_76 : i32
      %and3A_78 = arith.andi %ge3A_75, %lt3A_77 : i1
      %add3A_79 = arith.addi %mul3A_2, %add3A_73 : i32
      %lt3A_80 = arith.constant 1250 : i32
      %lt3A_81 = arith.cmpi slt, %add3A_79, %lt3A_80 : i32
      %and3A_82 = arith.andi %and3A_78, %lt3A_81 : i1
      %convert_element_type3A_83 = arith.extui %and3A_82 : i1 to i32
      %cond3A_84 = arith.constant 0 : i32
      %cond3A_85 = arith.cmpi ne, %convert_element_type3A_83, %cond3A_84 : i32
      scf.if %cond3A_85 {
        %add3A_162 = arith.addi %mul3A_2, %add3A_73 : i32
        %mul3A_163 = arith.constant 128 : i32
        %mul3A_164 = arith.muli %add3A_162, %mul3A_163 : i32
        %dma_wait3A = arith.constant 0 : i32
        %dma_wait3A_165 = tpu.memref_slice %arg2[%mul3A_164, %dma_wait3A] : memref<160000x32xf32, #tpu.memory_space<hbm>> -> memref<128x32xf32, #tpu.memory_space<hbm>>
        %dma_wait3A_166 = arith.constant 0 : i32
        %dma_wait3A_167 = tpu.memref_slice %arg2[%mul3A_164, %dma_wait3A_166] : memref<160000x32xf32, #tpu.memory_space<hbm>> -> memref<128x32xf32, #tpu.memory_space<hbm>>
        tpu.wait_dma2 semaphore(%arg11 : memref<!tpu.dma_semaphore, #tpu.memory_space<semaphore_mem>>) src(%dma_wait3A_167 : memref<128x32xf32, #tpu.memory_space<hbm>>) dst(%arg8 : memref<128x32xf32, #tpu.memory_space<vmem>>)
        %dma_start3A = arith.constant 0 : i32
        %dma_start3A_168 = tpu.memref_slice %arg6[%add3A_73, %dma_start3A] : memref<40x128xi32, #tpu.memory_space<vmem>> -> memref<1x128xi32, #tpu.memory_space<vmem>>
        %dma_start3A_169 = tpu.memref_squeeze %dma_start3A_168 : memref<1x128xi32, #tpu.memory_space<vmem>> -> memref<128xi32, #tpu.memory_space<vmem>>
        %dma_start3A_170 = arith.constant 0 : i32
        %dma_start3A_171 = arith.constant 0 : i32
        %dma_start3A_172 = tpu.memref_slice %arg16[%dma_start3A_170, %dma_start3A_171] : memref<10000x32xf32, #tpu.memory_space<vmem_shared>> -> memref<10000x32xf32, #tpu.memory_space<vmem_shared>>
        tpu.enqueue_indirect_dma source(%arg8 : memref<128x32xf32, #tpu.memory_space<vmem>>) target(%dma_start3A_172 : memref<10000x32xf32, #tpu.memory_space<vmem_shared>>) offsets(%dma_start3A_169 : memref<128xi32, #tpu.memory_space<vmem>>) semaphore(%arg14 : memref<!tpu.dma_semaphore, #tpu.memory_space<semaphore_mem>>) {add = true}
      } else {
      }
      %sub3A_86 = arith.constant 1 : i32
      %sub3A_87 = arith.subi %add3A_73, %sub3A_86 : i32
      %ge3A_88 = arith.constant 0 : i32
      %ge3A_89 = arith.cmpi sge, %sub3A_87, %ge3A_88 : i32
      %lt3A_90 = arith.constant 40 : i32
      %lt3A_91 = arith.cmpi slt, %sub3A_87, %lt3A_90 : i32
      %and3A_92 = arith.andi %ge3A_89, %lt3A_91 : i1
      %add3A_93 = arith.addi %mul3A_2, %sub3A_87 : i32
      %lt3A_94 = arith.constant 1250 : i32
      %lt3A_95 = arith.cmpi slt, %add3A_93, %lt3A_94 : i32
      %and3A_96 = arith.andi %and3A_92, %lt3A_95 : i1
      %convert_element_type3A_97 = arith.extui %and3A_96 : i1 to i32
      %cond3A_98 = arith.constant 0 : i32
      %cond3A_99 = arith.cmpi ne, %convert_element_type3A_97, %cond3A_98 : i32
      scf.if %cond3A_99 {
        %dma_wait3A = arith.constant 0 : i32
        %dma_wait3A_162 = tpu.memref_slice %arg6[%sub3A_87, %dma_wait3A] : memref<40x128xi32, #tpu.memory_space<vmem>> -> memref<1x128xi32, #tpu.memory_space<vmem>>
        %dma_wait3A_163 = tpu.memref_squeeze %dma_wait3A_162 : memref<1x128xi32, #tpu.memory_space<vmem>> -> memref<128xi32, #tpu.memory_space<vmem>>
        %dma_wait3A_164 = arith.constant 0 : i32
        %dma_wait3A_165 = arith.constant 0 : i32
        %dma_wait3A_166 = tpu.memref_slice %arg16[%dma_wait3A_164, %dma_wait3A_165] : memref<10000x32xf32, #tpu.memory_space<vmem_shared>> -> memref<10000x32xf32, #tpu.memory_space<vmem_shared>>
        tpu.wait_indirect_dma semaphore(%arg13 : memref<!tpu.dma_semaphore, #tpu.memory_space<semaphore_mem>>) src(%arg7 : memref<128x32xf32, #tpu.memory_space<vmem>>) dst(%dma_wait3A_166 : memref<10000x32xf32, #tpu.memory_space<vmem_shared>>)
      } else {
      }
      %add3A_100 = arith.constant 3 : i32
      %add3A_101 = arith.addi %add3A_73, %add3A_100 : i32
      %sub3A_102 = arith.constant 1 : i32
      %sub3A_103 = arith.subi %add3A_101, %sub3A_102 : i32
      %ge3A_104 = arith.constant 0 : i32
      %ge3A_105 = arith.cmpi sge, %sub3A_103, %ge3A_104 : i32
      %lt3A_106 = arith.constant 40 : i32
      %lt3A_107 = arith.cmpi slt, %sub3A_103, %lt3A_106 : i32
      %and3A_108 = arith.andi %ge3A_105, %lt3A_107 : i1
      %add3A_109 = arith.addi %mul3A_2, %sub3A_103 : i32
      %lt3A_110 = arith.constant 1250 : i32
      %lt3A_111 = arith.cmpi slt, %add3A_109, %lt3A_110 : i32
      %and3A_112 = arith.andi %and3A_108, %lt3A_111 : i1
      %convert_element_type3A_113 = arith.extui %and3A_112 : i1 to i32
      %cond3A_114 = arith.constant 0 : i32
      %cond3A_115 = arith.cmpi ne, %convert_element_type3A_113, %cond3A_114 : i32
      scf.if %cond3A_115 {
        %add3A_162 = arith.addi %mul3A_2, %sub3A_103 : i32
        %mul3A_163 = arith.constant 128 : i32
        %mul3A_164 = arith.muli %add3A_162, %mul3A_163 : i32
        %dma_start3A = arith.constant 0 : i32
        %dma_start3A_165 = tpu.memref_slice %arg2[%mul3A_164, %dma_start3A] : memref<160000x32xf32, #tpu.memory_space<hbm>> -> memref<128x32xf32, #tpu.memory_space<hbm>>
        %dma_start3A_166 = arith.constant 0 : i32
        %dma_start3A_167 = tpu.memref_slice %arg2[%mul3A_164, %dma_start3A_166] : memref<160000x32xf32, #tpu.memory_space<hbm>> -> memref<128x32xf32, #tpu.memory_space<hbm>>
        tpu.enqueue_dma source(%dma_start3A_167 : memref<128x32xf32, #tpu.memory_space<hbm>>) target(%arg7 : memref<128x32xf32, #tpu.memory_space<vmem>>) target_semaphore(%arg10 : memref<!tpu.dma_semaphore, #tpu.memory_space<semaphore_mem>>)
      } else {
      }
      %mul3A_116 = arith.constant 3 : i32
      %mul3A_117 = arith.muli %mul3A_116, %scan3A_25 : i32
      %add3A_118 = arith.constant 2 : i32
      %add3A_119 = arith.addi %mul3A_117, %add3A_118 : i32
      %ge3A_120 = arith.constant 0 : i32
      %ge3A_121 = arith.cmpi sge, %add3A_119, %ge3A_120 : i32
      %lt3A_122 = arith.constant 40 : i32
      %lt3A_123 = arith.cmpi slt, %add3A_119, %lt3A_122 : i32
      %and3A_124 = arith.andi %ge3A_121, %lt3A_123 : i1
      %add3A_125 = arith.addi %mul3A_2, %add3A_119 : i32
      %lt3A_126 = arith.constant 1250 : i32
      %lt3A_127 = arith.cmpi slt, %add3A_125, %lt3A_126 : i32
      %and3A_128 = arith.andi %and3A_124, %lt3A_127 : i1
      %convert_element_type3A_129 = arith.extui %and3A_128 : i1 to i32
      %cond3A_130 = arith.constant 0 : i32
      %cond3A_131 = arith.cmpi ne, %convert_element_type3A_129, %cond3A_130 : i32
      scf.if %cond3A_131 {
        %add3A_162 = arith.addi %mul3A_2, %add3A_119 : i32
        %mul3A_163 = arith.constant 128 : i32
        %mul3A_164 = arith.muli %add3A_162, %mul3A_163 : i32
        %dma_wait3A = arith.constant 0 : i32
        %dma_wait3A_165 = tpu.memref_slice %arg2[%mul3A_164, %dma_wait3A] : memref<160000x32xf32, #tpu.memory_space<hbm>> -> memref<128x32xf32, #tpu.memory_space<hbm>>
        %dma_wait3A_166 = arith.constant 0 : i32
        %dma_wait3A_167 = tpu.memref_slice %arg2[%mul3A_164, %dma_wait3A_166] : memref<160000x32xf32, #tpu.memory_space<hbm>> -> memref<128x32xf32, #tpu.memory_space<hbm>>
        tpu.wait_dma2 semaphore(%arg12 : memref<!tpu.dma_semaphore, #tpu.memory_space<semaphore_mem>>) src(%dma_wait3A_167 : memref<128x32xf32, #tpu.memory_space<hbm>>) dst(%arg9 : memref<128x32xf32, #tpu.memory_space<vmem>>)
        %dma_start3A = arith.constant 0 : i32
        %dma_start3A_168 = tpu.memref_slice %arg6[%add3A_119, %dma_start3A] : memref<40x128xi32, #tpu.memory_space<vmem>> -> memref<1x128xi32, #tpu.memory_space<vmem>>
        %dma_start3A_169 = tpu.memref_squeeze %dma_start3A_168 : memref<1x128xi32, #tpu.memory_space<vmem>> -> memref<128xi32, #tpu.memory_space<vmem>>
        %dma_start3A_170 = arith.constant 0 : i32
        %dma_start3A_171 = arith.constant 0 : i32
        %dma_start3A_172 = tpu.memref_slice %arg16[%dma_start3A_170, %dma_start3A_171] : memref<10000x32xf32, #tpu.memory_space<vmem_shared>> -> memref<10000x32xf32, #tpu.memory_space<vmem_shared>>
        tpu.enqueue_indirect_dma source(%arg9 : memref<128x32xf32, #tpu.memory_space<vmem>>) target(%dma_start3A_172 : memref<10000x32xf32, #tpu.memory_space<vmem_shared>>) offsets(%dma_start3A_169 : memref<128xi32, #tpu.memory_space<vmem>>) semaphore(%arg15 : memref<!tpu.dma_semaphore, #tpu.memory_space<semaphore_mem>>) {add = true}
      } else {
      }
      %sub3A_132 = arith.constant 1 : i32
      %sub3A_133 = arith.subi %add3A_119, %sub3A_132 : i32
      %ge3A_134 = arith.constant 0 : i32
      %ge3A_135 = arith.cmpi sge, %sub3A_133, %ge3A_134 : i32
      %lt3A_136 = arith.constant 40 : i32
      %lt3A_137 = arith.cmpi slt, %sub3A_133, %lt3A_136 : i32
      %and3A_138 = arith.andi %ge3A_135, %lt3A_137 : i1
      %add3A_139 = arith.addi %mul3A_2, %sub3A_133 : i32
      %lt3A_140 = arith.constant 1250 : i32
      %lt3A_141 = arith.cmpi slt, %add3A_139, %lt3A_140 : i32
      %and3A_142 = arith.andi %and3A_138, %lt3A_141 : i1
      %convert_element_type3A_143 = arith.extui %and3A_142 : i1 to i32
      %cond3A_144 = arith.constant 0 : i32
      %cond3A_145 = arith.cmpi ne, %convert_element_type3A_143, %cond3A_144 : i32
      scf.if %cond3A_145 {
        %dma_wait3A = arith.constant 0 : i32
        %dma_wait3A_162 = tpu.memref_slice %arg6[%sub3A_133, %dma_wait3A] : memref<40x128xi32, #tpu.memory_space<vmem>> -> memref<1x128xi32, #tpu.memory_space<vmem>>
        %dma_wait3A_163 = tpu.memref_squeeze %dma_wait3A_162 : memref<1x128xi32, #tpu.memory_space<vmem>> -> memref<128xi32, #tpu.memory_space<vmem>>
        %dma_wait3A_164 = arith.constant 0 : i32
        %dma_wait3A_165 = arith.constant 0 : i32
        %dma_wait3A_166 = tpu.memref_slice %arg16[%dma_wait3A_164, %dma_wait3A_165] : memref<10000x32xf32, #tpu.memory_space<vmem_shared>> -> memref<10000x32xf32, #tpu.memory_space<vmem_shared>>
        tpu.wait_indirect_dma semaphore(%arg14 : memref<!tpu.dma_semaphore, #tpu.memory_space<semaphore_mem>>) src(%arg8 : memref<128x32xf32, #tpu.memory_space<vmem>>) dst(%dma_wait3A_166 : memref<10000x32xf32, #tpu.memory_space<vmem_shared>>)
      } else {
      }
      %add3A_146 = arith.constant 3 : i32
      %add3A_147 = arith.addi %add3A_119, %add3A_146 : i32
      %sub3A_148 = arith.constant 1 : i32
      %sub3A_149 = arith.subi %add3A_147, %sub3A_148 : i32
      %ge3A_150 = arith.constant 0 : i32
      %ge3A_151 = arith.cmpi sge, %sub3A_149, %ge3A_150 : i32
      %lt3A_152 = arith.constant 40 : i32
      %lt3A_153 = arith.cmpi slt, %sub3A_149, %lt3A_152 : i32
      %and3A_154 = arith.andi %ge3A_151, %lt3A_153 : i1
      %add3A_155 = arith.addi %mul3A_2, %sub3A_149 : i32
      %lt3A_156 = arith.constant 1250 : i32
      %lt3A_157 = arith.cmpi slt, %add3A_155, %lt3A_156 : i32
      %and3A_158 = arith.andi %and3A_154, %lt3A_157 : i1
      %convert_element_type3A_159 = arith.extui %and3A_158 : i1 to i32
      %cond3A_160 = arith.constant 0 : i32
      %cond3A_161 = arith.cmpi ne, %convert_element_type3A_159, %cond3A_160 : i32
      scf.if %cond3A_161 {
        %add3A_162 = arith.addi %mul3A_2, %sub3A_149 : i32
        %mul3A_163 = arith.constant 128 : i32
        %mul3A_164 = arith.muli %add3A_162, %mul3A_163 : i32
        %dma_start3A = arith.constant 0 : i32
        %dma_start3A_165 = tpu.memref_slice %arg2[%mul3A_164, %dma_start3A] : memref<160000x32xf32, #tpu.memory_space<hbm>> -> memref<128x32xf32, #tpu.memory_space<hbm>>
        %dma_start3A_166 = arith.constant 0 : i32
        %dma_start3A_167 = tpu.memref_slice %arg2[%mul3A_164, %dma_start3A_166] : memref<160000x32xf32, #tpu.memory_space<hbm>> -> memref<128x32xf32, #tpu.memory_space<hbm>>
        tpu.enqueue_dma source(%dma_start3A_167 : memref<128x32xf32, #tpu.memory_space<hbm>>) target(%arg8 : memref<128x32xf32, #tpu.memory_space<vmem>>) target_semaphore(%arg11 : memref<!tpu.dma_semaphore, #tpu.memory_space<semaphore_mem>>)
      } else {
      }
    }
    %scan3A_23 = arith.constant 14 : i32
    %barrier3A_24 = arith.constant 0 : index
    tpu.barrier barrier_id(%barrier3A_24)
    "tpu.region"() ({
      %run_scoped3A = tpu.sem_alloc : memref<!tpu.dma_semaphore, #tpu.memory_space<semaphore_mem>>
      %dma_start3A = arith.constant 0 : i32
      %dma_start3A_25 = tpu.memref_slice %arg5[%arg0, %mul3A_4, %dma_start3A] : memref<2x10000x32xf32, #tpu.memory_space<hbm>> -> memref<1x625x32xf32, #tpu.memory_space<hbm>>
      %dma_start3A_26 = tpu.memref_squeeze %dma_start3A_25 : memref<1x625x32xf32, #tpu.memory_space<hbm>> -> memref<625x32xf32, #tpu.memory_space<hbm>>
      %dma_start3A_27 = arith.constant 0 : i32
      %dma_start3A_28 = tpu.memref_slice %arg16[%mul3A_4, %dma_start3A_27] : memref<10000x32xf32, #tpu.memory_space<vmem_shared>> -> memref<625x32xf32, #tpu.memory_space<vmem_shared>>
      tpu.enqueue_dma source(%dma_start3A_28 : memref<625x32xf32, #tpu.memory_space<vmem_shared>>) target(%dma_start3A_26 : memref<625x32xf32, #tpu.memory_space<hbm>>) target_semaphore(%run_scoped3A : memref<!tpu.dma_semaphore, #tpu.memory_space<semaphore_mem>>)
      %dma_wait3A = arith.constant 0 : i32
      %dma_wait3A_29 = tpu.memref_slice %arg5[%arg0, %mul3A_4, %dma_wait3A] : memref<2x10000x32xf32, #tpu.memory_space<hbm>> -> memref<1x625x32xf32, #tpu.memory_space<hbm>>
      %dma_wait3A_30 = tpu.memref_squeeze %dma_wait3A_29 : memref<1x625x32xf32, #tpu.memory_space<hbm>> -> memref<625x32xf32, #tpu.memory_space<hbm>>
      %dma_wait3A_31 = arith.constant 0 : i32
      %dma_wait3A_32 = tpu.memref_slice %arg16[%mul3A_4, %dma_wait3A_31] : memref<10000x32xf32, #tpu.memory_space<vmem_shared>> -> memref<625x32xf32, #tpu.memory_space<vmem_shared>>
      tpu.wait_dma2 semaphore(%run_scoped3A : memref<!tpu.dma_semaphore, #tpu.memory_space<semaphore_mem>>) src(%dma_wait3A_32 : memref<625x32xf32, #tpu.memory_space<vmem_shared>>) dst(%dma_wait3A_30 : memref<625x32xf32, #tpu.memory_space<hbm>>)
      tpu.yield
    }) : () -> ()
    return
  }
}

#map = affine_map<(d0, d1) -> (0, 0)>
#map1 = affine_map<(d0, d1) -> (0, 0, 0)>
module attributes {stable_mosaic.version = 14 : i64} {
  func.func @body(%arg0: i32, %arg1: i32, %arg2: memref<10000x32xf32, #tpu.memory_space<hbm>>, %arg3: memref<32x1x128xi32, #tpu.memory_space<hbm>>, %arg4: memref<1024x32xf32, #tpu.memory_space<hbm>>, %arg5: memref<1x128xi32, #tpu.memory_space<vmem>>, %arg6: memref<128x32xf32, #tpu.memory_space<vmem>>, %arg7: memref<128x32xf32, #tpu.memory_space<vmem>>, %arg8: memref<128x32xf32, #tpu.memory_space<vmem>>, %arg9: memref<!tpu.dma_semaphore, #tpu.memory_space<semaphore_mem>>, %arg10: memref<!tpu.dma_semaphore, #tpu.memory_space<semaphore_mem>>, %arg11: memref<!tpu.dma_semaphore, #tpu.memory_space<semaphore_mem>>, %arg12: memref<!tpu.dma_semaphore, #tpu.memory_space<semaphore_mem>>, %arg13: memref<!tpu.dma_semaphore, #tpu.memory_space<semaphore_mem>>, %arg14: memref<!tpu.dma_semaphore, #tpu.memory_space<semaphore_mem>>) attributes {dimension_semantics = [#tpu.dimension_semantics<core_parallel>, #tpu.dimension_semantics<subcore_parallel>], iteration_bounds = array<i64: 2, 16>, scalar_prefetch = 0 : i64, scratch_operands = 10 : i64, tpu.core_type = #tpu.core_type<sc_vector_subcore>, window_params = [{transform_indices = #map}, {transform_indices = #map1}, {transform_indices = #map}]} {
    %mul3A = arith.constant 2 : i32
    %mul3A_0 = arith.muli %arg1, %mul3A : i32
    %add3A = arith.addi %mul3A_0, %arg0 : i32
    %mul3A_1 = arith.constant 1 : i32
    %mul3A_2 = arith.muli %add3A, %mul3A_1 : i32
    "tpu.region"() ({
      %run_scoped3A = tpu.sem_alloc : memref<!tpu.dma_semaphore, #tpu.memory_space<semaphore_mem>>
      %dma_start3A = arith.constant 0 : i32
      %dma_start3A_146 = arith.constant 0 : i32
      %dma_start3A_147 = tpu.memref_slice %arg3[%add3A, %dma_start3A, %dma_start3A_146] : memref<32x1x128xi32, #tpu.memory_space<hbm>> -> memref<1x1x128xi32, #tpu.memory_space<hbm>>
      %dma_start3A_148 = tpu.memref_squeeze %dma_start3A_147 : memref<1x1x128xi32, #tpu.memory_space<hbm>> -> memref<1x128xi32, #tpu.memory_space<hbm>>
      %dma_start3A_149 = arith.constant 0 : i32
      %dma_start3A_150 = arith.constant 0 : i32
      %dma_start3A_151 = tpu.memref_slice %arg3[%add3A, %dma_start3A_149, %dma_start3A_150] : memref<32x1x128xi32, #tpu.memory_space<hbm>> -> memref<1x1x128xi32, #tpu.memory_space<hbm>>
      %dma_start3A_152 = tpu.memref_squeeze %dma_start3A_151 : memref<1x1x128xi32, #tpu.memory_space<hbm>> -> memref<1x128xi32, #tpu.memory_space<hbm>>
      tpu.enqueue_dma source(%dma_start3A_152 : memref<1x128xi32, #tpu.memory_space<hbm>>) target(%arg5 : memref<1x128xi32, #tpu.memory_space<vmem>>) target_semaphore(%run_scoped3A : memref<!tpu.dma_semaphore, #tpu.memory_space<semaphore_mem>>)
      %dma_wait3A = arith.constant 0 : i32
      %dma_wait3A_153 = arith.constant 0 : i32
      %dma_wait3A_154 = tpu.memref_slice %arg3[%add3A, %dma_wait3A, %dma_wait3A_153] : memref<32x1x128xi32, #tpu.memory_space<hbm>> -> memref<1x1x128xi32, #tpu.memory_space<hbm>>
      %dma_wait3A_155 = tpu.memref_squeeze %dma_wait3A_154 : memref<1x1x128xi32, #tpu.memory_space<hbm>> -> memref<1x128xi32, #tpu.memory_space<hbm>>
      %dma_wait3A_156 = arith.constant 0 : i32
      %dma_wait3A_157 = arith.constant 0 : i32
      %dma_wait3A_158 = tpu.memref_slice %arg3[%add3A, %dma_wait3A_156, %dma_wait3A_157] : memref<32x1x128xi32, #tpu.memory_space<hbm>> -> memref<1x1x128xi32, #tpu.memory_space<hbm>>
      %dma_wait3A_159 = tpu.memref_squeeze %dma_wait3A_158 : memref<1x1x128xi32, #tpu.memory_space<hbm>> -> memref<1x128xi32, #tpu.memory_space<hbm>>
      tpu.wait_dma2 semaphore(%run_scoped3A : memref<!tpu.dma_semaphore, #tpu.memory_space<semaphore_mem>>) src(%dma_wait3A_159 : memref<1x128xi32, #tpu.memory_space<hbm>>) dst(%arg5 : memref<1x128xi32, #tpu.memory_space<vmem>>)
      tpu.yield
    }) : () -> ()
    %add3A_3 = arith.constant 0 : i32
    %add3A_4 = arith.addi %mul3A_2, %add3A_3 : i32
    %lt3A = arith.constant 8 : i32
    %lt3A_5 = arith.cmpi slt, %add3A_4, %lt3A : i32
    %and3A = arith.constant true
    %and3A_6 = arith.andi %and3A, %lt3A_5 : i1
    %convert_element_type3A = arith.extui %and3A_6 : i1 to i32
    %cond3A = arith.constant 0 : i32
    %cond3A_7 = arith.cmpi ne, %convert_element_type3A, %cond3A : i32
    scf.if %cond3A_7 {
      %dma_start3A = arith.constant 0 : i32
      %dma_start3A_146 = arith.constant 0 : i32
      %dma_start3A_147 = tpu.memref_slice %arg5[%dma_start3A, %dma_start3A_146] : memref<1x128xi32, #tpu.memory_space<vmem>> -> memref<1x128xi32, #tpu.memory_space<vmem>>
      %dma_start3A_148 = tpu.memref_squeeze %dma_start3A_147 : memref<1x128xi32, #tpu.memory_space<vmem>> -> memref<128xi32, #tpu.memory_space<vmem>>
      %dma_start3A_149 = arith.constant 0 : i32
      %dma_start3A_150 = arith.constant 0 : i32
      %dma_start3A_151 = tpu.memref_slice %arg2[%dma_start3A_149, %dma_start3A_150] : memref<10000x32xf32, #tpu.memory_space<hbm>> -> memref<10000x32xf32, #tpu.memory_space<hbm>>
      tpu.enqueue_indirect_dma source(%dma_start3A_151 : memref<10000x32xf32, #tpu.memory_space<hbm>>) target(%arg6 : memref<128x32xf32, #tpu.memory_space<vmem>>) offsets(%dma_start3A_148 : memref<128xi32, #tpu.memory_space<vmem>>) semaphore(%arg9 : memref<!tpu.dma_semaphore, #tpu.memory_space<semaphore_mem>>)
    } else {
    }
    %scan3A = arith.constant 0 : i32
    %scan3A_8 = arith.constant 0 : i32
    %mul3A_9 = arith.constant 3 : i32
    %mul3A_10 = arith.muli %mul3A_9, %scan3A_8 : i32
    %add3A_11 = arith.constant 0 : i32
    %add3A_12 = arith.addi %mul3A_10, %add3A_11 : i32
    %ge3A = arith.constant 0 : i32
    %ge3A_13 = arith.cmpi sge, %add3A_12, %ge3A : i32
    %lt3A_14 = arith.constant 1 : i32
    %lt3A_15 = arith.cmpi slt, %add3A_12, %lt3A_14 : i32
    %and3A_16 = arith.andi %ge3A_13, %lt3A_15 : i1
    %add3A_17 = arith.addi %mul3A_2, %add3A_12 : i32
    %lt3A_18 = arith.constant 8 : i32
    %lt3A_19 = arith.cmpi slt, %add3A_17, %lt3A_18 : i32
    %and3A_20 = arith.andi %and3A_16, %lt3A_19 : i1
    %convert_element_type3A_21 = arith.extui %and3A_20 : i1 to i32
    %cond3A_22 = arith.constant 0 : i32
    %cond3A_23 = arith.cmpi ne, %convert_element_type3A_21, %cond3A_22 : i32
    scf.if %cond3A_23 {
      %dma_wait3A = arith.constant 0 : i32
      %dma_wait3A_146 = tpu.memref_slice %arg5[%add3A_12, %dma_wait3A] : memref<1x128xi32, #tpu.memory_space<vmem>> -> memref<1x128xi32, #tpu.memory_space<vmem>>
      %dma_wait3A_147 = tpu.memref_squeeze %dma_wait3A_146 : memref<1x128xi32, #tpu.memory_space<vmem>> -> memref<128xi32, #tpu.memory_space<vmem>>
      %dma_wait3A_148 = arith.constant 0 : i32
      %dma_wait3A_149 = arith.constant 0 : i32
      %dma_wait3A_150 = tpu.memref_slice %arg2[%dma_wait3A_148, %dma_wait3A_149] : memref<10000x32xf32, #tpu.memory_space<hbm>> -> memref<10000x32xf32, #tpu.memory_space<hbm>>
      tpu.wait_indirect_dma semaphore(%arg9 : memref<!tpu.dma_semaphore, #tpu.memory_space<semaphore_mem>>) src(%dma_wait3A_150 : memref<10000x32xf32, #tpu.memory_space<hbm>>) dst(%arg6 : memref<128x32xf32, #tpu.memory_space<vmem>>)
      %add3A_151 = arith.addi %mul3A_2, %add3A_12 : i32
      %mul3A_152 = arith.constant 128 : i32
      %mul3A_153 = arith.muli %add3A_151, %mul3A_152 : i32
      %dma_start3A = arith.constant 0 : i32
      %dma_start3A_154 = tpu.memref_slice %arg4[%mul3A_153, %dma_start3A] : memref<1024x32xf32, #tpu.memory_space<hbm>> -> memref<128x32xf32, #tpu.memory_space<hbm>>
      %dma_start3A_155 = arith.constant 0 : i32
      %dma_start3A_156 = tpu.memref_slice %arg4[%mul3A_153, %dma_start3A_155] : memref<1024x32xf32, #tpu.memory_space<hbm>> -> memref<128x32xf32, #tpu.memory_space<hbm>>
      tpu.enqueue_dma source(%arg6 : memref<128x32xf32, #tpu.memory_space<vmem>>) target(%dma_start3A_156 : memref<128x32xf32, #tpu.memory_space<hbm>>) target_semaphore(%arg12 : memref<!tpu.dma_semaphore, #tpu.memory_space<semaphore_mem>>)
    } else {
    }
    %sub3A = arith.constant 1 : i32
    %sub3A_24 = arith.subi %add3A_12, %sub3A : i32
    %ge3A_25 = arith.constant 0 : i32
    %ge3A_26 = arith.cmpi sge, %sub3A_24, %ge3A_25 : i32
    %lt3A_27 = arith.constant 1 : i32
    %lt3A_28 = arith.cmpi slt, %sub3A_24, %lt3A_27 : i32
    %and3A_29 = arith.andi %ge3A_26, %lt3A_28 : i1
    %add3A_30 = arith.addi %mul3A_2, %sub3A_24 : i32
    %lt3A_31 = arith.constant 8 : i32
    %lt3A_32 = arith.cmpi slt, %add3A_30, %lt3A_31 : i32
    %and3A_33 = arith.andi %and3A_29, %lt3A_32 : i1
    %convert_element_type3A_34 = arith.extui %and3A_33 : i1 to i32
    %cond3A_35 = arith.constant 0 : i32
    %cond3A_36 = arith.cmpi ne, %convert_element_type3A_34, %cond3A_35 : i32
    scf.if %cond3A_36 {
      %add3A_146 = arith.addi %mul3A_2, %sub3A_24 : i32
      %mul3A_147 = arith.constant 128 : i32
      %mul3A_148 = arith.muli %add3A_146, %mul3A_147 : i32
      %dma_wait3A = arith.constant 0 : i32
      %dma_wait3A_149 = tpu.memref_slice %arg4[%mul3A_148, %dma_wait3A] : memref<1024x32xf32, #tpu.memory_space<hbm>> -> memref<128x32xf32, #tpu.memory_space<hbm>>
      %dma_wait3A_150 = arith.constant 0 : i32
      %dma_wait3A_151 = tpu.memref_slice %arg4[%mul3A_148, %dma_wait3A_150] : memref<1024x32xf32, #tpu.memory_space<hbm>> -> memref<128x32xf32, #tpu.memory_space<hbm>>
      tpu.wait_dma2 semaphore(%arg14 : memref<!tpu.dma_semaphore, #tpu.memory_space<semaphore_mem>>) src(%arg8 : memref<128x32xf32, #tpu.memory_space<vmem>>) dst(%dma_wait3A_151 : memref<128x32xf32, #tpu.memory_space<hbm>>)
    } else {
    }
    %add3A_37 = arith.constant 3 : i32
    %add3A_38 = arith.addi %add3A_12, %add3A_37 : i32
    %sub3A_39 = arith.constant 1 : i32
    %sub3A_40 = arith.subi %add3A_38, %sub3A_39 : i32
    %ge3A_41 = arith.constant 0 : i32
    %ge3A_42 = arith.cmpi sge, %sub3A_40, %ge3A_41 : i32
    %lt3A_43 = arith.constant 1 : i32
    %lt3A_44 = arith.cmpi slt, %sub3A_40, %lt3A_43 : i32
    %and3A_45 = arith.andi %ge3A_42, %lt3A_44 : i1
    %add3A_46 = arith.addi %mul3A_2, %sub3A_40 : i32
    %lt3A_47 = arith.constant 8 : i32
    %lt3A_48 = arith.cmpi slt, %add3A_46, %lt3A_47 : i32
    %and3A_49 = arith.andi %and3A_45, %lt3A_48 : i1
    %convert_element_type3A_50 = arith.extui %and3A_49 : i1 to i32
    %cond3A_51 = arith.constant 0 : i32
    %cond3A_52 = arith.cmpi ne, %convert_element_type3A_50, %cond3A_51 : i32
    scf.if %cond3A_52 {
      %dma_start3A = arith.constant 0 : i32
      %dma_start3A_146 = tpu.memref_slice %arg5[%sub3A_40, %dma_start3A] : memref<1x128xi32, #tpu.memory_space<vmem>> -> memref<1x128xi32, #tpu.memory_space<vmem>>
      %dma_start3A_147 = tpu.memref_squeeze %dma_start3A_146 : memref<1x128xi32, #tpu.memory_space<vmem>> -> memref<128xi32, #tpu.memory_space<vmem>>
      %dma_start3A_148 = arith.constant 0 : i32
      %dma_start3A_149 = arith.constant 0 : i32
      %dma_start3A_150 = tpu.memref_slice %arg2[%dma_start3A_148, %dma_start3A_149] : memref<10000x32xf32, #tpu.memory_space<hbm>> -> memref<10000x32xf32, #tpu.memory_space<hbm>>
      tpu.enqueue_indirect_dma source(%dma_start3A_150 : memref<10000x32xf32, #tpu.memory_space<hbm>>) target(%arg8 : memref<128x32xf32, #tpu.memory_space<vmem>>) offsets(%dma_start3A_147 : memref<128xi32, #tpu.memory_space<vmem>>) semaphore(%arg11 : memref<!tpu.dma_semaphore, #tpu.memory_space<semaphore_mem>>)
    } else {
    }
    %mul3A_53 = arith.constant 3 : i32
    %mul3A_54 = arith.muli %mul3A_53, %scan3A_8 : i32
    %add3A_55 = arith.constant 1 : i32
    %add3A_56 = arith.addi %mul3A_54, %add3A_55 : i32
    %ge3A_57 = arith.constant 0 : i32
    %ge3A_58 = arith.cmpi sge, %add3A_56, %ge3A_57 : i32
    %lt3A_59 = arith.constant 1 : i32
    %lt3A_60 = arith.cmpi slt, %add3A_56, %lt3A_59 : i32
    %and3A_61 = arith.andi %ge3A_58, %lt3A_60 : i1
    %add3A_62 = arith.addi %mul3A_2, %add3A_56 : i32
    %lt3A_63 = arith.constant 8 : i32
    %lt3A_64 = arith.cmpi slt, %add3A_62, %lt3A_63 : i32
    %and3A_65 = arith.andi %and3A_61, %lt3A_64 : i1
    %convert_element_type3A_66 = arith.extui %and3A_65 : i1 to i32
    %cond3A_67 = arith.constant 0 : i32
    %cond3A_68 = arith.cmpi ne, %convert_element_type3A_66, %cond3A_67 : i32
    scf.if %cond3A_68 {
      %dma_wait3A = arith.constant 0 : i32
      %dma_wait3A_146 = tpu.memref_slice %arg5[%add3A_56, %dma_wait3A] : memref<1x128xi32, #tpu.memory_space<vmem>> -> memref<1x128xi32, #tpu.memory_space<vmem>>
      %dma_wait3A_147 = tpu.memref_squeeze %dma_wait3A_146 : memref<1x128xi32, #tpu.memory_space<vmem>> -> memref<128xi32, #tpu.memory_space<vmem>>
      %dma_wait3A_148 = arith.constant 0 : i32
      %dma_wait3A_149 = arith.constant 0 : i32
      %dma_wait3A_150 = tpu.memref_slice %arg2[%dma_wait3A_148, %dma_wait3A_149] : memref<10000x32xf32, #tpu.memory_space<hbm>> -> memref<10000x32xf32, #tpu.memory_space<hbm>>
      tpu.wait_indirect_dma semaphore(%arg10 : memref<!tpu.dma_semaphore, #tpu.memory_space<semaphore_mem>>) src(%dma_wait3A_150 : memref<10000x32xf32, #tpu.memory_space<hbm>>) dst(%arg7 : memref<128x32xf32, #tpu.memory_space<vmem>>)
      %add3A_151 = arith.addi %mul3A_2, %add3A_56 : i32
      %mul3A_152 = arith.constant 128 : i32
      %mul3A_153 = arith.muli %add3A_151, %mul3A_152 : i32
      %dma_start3A = arith.constant 0 : i32
      %dma_start3A_154 = tpu.memref_slice %arg4[%mul3A_153, %dma_start3A] : memref<1024x32xf32, #tpu.memory_space<hbm>> -> memref<128x32xf32, #tpu.memory_space<hbm>>
      %dma_start3A_155 = arith.constant 0 : i32
      %dma_start3A_156 = tpu.memref_slice %arg4[%mul3A_153, %dma_start3A_155] : memref<1024x32xf32, #tpu.memory_space<hbm>> -> memref<128x32xf32, #tpu.memory_space<hbm>>
      tpu.enqueue_dma source(%arg7 : memref<128x32xf32, #tpu.memory_space<vmem>>) target(%dma_start3A_156 : memref<128x32xf32, #tpu.memory_space<hbm>>) target_semaphore(%arg13 : memref<!tpu.dma_semaphore, #tpu.memory_space<semaphore_mem>>)
    } else {
    }
    %sub3A_69 = arith.constant 1 : i32
    %sub3A_70 = arith.subi %add3A_56, %sub3A_69 : i32
    %ge3A_71 = arith.constant 0 : i32
    %ge3A_72 = arith.cmpi sge, %sub3A_70, %ge3A_71 : i32
    %lt3A_73 = arith.constant 1 : i32
    %lt3A_74 = arith.cmpi slt, %sub3A_70, %lt3A_73 : i32
    %and3A_75 = arith.andi %ge3A_72, %lt3A_74 : i1
    %add3A_76 = arith.addi %mul3A_2, %sub3A_70 : i32
    %lt3A_77 = arith.constant 8 : i32
    %lt3A_78 = arith.cmpi slt, %add3A_76, %lt3A_77 : i32
    %and3A_79 = arith.andi %and3A_75, %lt3A_78 : i1
    %convert_element_type3A_80 = arith.extui %and3A_79 : i1 to i32
    %cond3A_81 = arith.constant 0 : i32
    %cond3A_82 = arith.cmpi ne, %convert_element_type3A_80, %cond3A_81 : i32
    scf.if %cond3A_82 {
      %add3A_146 = arith.addi %mul3A_2, %sub3A_70 : i32
      %mul3A_147 = arith.constant 128 : i32
      %mul3A_148 = arith.muli %add3A_146, %mul3A_147 : i32
      %dma_wait3A = arith.constant 0 : i32
      %dma_wait3A_149 = tpu.memref_slice %arg4[%mul3A_148, %dma_wait3A] : memref<1024x32xf32, #tpu.memory_space<hbm>> -> memref<128x32xf32, #tpu.memory_space<hbm>>
      %dma_wait3A_150 = arith.constant 0 : i32
      %dma_wait3A_151 = tpu.memref_slice %arg4[%mul3A_148, %dma_wait3A_150] : memref<1024x32xf32, #tpu.memory_space<hbm>> -> memref<128x32xf32, #tpu.memory_space<hbm>>
      tpu.wait_dma2 semaphore(%arg12 : memref<!tpu.dma_semaphore, #tpu.memory_space<semaphore_mem>>) src(%arg6 : memref<128x32xf32, #tpu.memory_space<vmem>>) dst(%dma_wait3A_151 : memref<128x32xf32, #tpu.memory_space<hbm>>)
    } else {
    }
    %add3A_83 = arith.constant 3 : i32
    %add3A_84 = arith.addi %add3A_56, %add3A_83 : i32
    %sub3A_85 = arith.constant 1 : i32
    %sub3A_86 = arith.subi %add3A_84, %sub3A_85 : i32
    %ge3A_87 = arith.constant 0 : i32
    %ge3A_88 = arith.cmpi sge, %sub3A_86, %ge3A_87 : i32
    %lt3A_89 = arith.constant 1 : i32
    %lt3A_90 = arith.cmpi slt, %sub3A_86, %lt3A_89 : i32
    %and3A_91 = arith.andi %ge3A_88, %lt3A_90 : i1
    %add3A_92 = arith.addi %mul3A_2, %sub3A_86 : i32
    %lt3A_93 = arith.constant 8 : i32
    %lt3A_94 = arith.cmpi slt, %add3A_92, %lt3A_93 : i32
    %and3A_95 = arith.andi %and3A_91, %lt3A_94 : i1
    %convert_element_type3A_96 = arith.extui %and3A_95 : i1 to i32
    %cond3A_97 = arith.constant 0 : i32
    %cond3A_98 = arith.cmpi ne, %convert_element_type3A_96, %cond3A_97 : i32
    scf.if %cond3A_98 {
      %dma_start3A = arith.constant 0 : i32
      %dma_start3A_146 = tpu.memref_slice %arg5[%sub3A_86, %dma_start3A] : memref<1x128xi32, #tpu.memory_space<vmem>> -> memref<1x128xi32, #tpu.memory_space<vmem>>
      %dma_start3A_147 = tpu.memref_squeeze %dma_start3A_146 : memref<1x128xi32, #tpu.memory_space<vmem>> -> memref<128xi32, #tpu.memory_space<vmem>>
      %dma_start3A_148 = arith.constant 0 : i32
      %dma_start3A_149 = arith.constant 0 : i32
      %dma_start3A_150 = tpu.memref_slice %arg2[%dma_start3A_148, %dma_start3A_149] : memref<10000x32xf32, #tpu.memory_space<hbm>> -> memref<10000x32xf32, #tpu.memory_space<hbm>>
      tpu.enqueue_indirect_dma source(%dma_start3A_150 : memref<10000x32xf32, #tpu.memory_space<hbm>>) target(%arg6 : memref<128x32xf32, #tpu.memory_space<vmem>>) offsets(%dma_start3A_147 : memref<128xi32, #tpu.memory_space<vmem>>) semaphore(%arg9 : memref<!tpu.dma_semaphore, #tpu.memory_space<semaphore_mem>>)
    } else {
    }
    %mul3A_99 = arith.constant 3 : i32
    %mul3A_100 = arith.muli %mul3A_99, %scan3A_8 : i32
    %add3A_101 = arith.constant 2 : i32
    %add3A_102 = arith.addi %mul3A_100, %add3A_101 : i32
    %ge3A_103 = arith.constant 0 : i32
    %ge3A_104 = arith.cmpi sge, %add3A_102, %ge3A_103 : i32
    %lt3A_105 = arith.constant 1 : i32
    %lt3A_106 = arith.cmpi slt, %add3A_102, %lt3A_105 : i32
    %and3A_107 = arith.andi %ge3A_104, %lt3A_106 : i1
    %add3A_108 = arith.addi %mul3A_2, %add3A_102 : i32
    %lt3A_109 = arith.constant 8 : i32
    %lt3A_110 = arith.cmpi slt, %add3A_108, %lt3A_109 : i32
    %and3A_111 = arith.andi %and3A_107, %lt3A_110 : i1
    %convert_element_type3A_112 = arith.extui %and3A_111 : i1 to i32
    %cond3A_113 = arith.constant 0 : i32
    %cond3A_114 = arith.cmpi ne, %convert_element_type3A_112, %cond3A_113 : i32
    scf.if %cond3A_114 {
      %dma_wait3A = arith.constant 0 : i32
      %dma_wait3A_146 = tpu.memref_slice %arg5[%add3A_102, %dma_wait3A] : memref<1x128xi32, #tpu.memory_space<vmem>> -> memref<1x128xi32, #tpu.memory_space<vmem>>
      %dma_wait3A_147 = tpu.memref_squeeze %dma_wait3A_146 : memref<1x128xi32, #tpu.memory_space<vmem>> -> memref<128xi32, #tpu.memory_space<vmem>>
      %dma_wait3A_148 = arith.constant 0 : i32
      %dma_wait3A_149 = arith.constant 0 : i32
      %dma_wait3A_150 = tpu.memref_slice %arg2[%dma_wait3A_148, %dma_wait3A_149] : memref<10000x32xf32, #tpu.memory_space<hbm>> -> memref<10000x32xf32, #tpu.memory_space<hbm>>
      tpu.wait_indirect_dma semaphore(%arg11 : memref<!tpu.dma_semaphore, #tpu.memory_space<semaphore_mem>>) src(%dma_wait3A_150 : memref<10000x32xf32, #tpu.memory_space<hbm>>) dst(%arg8 : memref<128x32xf32, #tpu.memory_space<vmem>>)
      %add3A_151 = arith.addi %mul3A_2, %add3A_102 : i32
      %mul3A_152 = arith.constant 128 : i32
      %mul3A_153 = arith.muli %add3A_151, %mul3A_152 : i32
      %dma_start3A = arith.constant 0 : i32
      %dma_start3A_154 = tpu.memref_slice %arg4[%mul3A_153, %dma_start3A] : memref<1024x32xf32, #tpu.memory_space<hbm>> -> memref<128x32xf32, #tpu.memory_space<hbm>>
      %dma_start3A_155 = arith.constant 0 : i32
      %dma_start3A_156 = tpu.memref_slice %arg4[%mul3A_153, %dma_start3A_155] : memref<1024x32xf32, #tpu.memory_space<hbm>> -> memref<128x32xf32, #tpu.memory_space<hbm>>
      tpu.enqueue_dma source(%arg8 : memref<128x32xf32, #tpu.memory_space<vmem>>) target(%dma_start3A_156 : memref<128x32xf32, #tpu.memory_space<hbm>>) target_semaphore(%arg14 : memref<!tpu.dma_semaphore, #tpu.memory_space<semaphore_mem>>)
    } else {
    }
    %sub3A_115 = arith.constant 1 : i32
    %sub3A_116 = arith.subi %add3A_102, %sub3A_115 : i32
    %ge3A_117 = arith.constant 0 : i32
    %ge3A_118 = arith.cmpi sge, %sub3A_116, %ge3A_117 : i32
    %lt3A_119 = arith.constant 1 : i32
    %lt3A_120 = arith.cmpi slt, %sub3A_116, %lt3A_119 : i32
    %and3A_121 = arith.andi %ge3A_118, %lt3A_120 : i1
    %add3A_122 = arith.addi %mul3A_2, %sub3A_116 : i32
    %lt3A_123 = arith.constant 8 : i32
    %lt3A_124 = arith.cmpi slt, %add3A_122, %lt3A_123 : i32
    %and3A_125 = arith.andi %and3A_121, %lt3A_124 : i1
    %convert_element_type3A_126 = arith.extui %and3A_125 : i1 to i32
    %cond3A_127 = arith.constant 0 : i32
    %cond3A_128 = arith.cmpi ne, %convert_element_type3A_126, %cond3A_127 : i32
    scf.if %cond3A_128 {
      %add3A_146 = arith.addi %mul3A_2, %sub3A_116 : i32
      %mul3A_147 = arith.constant 128 : i32
      %mul3A_148 = arith.muli %add3A_146, %mul3A_147 : i32
      %dma_wait3A = arith.constant 0 : i32
      %dma_wait3A_149 = tpu.memref_slice %arg4[%mul3A_148, %dma_wait3A] : memref<1024x32xf32, #tpu.memory_space<hbm>> -> memref<128x32xf32, #tpu.memory_space<hbm>>
      %dma_wait3A_150 = arith.constant 0 : i32
      %dma_wait3A_151 = tpu.memref_slice %arg4[%mul3A_148, %dma_wait3A_150] : memref<1024x32xf32, #tpu.memory_space<hbm>> -> memref<128x32xf32, #tpu.memory_space<hbm>>
      tpu.wait_dma2 semaphore(%arg13 : memref<!tpu.dma_semaphore, #tpu.memory_space<semaphore_mem>>) src(%arg7 : memref<128x32xf32, #tpu.memory_space<vmem>>) dst(%dma_wait3A_151 : memref<128x32xf32, #tpu.memory_space<hbm>>)
    } else {
    }
    %add3A_129 = arith.constant 3 : i32
    %add3A_130 = arith.addi %add3A_102, %add3A_129 : i32
    %sub3A_131 = arith.constant 1 : i32
    %sub3A_132 = arith.subi %add3A_130, %sub3A_131 : i32
    %ge3A_133 = arith.constant 0 : i32
    %ge3A_134 = arith.cmpi sge, %sub3A_132, %ge3A_133 : i32
    %lt3A_135 = arith.constant 1 : i32
    %lt3A_136 = arith.cmpi slt, %sub3A_132, %lt3A_135 : i32
    %and3A_137 = arith.andi %ge3A_134, %lt3A_136 : i1
    %add3A_138 = arith.addi %mul3A_2, %sub3A_132 : i32
    %lt3A_139 = arith.constant 8 : i32
    %lt3A_140 = arith.cmpi slt, %add3A_138, %lt3A_139 : i32
    %and3A_141 = arith.andi %and3A_137, %lt3A_140 : i1
    %convert_element_type3A_142 = arith.extui %and3A_141 : i1 to i32
    %cond3A_143 = arith.constant 0 : i32
    %cond3A_144 = arith.cmpi ne, %convert_element_type3A_142, %cond3A_143 : i32
    scf.if %cond3A_144 {
      %dma_start3A = arith.constant 0 : i32
      %dma_start3A_146 = tpu.memref_slice %arg5[%sub3A_132, %dma_start3A] : memref<1x128xi32, #tpu.memory_space<vmem>> -> memref<1x128xi32, #tpu.memory_space<vmem>>
      %dma_start3A_147 = tpu.memref_squeeze %dma_start3A_146 : memref<1x128xi32, #tpu.memory_space<vmem>> -> memref<128xi32, #tpu.memory_space<vmem>>
      %dma_start3A_148 = arith.constant 0 : i32
      %dma_start3A_149 = arith.constant 0 : i32
      %dma_start3A_150 = tpu.memref_slice %arg2[%dma_start3A_148, %dma_start3A_149] : memref<10000x32xf32, #tpu.memory_space<hbm>> -> memref<10000x32xf32, #tpu.memory_space<hbm>>
      tpu.enqueue_indirect_dma source(%dma_start3A_150 : memref<10000x32xf32, #tpu.memory_space<hbm>>) target(%arg7 : memref<128x32xf32, #tpu.memory_space<vmem>>) offsets(%dma_start3A_147 : memref<128xi32, #tpu.memory_space<vmem>>) semaphore(%arg10 : memref<!tpu.dma_semaphore, #tpu.memory_space<semaphore_mem>>)
    } else {
    }
    %scan3A_145 = arith.constant 1 : i32
    return
  }
}

module attributes {stable_mosaic.version = 14 : i64} {
  func.func @body(%arg0: i32, %arg1: memref<1000x128xf32, #tpu.memory_space<vmem>>, %arg2: memref<128x32xf32, #tpu.memory_space<vmem>>, %arg3: memref<1x32xf32, #tpu.memory_space<vmem>>, %arg4: memref<32x32xf32, #tpu.memory_space<vmem>>, %arg5: memref<1x32xf32, #tpu.memory_space<vmem>>, %arg6: memref<1000x32xf32, #tpu.memory_space<vmem>>) attributes {dimension_semantics = [#tpu.dimension_semantics<arbitrary>], iteration_bounds = array<i64: 10>, scalar_prefetch = 0 : i64, scratch_operands = 0 : i64, tpu.core_type = #tpu.core_type<tc>, window_params = [{transform_indices = @transform_0, window_bounds = array<i64: 1000, 128>}, {pipeline_mode = #tpu.pipeline_mode<synchronous>, transform_indices = @transform_1, window_bounds = array<i64: 128, 32>}, {pipeline_mode = #tpu.pipeline_mode<synchronous>, transform_indices = @transform_2, window_bounds = array<i64: 1, 32>}, {pipeline_mode = #tpu.pipeline_mode<synchronous>, transform_indices = @transform_3, window_bounds = array<i64: 32, 32>}, {pipeline_mode = #tpu.pipeline_mode<synchronous>, transform_indices = @transform_4, window_bounds = array<i64: 1, 32>}, {transform_indices = @transform_5, window_bounds = array<i64: 1000, 32>}]} {
    %get3A = arith.constant 0 : index
    %get3A_0 = arith.constant 0 : index
    %get3A_1 = vector.load %arg1[%get3A, %get3A_0] : memref<1000x128xf32, #tpu.memory_space<vmem>>, vector<1000x128xf32>
    %get3A_2 = arith.constant 0 : index
    %get3A_3 = arith.constant 0 : index
    %get3A_4 = vector.load %arg2[%get3A_2, %get3A_3] : memref<128x32xf32, #tpu.memory_space<vmem>>, vector<128x32xf32>
    %dot_general3A = arith.constant dense<0.000000e+00> : vector<1000x32xf32>
    %dot_general3A_5 = tpu.matmul %get3A_1, %get3A_4, %dot_general3A {dimension_numbers = #tpu.dot_dimension_numbers<[1], [0], [0], [1], [0, 0, 1, 1], [], []>, transpose_lhs_hint = false} : vector<1000x128xf32>, vector<128x32xf32>, vector<1000x32xf32> -> vector<1000x32xf32>
    %get3A_6 = arith.constant 0 : index
    %get3A_7 = arith.constant 0 : index
    %get3A_8 = vector.load %arg3[%get3A_6, %get3A_7] : memref<1x32xf32, #tpu.memory_space<vmem>>, vector<1x32xf32>
    %add3A = vector.broadcast %get3A_8 : vector<1x32xf32> to vector<1000x32xf32>
    %add3A_9 = arith.addf %dot_general3A_5, %add3A : vector<1000x32xf32>
    %max3A = arith.constant 0.000000e+00 : f32
    %max3A_10 = vector.broadcast %max3A : f32 to vector<1000x32xf32>
    %max3A_11 = arith.maximumf %add3A_9, %max3A_10 : vector<1000x32xf32>
    %get3A_12 = arith.constant 0 : index
    %get3A_13 = arith.constant 0 : index
    %get3A_14 = vector.load %arg4[%get3A_12, %get3A_13] : memref<32x32xf32, #tpu.memory_space<vmem>>, vector<32x32xf32>
    %dot_general3A_15 = arith.constant dense<0.000000e+00> : vector<1000x32xf32>
    %dot_general3A_16 = tpu.matmul %max3A_11, %get3A_14, %dot_general3A_15 {dimension_numbers = #tpu.dot_dimension_numbers<[1], [0], [0], [1], [0, 0, 1, 1], [], []>, transpose_lhs_hint = false} : vector<1000x32xf32>, vector<32x32xf32>, vector<1000x32xf32> -> vector<1000x32xf32>
    %get3A_17 = arith.constant 0 : index
    %get3A_18 = arith.constant 0 : index
    %get3A_19 = vector.load %arg5[%get3A_17, %get3A_18] : memref<1x32xf32, #tpu.memory_space<vmem>>, vector<1x32xf32>
    %add3A_20 = vector.broadcast %get3A_19 : vector<1x32xf32> to vector<1000x32xf32>
    %add3A_21 = arith.addf %dot_general3A_16, %add3A_20 : vector<1000x32xf32>
    %swap3A = arith.constant 0 : index
    %swap3A_22 = arith.constant 0 : index
    %swap3A_23 = vector.load %arg6[%swap3A, %swap3A_22] : memref<1000x32xf32, #tpu.memory_space<vmem>>, vector<1000x32xf32>
    tpu.vector_store %arg6[%swap3A, %swap3A_22], %add3A_21 {strides = array<i32>} : memref<1000x32xf32, #tpu.memory_space<vmem>>, vector<1000x32xf32>,
    return
  }
  func.func @transform_0(%arg0: i32) -> (i32, i32) {
    %c0_i32 = arith.constant 0 : i32
    %c0_i32_0 = arith.constant 0 : i32
    return %arg0, %c0_i32 : i32, i32
  }
  func.func @transform_1(%arg0: i32) -> (i32, i32) {
    %c0_i32 = arith.constant 0 : i32
    %c0_i32_0 = arith.constant 0 : i32
    %c0_i32_1 = arith.constant 0 : i32
    return %c0_i32, %c0_i32_0 : i32, i32
  }
  func.func @transform_2(%arg0: i32) -> (i32, i32) {
    %c0_i32 = arith.constant 0 : i32
    %c0_i32_0 = arith.constant 0 : i32
    %c0_i32_1 = arith.constant 0 : i32
    return %c0_i32, %c0_i32_0 : i32, i32
  }
  func.func @transform_3(%arg0: i32) -> (i32, i32) {
    %c0_i32 = arith.constant 0 : i32
    %c0_i32_0 = arith.constant 0 : i32
    %c0_i32_1 = arith.constant 0 : i32
    return %c0_i32, %c0_i32_0 : i32, i32
  }
  func.func @transform_4(%arg0: i32) -> (i32, i32) {
    %c0_i32 = arith.constant 0 : i32
    %c0_i32_0 = arith.constant 0 : i32
    %c0_i32_1 = arith.constant 0 : i32
    return %c0_i32, %c0_i32_0 : i32, i32
  }
  func.func @transform_5(%arg0: i32) -> (i32, i32) {
    %c0_i32 = arith.constant 0 : i32
    %c0_i32_0 = arith.constant 0 : i32
    return %arg0, %c0_i32 : i32, i32
  }
}

module attributes {stable_mosaic.version = 14 : i64} {
  func.func @body(%arg0: i32, %arg1: memref<3200x16xf32, #tpu.memory_space<vmem>>, %arg2: memref<3200x32xf32, #tpu.memory_space<vmem>>, %arg3: memref<16x1024xf32, #tpu.memory_space<vmem>>, %arg4: memref<1x1024xf32, #tpu.memory_space<vmem>>, %arg5: memref<1024x32xf32, #tpu.memory_space<vmem>>, %arg6: memref<32x32xf32, #tpu.memory_space<vmem>>, %arg7: memref<3200x32xf32, #tpu.memory_space<vmem>>) attributes {dimension_semantics = [#tpu.dimension_semantics<arbitrary>], iteration_bounds = array<i64: 50>, scalar_prefetch = 0 : i64, scratch_operands = 0 : i64, tpu.core_type = #tpu.core_type<tc>, window_params = [{transform_indices = @transform_0, window_bounds = array<i64: 3200, 16>}, {transform_indices = @transform_1, window_bounds = array<i64: 3200, 32>}, {pipeline_mode = #tpu.pipeline_mode<synchronous>, transform_indices = @transform_2, window_bounds = array<i64: 16, 1024>}, {pipeline_mode = #tpu.pipeline_mode<synchronous>, transform_indices = @transform_3, window_bounds = array<i64: 1, 1024>}, {pipeline_mode = #tpu.pipeline_mode<synchronous>, transform_indices = @transform_4, window_bounds = array<i64: 1024, 32>}, {pipeline_mode = #tpu.pipeline_mode<synchronous>, transform_indices = @transform_5, window_bounds = array<i64: 32, 32>}, {transform_indices = @transform_6, window_bounds = array<i64: 3200, 32>}]} {
    %get3A = arith.constant 0 : index
    %get3A_0 = arith.constant 0 : index
    %get3A_1 = vector.load %arg2[%get3A, %get3A_0] : memref<3200x32xf32, #tpu.memory_space<vmem>>, vector<3200x32xf32>
    %get3A_2 = arith.constant 0 : index
    %get3A_3 = arith.constant 0 : index
    %get3A_4 = vector.load %arg1[%get3A_2, %get3A_3] : memref<3200x16xf32, #tpu.memory_space<vmem>>, vector<3200x16xf32>
    %get3A_5 = arith.constant 0 : index
    %get3A_6 = arith.constant 0 : index
    %get3A_7 = vector.load %arg3[%get3A_5, %get3A_6] : memref<16x1024xf32, #tpu.memory_space<vmem>>, vector<16x1024xf32>
    %dot_general3A = arith.constant dense<0.000000e+00> : vector<3200x1024xf32>
    %dot_general3A_8 = tpu.matmul %get3A_4, %get3A_7, %dot_general3A {dimension_numbers = #tpu.dot_dimension_numbers<[1], [0], [0], [1], [0, 0, 1, 1], [], []>, transpose_lhs_hint = false} : vector<3200x16xf32>, vector<16x1024xf32>, vector<3200x1024xf32> -> vector<3200x1024xf32>
    %get3A_9 = arith.constant 0 : index
    %get3A_10 = arith.constant 0 : index
    %get3A_11 = vector.load %arg4[%get3A_9, %get3A_10] : memref<1x1024xf32, #tpu.memory_space<vmem>>, vector<1x1024xf32>
    %add3A = vector.broadcast %get3A_11 : vector<1x1024xf32> to vector<3200x1024xf32>
    %add3A_12 = arith.addf %dot_general3A_8, %add3A : vector<3200x1024xf32>
    %max3A = arith.constant 0.000000e+00 : f32
    %max3A_13 = vector.broadcast %max3A : f32 to vector<3200x1024xf32>
    %max3A_14 = arith.maximumf %add3A_12, %max3A_13 : vector<3200x1024xf32>
    %tile3A = tpu.concatenate %get3A_1, %get3A_1, %get3A_1, %get3A_1, %get3A_1, %get3A_1, %get3A_1, %get3A_1, %get3A_1, %get3A_1, %get3A_1, %get3A_1, %get3A_1, %get3A_1, %get3A_1, %get3A_1, %get3A_1, %get3A_1, %get3A_1, %get3A_1, %get3A_1, %get3A_1, %get3A_1, %get3A_1, %get3A_1, %get3A_1, %get3A_1, %get3A_1, %get3A_1, %get3A_1, %get3A_1, %get3A_1 in 1 : vector<3200x32xf32>, vector<3200x32xf32>, vector<3200x32xf32>, vector<3200x32xf32>, vector<3200x32xf32>, vector<3200x32xf32>, vector<3200x32xf32>, vector<3200x32xf32>, vector<3200x32xf32>, vector<3200x32xf32>, vector<3200x32xf32>, vector<3200x32xf32>, vector<3200x32xf32>, vector<3200x32xf32>, vector<3200x32xf32>, vector<3200x32xf32>, vector<3200x32xf32>, vector<3200x32xf32>, vector<3200x32xf32>, vector<3200x32xf32>, vector<3200x32xf32>, vector<3200x32xf32>, vector<3200x32xf32>, vector<3200x32xf32>, vector<3200x32xf32>, vector<3200x32xf32>, vector<3200x32xf32>, vector<3200x32xf32>, vector<3200x32xf32>, vector<3200x32xf32>, vector<3200x32xf32>, vector<3200x32xf32> -> vector<3200x1024xf32>
    %mul3A = arith.mulf %max3A_14, %tile3A : vector<3200x1024xf32>
    %get3A_15 = arith.constant 0 : index
    %get3A_16 = arith.constant 0 : index
    %get3A_17 = vector.load %arg5[%get3A_15, %get3A_16] : memref<1024x32xf32, #tpu.memory_space<vmem>>, vector<1024x32xf32>
    %dot_general3A_18 = arith.constant dense<0.000000e+00> : vector<3200x32xf32>
    %dot_general3A_19 = tpu.matmul %mul3A, %get3A_17, %dot_general3A_18 {dimension_numbers = #tpu.dot_dimension_numbers<[1], [0], [0], [1], [0, 0, 1, 1], [], []>, transpose_lhs_hint = false} : vector<3200x1024xf32>, vector<1024x32xf32>, vector<3200x32xf32> -> vector<3200x32xf32>
    %get3A_20 = arith.constant 0 : index
    %get3A_21 = arith.constant 0 : index
    %get3A_22 = vector.load %arg6[%get3A_20, %get3A_21] : memref<32x32xf32, #tpu.memory_space<vmem>>, vector<32x32xf32>
    %dot_general3A_23 = arith.constant dense<0.000000e+00> : vector<3200x32xf32>
    %dot_general3A_24 = tpu.matmul %get3A_1, %get3A_22, %dot_general3A_23 {dimension_numbers = #tpu.dot_dimension_numbers<[1], [0], [0], [1], [0, 0, 1, 1], [], []>, transpose_lhs_hint = false} : vector<3200x32xf32>, vector<32x32xf32>, vector<3200x32xf32> -> vector<3200x32xf32>
    %add3A_25 = arith.addf %dot_general3A_19, %dot_general3A_24 : vector<3200x32xf32>
    %swap3A = arith.constant 0 : index
    %swap3A_26 = arith.constant 0 : index
    %swap3A_27 = vector.load %arg7[%swap3A, %swap3A_26] : memref<3200x32xf32, #tpu.memory_space<vmem>>, vector<3200x32xf32>
    tpu.vector_store %arg7[%swap3A, %swap3A_26], %add3A_25 {strides = array<i32>} : memref<3200x32xf32, #tpu.memory_space<vmem>>, vector<3200x32xf32>,
    return
  }
  func.func @transform_0(%arg0: i32) -> (i32, i32) {
    %c0_i32 = arith.constant 0 : i32
    %c0_i32_0 = arith.constant 0 : i32
    return %arg0, %c0_i32 : i32, i32
  }
  func.func @transform_1(%arg0: i32) -> (i32, i32) {
    %c0_i32 = arith.constant 0 : i32
    %c0_i32_0 = arith.constant 0 : i32
    return %arg0, %c0_i32 : i32, i32
  }
  func.func @transform_2(%arg0: i32) -> (i32, i32) {
    %c0_i32 = arith.constant 0 : i32
    %c0_i32_0 = arith.constant 0 : i32
    %c0_i32_1 = arith.constant 0 : i32
    return %c0_i32, %c0_i32_0 : i32, i32
  }
  func.func @transform_3(%arg0: i32) -> (i32, i32) {
    %c0_i32 = arith.constant 0 : i32
    %c0_i32_0 = arith.constant 0 : i32
    %c0_i32_1 = arith.constant 0 : i32
    return %c0_i32, %c0_i32_0 : i32, i32
  }
  func.func @transform_4(%arg0: i32) -> (i32, i32) {
    %c0_i32 = arith.constant 0 : i32
    %c0_i32_0 = arith.constant 0 : i32
    %c0_i32_1 = arith.constant 0 : i32
    return %c0_i32, %c0_i32_0 : i32, i32
  }
  func.func @transform_5(%arg0: i32) -> (i32, i32) {
    %c0_i32 = arith.constant 0 : i32
    %c0_i32_0 = arith.constant 0 : i32
    %c0_i32_1 = arith.constant 0 : i32
    return %c0_i32, %c0_i32_0 : i32, i32
  }
  func.func @transform_6(%arg0: i32) -> (i32, i32) {
    %c0_i32 = arith.constant 0 : i32
    %c0_i32_0 = arith.constant 0 : i32
    return %arg0, %c0_i32 : i32, i32
  }
}

module attributes {stable_mosaic.version = 14 : i64} {
  func.func @body(%arg0: i32, %arg1: memref<2x1000x32xf32, #tpu.memory_space<vmem>>, %arg2: memref<1000x32xf32, #tpu.memory_space<vmem>>, %arg3: memref<1x32xf32, #tpu.memory_space<vmem>>, %arg4: memref<1x32xf32, #tpu.memory_space<vmem>>, %arg5: memref<1000x32xf32, #tpu.memory_space<vmem>>) attributes {dimension_semantics = [#tpu.dimension_semantics<arbitrary>], iteration_bounds = array<i64: 10>, scalar_prefetch = 0 : i64, scratch_operands = 0 : i64, tpu.core_type = #tpu.core_type<tc>, window_params = [{transform_indices = @transform_0, window_bounds = array<i64: 2, 1000, 32>}, {transform_indices = @transform_1, window_bounds = array<i64: 1000, 32>}, {pipeline_mode = #tpu.pipeline_mode<synchronous>, transform_indices = @transform_2, window_bounds = array<i64: 1, 32>}, {pipeline_mode = #tpu.pipeline_mode<synchronous>, transform_indices = @transform_3, window_bounds = array<i64: 1, 32>}, {transform_indices = @transform_4, window_bounds = array<i64: 1000, 32>}]} {
    %get3A = arith.constant 0 : index
    %get3A_0 = arith.constant 0 : index
    %get3A_1 = arith.constant 0 : index
    %get3A_2 = vector.load %arg1[%get3A, %get3A_0, %get3A_1] : memref<2x1000x32xf32, #tpu.memory_space<vmem>>, vector<1x1000x32xf32>
    %get3A_3 = vector.shape_cast %get3A_2 : vector<1x1000x32xf32> to vector<1000x32xf32>
    %get3A_4 = arith.constant 1 : index
    %get3A_5 = arith.constant 0 : index
    %get3A_6 = arith.constant 0 : index
    %get3A_7 = vector.load %arg1[%get3A_4, %get3A_5, %get3A_6] : memref<2x1000x32xf32, #tpu.memory_space<vmem>>, vector<1x1000x32xf32>
    %get3A_8 = vector.shape_cast %get3A_7 : vector<1x1000x32xf32> to vector<1000x32xf32>
    %add3A = arith.addf %get3A_3, %get3A_8 : vector<1000x32xf32>
    %max3A = arith.constant 0.000000e+00 : f32
    %max3A_9 = vector.broadcast %max3A : f32 to vector<1000x32xf32>
    %max3A_10 = arith.maximumf %add3A, %max3A_9 : vector<1000x32xf32>
    %reduce_sum3A = arith.constant dense<0.000000e+00> : vector<1000xf32>
    %reduce_sum3A_11 = vector.multi_reduction <add>, %max3A_10, %reduce_sum3A [1] : vector<1000x32xf32> to vector<1000xf32>
    %broadcast_in_dim3A = vector.shape_cast %reduce_sum3A_11 : vector<1000xf32> to vector<1000x1xf32>
    %div3A = arith.constant 3.200000e+01 : f32
    %div3A_12 = vector.broadcast %div3A : f32 to vector<1000x1xf32>
    %div3A_13 = arith.divf %broadcast_in_dim3A, %div3A_12 : vector<1000x1xf32>
    %sub3A = vector.broadcast %div3A_13 : vector<1000x1xf32> to vector<1000x32xf32>
    %sub3A_14 = arith.subf %max3A_10, %sub3A : vector<1000x32xf32>
    %mul3A = arith.mulf %sub3A_14, %sub3A_14 : vector<1000x32xf32>
    %reduce_sum3A_15 = arith.constant dense<0.000000e+00> : vector<1000xf32>
    %reduce_sum3A_16 = vector.multi_reduction <add>, %mul3A, %reduce_sum3A_15 [1] : vector<1000x32xf32> to vector<1000xf32>
    %broadcast_in_dim3A_17 = vector.shape_cast %reduce_sum3A_16 : vector<1000xf32> to vector<1000x1xf32>
    %div3A_18 = arith.constant 3.200000e+01 : f32
    %div3A_19 = vector.broadcast %div3A_18 : f32 to vector<1000x1xf32>
    %div3A_20 = arith.divf %broadcast_in_dim3A_17, %div3A_19 : vector<1000x1xf32>
    %add3A_21 = arith.constant 9.99999974E-6 : f32
    %add3A_22 = vector.broadcast %add3A_21 : f32 to vector<1000x1xf32>
    %add3A_23 = arith.addf %div3A_20, %add3A_22 : vector<1000x1xf32>
    %rsqrt3A = math.rsqrt %add3A_23 : vector<1000x1xf32>
    %mul3A_24 = vector.broadcast %rsqrt3A : vector<1000x1xf32> to vector<1000x32xf32>
    %mul3A_25 = arith.mulf %sub3A_14, %mul3A_24 : vector<1000x32xf32>
    %get3A_26 = arith.constant 0 : index
    %get3A_27 = arith.constant 0 : index
    %get3A_28 = vector.load %arg3[%get3A_26, %get3A_27] : memref<1x32xf32, #tpu.memory_space<vmem>>, vector<1x32xf32>
    %mul3A_29 = vector.broadcast %get3A_28 : vector<1x32xf32> to vector<1000x32xf32>
    %mul3A_30 = arith.mulf %mul3A_25, %mul3A_29 : vector<1000x32xf32>
    %get3A_31 = arith.constant 0 : index
    %get3A_32 = arith.constant 0 : index
    %get3A_33 = vector.load %arg4[%get3A_31, %get3A_32] : memref<1x32xf32, #tpu.memory_space<vmem>>, vector<1x32xf32>
    %add3A_34 = vector.broadcast %get3A_33 : vector<1x32xf32> to vector<1000x32xf32>
    %add3A_35 = arith.addf %mul3A_30, %add3A_34 : vector<1000x32xf32>
    %get3A_36 = arith.constant 0 : index
    %get3A_37 = arith.constant 0 : index
    %get3A_38 = vector.load %arg2[%get3A_36, %get3A_37] : memref<1000x32xf32, #tpu.memory_space<vmem>>, vector<1000x32xf32>
    %add3A_39 = arith.addf %add3A_35, %get3A_38 : vector<1000x32xf32>
    %swap3A = arith.constant 0 : index
    %swap3A_40 = arith.constant 0 : index
    %swap3A_41 = vector.load %arg5[%swap3A, %swap3A_40] : memref<1000x32xf32, #tpu.memory_space<vmem>>, vector<1000x32xf32>
    tpu.vector_store %arg5[%swap3A, %swap3A_40], %add3A_39 {strides = array<i32>} : memref<1000x32xf32, #tpu.memory_space<vmem>>, vector<1000x32xf32>,
    return
  }
  func.func @transform_0(%arg0: i32) -> (i32, i32, i32) {
    %c0_i32 = arith.constant 0 : i32
    %c0_i32_0 = arith.constant 0 : i32
    %c0_i32_1 = arith.constant 0 : i32
    return %c0_i32, %arg0, %c0_i32_0 : i32, i32, i32
  }
  func.func @transform_1(%arg0: i32) -> (i32, i32) {
    %c0_i32 = arith.constant 0 : i32
    %c0_i32_0 = arith.constant 0 : i32
    return %arg0, %c0_i32 : i32, i32
  }
  func.func @transform_2(%arg0: i32) -> (i32, i32) {
    %c0_i32 = arith.constant 0 : i32
    %c0_i32_0 = arith.constant 0 : i32
    %c0_i32_1 = arith.constant 0 : i32
    return %c0_i32, %c0_i32_0 : i32, i32
  }
  func.func @transform_3(%arg0: i32) -> (i32, i32) {
    %c0_i32 = arith.constant 0 : i32
    %c0_i32_0 = arith.constant 0 : i32
    %c0_i32_1 = arith.constant 0 : i32
    return %c0_i32, %c0_i32_0 : i32, i32
  }
  func.func @transform_4(%arg0: i32) -> (i32, i32) {
    %c0_i32 = arith.constant 0 : i32
    %c0_i32_0 = arith.constant 0 : i32
    return %arg0, %c0_i32 : i32, i32
  }
}

module attributes {stable_mosaic.version = 14 : i64} {
  func.func @body(%arg0: memref<1024x32xf32, #tpu.memory_space<vmem>>, %arg1: memref<32x16xf32, #tpu.memory_space<vmem>>, %arg2: memref<1x16xf32, #tpu.memory_space<vmem>>, %arg3: memref<16x1xf32, #tpu.memory_space<vmem>>, %arg4: memref<1x1xf32, #tpu.memory_space<vmem>>, %arg5: memref<1024x1xf32, #tpu.memory_space<vmem>>) attributes {dimension_semantics = [], scalar_prefetch = 0 : i64, scratch_operands = 0 : i64, tpu.core_type = #tpu.core_type<tc>} {
    %get3A = arith.constant 0 : index
    %get3A_0 = arith.constant 0 : index
    %get3A_1 = vector.load %arg0[%get3A, %get3A_0] : memref<1024x32xf32, #tpu.memory_space<vmem>>, vector<1024x32xf32>
    %get3A_2 = arith.constant 0 : index
    %get3A_3 = arith.constant 0 : index
    %get3A_4 = vector.load %arg1[%get3A_2, %get3A_3] : memref<32x16xf32, #tpu.memory_space<vmem>>, vector<32x16xf32>
    %dot_general3A = arith.constant dense<0.000000e+00> : vector<1024x16xf32>
    %dot_general3A_5 = tpu.matmul %get3A_1, %get3A_4, %dot_general3A {dimension_numbers = #tpu.dot_dimension_numbers<[1], [0], [0], [1], [0, 0, 1, 1], [], []>, transpose_lhs_hint = false} : vector<1024x32xf32>, vector<32x16xf32>, vector<1024x16xf32> -> vector<1024x16xf32>
    %get3A_6 = arith.constant 0 : index
    %get3A_7 = arith.constant 0 : index
    %get3A_8 = vector.load %arg2[%get3A_6, %get3A_7] : memref<1x16xf32, #tpu.memory_space<vmem>>, vector<1x16xf32>
    %add3A = vector.broadcast %get3A_8 : vector<1x16xf32> to vector<1024x16xf32>
    %add3A_9 = arith.addf %dot_general3A_5, %add3A : vector<1024x16xf32>
    %max3A = arith.constant 0.000000e+00 : f32
    %max3A_10 = vector.broadcast %max3A : f32 to vector<1024x16xf32>
    %max3A_11 = arith.maximumf %add3A_9, %max3A_10 : vector<1024x16xf32>
    %get3A_12 = arith.constant 0 : index
    %get3A_13 = arith.constant 0 : index
    %get3A_14 = vector.load %arg3[%get3A_12, %get3A_13] : memref<16x1xf32, #tpu.memory_space<vmem>>, vector<16x1xf32>
    %dot_general3A_15 = arith.constant dense<0.000000e+00> : vector<1024x1xf32>
    %dot_general3A_16 = tpu.matmul %max3A_11, %get3A_14, %dot_general3A_15 {dimension_numbers = #tpu.dot_dimension_numbers<[1], [0], [0], [1], [0, 0, 1, 1], [], []>, transpose_lhs_hint = false} : vector<1024x16xf32>, vector<16x1xf32>, vector<1024x1xf32> -> vector<1024x1xf32>
    %get3A_17 = arith.constant 0 : index
    %get3A_18 = arith.constant 0 : index
    %get3A_19 = vector.load %arg4[%get3A_17, %get3A_18] : memref<1x1xf32, #tpu.memory_space<vmem>>, vector<1x1xf32>
    %add3A_20 = vector.broadcast %get3A_19 : vector<1x1xf32> to vector<1024x1xf32>
    %add3A_21 = arith.addf %dot_general3A_16, %add3A_20 : vector<1024x1xf32>
    %swap3A = arith.constant 0 : index
    %swap3A_22 = arith.constant 0 : index
    %swap3A_23 = vector.load %arg5[%swap3A, %swap3A_22] : memref<1024x1xf32, #tpu.memory_space<vmem>>, vector<1024x1xf32>
    tpu.vector_store %arg5[%swap3A, %swap3A_22], %add3A_21 {strides = array<i32>} : memref<1024x1xf32, #tpu.memory_space<vmem>>, vector<1024x1xf32>,
    return
  }
}

</mosaic_0001>

<sc_bundles>
// kernel: kernel.13.cloned.1.call-start
scs
__scs_entry_jumppad:
0x0: {  	(pc) =	sbr.rel $0x88, $3  }
0x1: {  	(tag) =	ssettag $0x0;
	lr =	simm.s32 $0x1  }
0x2: {  	[smem:$0x3F8F] =	sst lr;
	_ =	strace $0xD0000000  }
0x3: {  	_ = 	snop  }
0x4: {  	_ = 	snop  }
0x5: {  	_ = 	snop  }
0x6: {  	_ = 	snop  }
0x7: {  	_ = 	snop  }
__scs_overlays_trampoline_lowered:
0x8: {  	[smem:$0x3F9E] =	sst s0  }
0x9: {  	[smem:$0x3F9F] =	sst s1  }
0xa: {  	[smem:$0x3FA0] =	sst s2  }
0xb: {  	[smem:$0x3FA1] =	sst s3  }
0xc: {  	[smem:$0x3FA2] =	sst s4  }
0xd: {  	[smem:$0x3FA3] =	sst s5  }
0xe: {  	[smem:$0x3FA4] =	sst s6  }
0xf: {  	[smem:$0x3FA5] =	sst s7  }
0x10: {  	[smem:$0x3FA6] =	sst s8  }
0x11: {  	[smem:$0x3FA7] =	sst s9;
	s0 =	simm.s32 @!p0 $0x0  }
0x12: {  	s1 =	sld [smem:$0x3F8D];
	s0 =	simm.s32 @p0 $0x1  }
0x13: {  	[smem:$0x3FA8] =	sst s0;
	s0 =	simm.s32 @!p1 $0x0  }
0x14: {  	s2 =	sld [smem:$0x3F8C];
	s0 =	simm.s32 @p1 $0x1  }
0x15: {  	[smem:$0x3FA9] =	sst s0;
	s0 =	simm.s32 @!p2 $0x0  }
0x16: {  	s3 =	sld [smem:$0x3FDB];
	s0 =	simm.s32 @p2 $0x1  }
0x17: {  	s4 =	simm.s32 $0x1BF5;
	[smem:$0x3FAB] =	sst s0  }
0x18: {  	s0 =	sld [smem:$0x3F8E];
	_ =	swait.ge [sflag:s4], $0x0  }
0x19: {  	s7 =	sld [smem:$0x3F8F]  }
0x1a: {  	s8 =	sadd.s32 $0xFFFFE003, lr  }
0x1b: {  	s9 =	sadd.s32 $0xFFFFFEF7, lr;
	s5 =	simm.s32 $0xFFFFFFFF;
	p2 =	slt.u32 s8, $0xFFFFF086  }
0x1c: {  	p1 =	slt.u32 s9, $0xF7A;
	s5 =	simm.s32 @!p2 $0x0  }
0x1d: {  	s5 =	simm.s32 @p1 $0x1;
	p0 =	seq.s32 s7, s2  }
0x1e: {  	s7 =	smul.u32 @!p0 $0xF7A, s2;
	p2 =	seq.s32 @!p0 s5, $0x0  }
0x1f: {  	s9 =	smul.u32 $0xF7A, s1;
	s8 =	simm.s32 @!p0 $0x1BF5;
	p2 =	por !p2, p0  }
0x20: {  	[sflag:s8] =	ssyncset.s32 @!p0 $0xFFFFF086;
	s6 =	sadd.s32 @!p0 s3, s7;
	s7 =	simm.s32 @!p0 $0x108  }
0x21: {  	s3 =	sadd.s32 s3, s9;
	s6 =	sadd.s32 @!p0 $0x88, s6;
	s7 =	simm.s32 @p2 $0x1082  }
0x22: {  	[simem:s7], [sflag:s8] =	dma.local @!p0 [hbm:s6], $0xF7A  }
0x23: {  	s9 =	sor.u32 $0xD0000000, s2;
	s6 =	simm.s32 $0x108;
	_ =	swait.ge @!p0 [sflag:s8], $0x0  }
0x24: {  	s3 =	sadd.s32 $0x88, s3;
	s6 =	simm.s32 @!p1 $0x1082;
	[sflag:s4] =	ssyncset.s32 $0xFFFFF086  }
0x25: {  	[simem:s6], [sflag:s4] =	dma.local [hbm:s3], $0xF7A  }
0x26: {  	[smem:$0x3F8F] =	sst s1;
	(tag) =	ssettag s2;
	_ =	strace s9  }
0x27: {  	s1 =	sld [smem:$0x3F9F]  }
0x28: {  	s2 =	sld [smem:$0x3FA0]  }
0x29: {  	s4 =	sld [smem:$0x3FA2]  }
0x2a: {  	p0 =	seq.s32 s5, $0x0;
	s5 =	sld [smem:$0x3FA3]  }
0x2b: {  	s6 =	sld [smem:$0x3FA4]  }
0x2c: {  	s7 =	sld [smem:$0x3FA5]  }
0x2d: {  	s3 =	simm.s32 $0x108;
	s8 =	sld [smem:$0x3FA6]  }
0x2e: {  	s3 =	simm.s32 @!p0 $0x1082;
	s9 =	sld [smem:$0x3FA7]  }
0x2f: {  	lr =	sadd.s32 s0, s3;
	s0 =	sld [smem:$0x3F9E]  }
0x30: {  	s3 =	sld [smem:$0x3FA1]  }
0x31: {  	[smem:$0x3FAA] =	sst s10  }
0x32: {  	s10 =	sld [smem:$0x3FA8];
	_ =	sdelay $0x3  }
0x33: {  	p0 =	seq.s32 s10, $0x1;
	s10 =	sld [smem:$0x3FAA];
	_ =	sdelay $0x3  }
0x34: {  	[smem:$0x3FAA] =	sst s10  }
0x35: {  	s10 =	sld [smem:$0x3FA9];
	_ =	sdelay $0x3  }
0x36: {  	p1 =	seq.s32 s10, $0x1;
	s10 =	sld [smem:$0x3FAA];
	_ =	sdelay $0x3  }
0x37: {  	[smem:$0x3FAA] =	sst s10  }
0x38: {  	s10 =	sld [smem:$0x3FAB]  }
0x39: {  	_ = 	snop;
	(pc) =	sbr.ind lr, $3  }
0x3a: {  	_ = 	snop  }
0x3b: {  	_ = 	snop  }
0x3c: {  	p2 =	seq.s32 s10, $0x1;
	s10 =	sld [smem:$0x3FAA]  }
0x3d: {  	_ =	shalt  }
0x3e: {  	_ =	shalt  }
0x3f: {  	_ =	shalt  }
0x40: {  	_ =	shalt  }
0x41: {  	_ =	shalt  }
0x42: {  	_ =	shalt  }
0x43: {  	_ =	shalt  }
0x44: {  	_ =	shalt  }
0x45: {  	_ =	shalt  }
0x46: {  	_ =	shalt  }
0x47: {  	_ =	shalt  }
0x48: {  	_ =	shalt  }
0x49: {  	_ =	shalt  }
0x4a: {  	_ =	shalt  }
0x4b: {  	_ =	shalt  }
0x4c: {  	_ =	shalt  }
0x4d: {  	_ =	shalt  }
0x4e: {  	_ =	shalt  }
0x4f: {  	_ =	shalt  }
0x50: {  	_ =	shalt  }
0x51: {  	_ =	shalt  }
0x52: {  	_ =	shalt  }
0x53: {  	_ =	shalt  }
0x54: {  	_ =	shalt  }
0x55: {  	_ =	shalt  }
0x56: {  	_ =	shalt  }
0x57: {  	_ =	shalt  }
0x58: {  	_ =	shalt  }
0x59: {  	_ =	shalt  }
0x5a: {  	_ =	shalt  }
0x5b: {  	_ =	shalt  }
0x5c: {  	_ =	shalt  }
0x5d: {  	_ =	shalt  }
0x5e: {  	_ =	shalt  }
0x5f: {  	_ =	shalt  }
0x60: {  	_ =	shalt  }
0x61: {  	_ =	shalt  }
0x62: {  	_ =	shalt  }
0x63: {  	_ =	shalt  }
0x64: {  	_ =	shalt  }
0x65: {  	_ =	shalt  }
0x66: {  	_ =	shalt  }
0x67: {  	_ =	shalt  }
0x68: {  	_ =	shalt  }
0x69: {  	_ =	shalt  }
0x6a: {  	_ =	shalt  }
0x6b: {  	_ =	shalt  }
0x6c: {  	_ =	shalt  }
0x6d: {  	_ =	shalt  }
0x6e: {  	_ =	shalt  }
0x6f: {  	_ =	shalt  }
0x70: {  	_ =	shalt  }
0x71: {  	_ =	shalt  }
0x72: {  	_ =	shalt  }
0x73: {  	_ =	shalt  }
0x74: {  	_ =	shalt  }
0x75: {  	_ =	shalt  }
0x76: {  	_ =	shalt  }
0x77: {  	_ =	shalt  }
0x78: {  	_ =	shalt  }
0x79: {  	_ =	shalt  }
0x7a: {  	_ =	shalt  }
0x7b: {  	_ =	shalt  }
0x7c: {  	_ =	shalt  }
0x7d: {  	_ =	shalt  }
0x7e: {  	_ =	shalt  }
0x7f: {  	_ =	shalt  }
0x80: {  	_ =	shalt  }
0x81: {  	_ =	shalt  }
0x82: {  	_ =	shalt  }
0x83: {  	_ =	shalt  }
0x84: {  	_ =	shalt  }
0x85: {  	_ =	shalt  }
0x86: {  	_ =	shalt  }
0x87: {  	_ =	shalt  }
.Lfunc_end0:
.L_simem_size_0:
called_computation_lowered:
.L_overlay_start_0:
0x88: {  	s2 =	sld [smem:$0x3FD9]  }
0x89: {  	s3 =	sld [smem:$0x3FFE];
	_ =	sdelay $0x1  }
0x8a: {  	s1 =	srdreg.scid  }
0x8b: {  	s0 =	sand.u32 $0x1, s1  }
0x8c: {  	s16 =	sshll.u32 s0, $0xA;
	s2 =	sadd.s32 s3, s2  }
0x8d: {  	s2 =	sadd.s32 s2, s16  }
0x8e: {  	[smem:$0x3FB6] =	sst s2  }
0x8f: {  	_ = 	snop  }
0x90: {  	(tm) =	ssettm $0x1  }
0x91: {  	s17 =	sld [smem:$0x3FFB];
	_ =	sdelay $0x3  }
0x92: {  	_ =	strace s17  }
0x93: {  	s2 =	sld [smem:$0x3FFC];
	_ =	sdelay $0x3  }
0x94: {  	_ =	strace s2  }
0x95: {  	s2 =	sld [smem:$0x3FFD];
	_ =	sdelay $0x3  }
0x96: {  	_ =	strace s2  }
0x97: {  	_ =	strace $0x8FFFFFFF  }
0x98: {  	s18 =	sld [smem:$0x3FDB];
	_ =	sdelay $0x1  }
0x99: {  	s19 =	simm.s32 $_scs_section_size  }
0x9a: {  	s4 =	simm.s32 $_size__tile_overlayer_lowered;
	s5 =	simm.s32 $_tile_overlayer_lowered  }
0x9b: {  	s22 =	simm.s32 $0x1BFF;
	s21 =	sshll.u32 s5, $0x1;
	s2 =	sadd.s32 s19, s18  }
0x9c: {  	s6 =	simm.s32 $0x0;
	s20 =	sshll.u32 s4, $0x1;
	s4 =	sadd.s32 s21, s2  }
0x9d: {  	[timem:s6], [sflag:s22] =	dma.local [hbm:s4], s20  }
0x9e: {  	_ =	swait.ge [sflag:s22], s20  }
0x9f: {  	s3 =	ssub.s32 $0x0, s20;
	[sflag:s22] =	ssyncset.done $0x0  }
0xa0: {  	[sflag:s22] =	ssyncadd.s32 s3;
	_ =	sdelay $0x1  }
0xa1: {  	s23 =	simm.s32 $0x1B8B  }
0xa2: {  	_ =	swait.ge [sflag:s23], $0x1  }
0xa3: {  	[sflag:s23] =	ssyncset.done $0x0  }
0xa4: {  	s25 =	simm.s32 $0x1B8E;
	s24 =	sld [smem:$0x3FFE];
	[sflag:s23] =	ssyncadd.s32 $0xFFFFFFFF  }
0xa5: {  	s26 =	simm.s32 $execute0_lowered;
	[smem:$0x3FD2] =	sst s25  }
0xa6: {  	s4 =	sshll.u32 s26, $0x1;
	_ =	strace $0x80000046;
	[dreg:$0x1] =	wrdreg $0xFFFFFFFF  }
0xa7: {  	s28 =	simm.s32 $_size_execute0_lowered;
	s2 =	sadd.s32 s2, s4;
	[dreg:$0x0] =	wrdreg $0x0  }
0xa8: {  	s4 =	sshll.u32 s28, $0x1;
	[dreg:$0x2] =	wrdreg s2  }
0xa9: {  	[dreg:$0x3] =	wrdreg s4  }
0xaa: {  	[dreg:$0x4] =	wrdreg $0xC0  }
0xab: {  	_ =	task [dreg:s6], $0x5FFFF  }
0xac: {  	[dreg:$0x1] =	wrdreg $0xFFFFFFFF  }
0xad: {  	[dreg:$0x0] =	wrdreg $0x60  }
0xae: {  	[dreg:$0x2] =	wrdreg s24  }
0xaf: {  	[dreg:$0x3] =	wrdreg $0x9  }
0xb0: {  	_ =	task.clear_ibuf [dreg:s6], $0x4FFFF;
	_ =	strace $0x90000046  }
0xb1: {  	s29 =	simm.s32 $0x9;
	_ =	strace $0x80000048  }
0xb2: {  	_ =	swait.ge [sflag:s29], $0x1  }
0xb3: {  	[sflag:s29] =	ssyncadd.s32 $0xFFFFFFFF  }
0xb4: {  	_ =	strace $0x90000048  }
0xb5: {  	_ =	sfence  }
0xb6: {  	s30 =	sld [smem:$0x0];
	_ =	sdelay $0x2  }
0xb7: {  	s31 =	sshll.u32 s1, $0xD;
	s1 =	sshrl.u32 s1, $0x2  }
0xb8: {  	s3 =	sand.u32 $0x4000, s31;
	s1 =	sadd.s32 s1, s30  }
0xb9: {  	s0 =	sor.u32 s3, s0;
	s1 =	sshll.u32 s1, $0x11  }
0xba: {  	s0 =	sor.u32 s1, s0  }
0xbb: {  	s0 =	sadd.s32 $0x8F2B, s0  }
0xbc: {  	[sflag:s0] =	ssyncadd.remote.s32 $0x1  }
0xbd: {  	_ =	sfence.sel $0xFFFF  }
0xbe: {  	[dreg:$0x0] =	wrdreg $0xFFFFFFFF;
	(pc) =	sbr.abs _section_cstart, $3  }
0xbf: {  	[dreg:$0x1] =	wrdreg $0xFFFFFFFF  }
0xc0: {  	_ =	task.clear_ibuf [dreg:s6], $0x2FFFF;
	_ =	strace $0x9FFFFFFF  }
0xc1: {  	(tm) =	ssettm $0x7FFFFFFF  }
tec
execute0_lowered:
.L_overlay_start_1:
0x0: {  	(tag) =	ssettag $0x1  }
0x1: {  	s1 =	srdreg.scid;
	s0 =	stileid.u32  }
0x2: {  	s5 =	rddreg [dreg:$0x0];
	s2 =	simm.s32 $0x0;
	s8 =	smul.u32 $0xA000, s0  }
0x3: {  	s4 =	sand.u32 $0x1, s1;
	s1 =	rddreg [dreg:$0x1];
	s11 =	smul.u32 $0x50, s0  }
0x4: {  	s26 =	sshll.u32 s0, $0x1;
	[smem:$0x7FF] =	sst s2;
	s10 =	smul.u32 $0x5000, s4  }
0x5: {  	s3 =	sadd.s32 $0x2BE00, s5;
	s6 =	sor.u32 s4, s26;
	s29 =	smul.u32 $0x28, s4  }
0x6: {  	_ =	strace $0x80000047;
	s9 =	ssub.s32 $0x2, s4;
	s7 =	smul.u32 $0x280, s6  }
0x7: {  	s6 =	smul.u32 $0x28, s6;
	s28 =	sshrl.u32 s9, $0x1;
	s31 =	sadd.s32 s29, s11  }
0x8: {  	s11 =	simm.s32 $0x0;
	s7 =	sadd.s32 s7, s5;
	s5 =	sadd.s32 s8, s5  }
0x9: {  	s8 =	ssub.s32 s9, s28;
	s6 =	ssub.s32 $0x4E2, s6;
	[dreg:$0x2] =	wrdreg s31  }
0xa: {  	s9 =	simm.s32 $0x1400;
	s4 =	sadd.s32 $0x35C00, s7;
	[dreg:$0x3] =	wrdreg s6  }
0xb: {  	s30 =	sadd.s32 s10, s5;
	s5 =	smax.u32 s8, $0x1;
	s7 =	simm.s32 $0x7  }
0xc: {  	s8 =	simm.s32 $0x80;
	s10 =	simm.s32 $0x2400;
	s6 =	sadd.s32 $0x3AC00, s30  }
.LBB2_1:
0xd: {  	[tilespmem:s2], [sflag:$0x7] =	stream.linear.gather [hbm4b:s4+s2], $0x1400, $0x38;
	[tilespmem:$0x4400] =	vst v63  }
0xe: {  	_ =	swait.ge [sflag:s7], $0x1400  }
0xf: {  	[sflag:s7] =	ssyncset.done $0x0;
	s12 =	rddreg [dreg:$0x2]  }
0x10: {  	[sflag:s7] =	ssyncadd.s32 $0xFFFFEC00;
	s12 =	sadd.s32 $0x0, s12  }
0x11: {  	[tilespmem:s9], [sflag:$0x1] =	stream.indirect.gather [hbm4b:s3+s8], $0x20, s2, s8, $0xb8;
	[tilespmem:$0x4400] =	vst v63  }
0x12: {  	p0 =	por $0x1, $0x1;
	p1 =	sgt.u32 s12, $0x4E1  }
0x13: {  	p2 =	por $0x1, $0x1;
	s30 =	sadd.s32 $0x2, s12;
	s13 =	simm.s32 @!p1 $0x1  }
0x14: {  	[tilespmem:s10], [sflag:$0x2] =	stream.indirect.gather [hbm4b:s3+s8], $0x20, s8, s8, $0xb8;
	[tilespmem:$0x4400] =	vst v63  }
0x15: {  	s31 =	sadd.s32 $0x1, s12;
	s14 =	simm.s32 @!p1 $0x0;
	_ =	swait.ge @!p1 [sflag:s13], $0x1000  }
0x16: {  	s16 =	simm.s32 @!p1 $0x1400;
	[sflag:s13] =	ssyncset.done @!p1 $0x0;
	s15 =	rddreg [dreg:$0x3]  }
0x17: {  	[sflag:s13] =	ssyncadd.s32 @!p1 $0xFFFFF000;
	s13 =	sadd.s32 @!p1 $0x0, s6;
	p3 =	slt.u32 @!p0 s15, $0x0  }
0x18: {  	[hbm4b:s13+s14] =	stream.linear.scatter @!p1 [tilespmem:s16], [sflag:$0x4], $0x1000, $0x38;
	[tilespmem:$0x4400] =	vst v63  }
0x19: {  	p4 =	slt.u32 s30, $0x4E2;
	p6 =	slt.u32 s31, $0x4E2;
	p0 =	por p3, p0  }
0x1a: {  	p4 =	por !p2, !p4;
	p3 =	por !p2, !p6;
	s13 =	simm.s32 @!p0 $0x6  }
0x1b: {  	p2 =	por !p4, !p4;
	p5 =	por !p3, !p3;
	_ =	swait.ge @!p0 [sflag:s13], $0x1000  }
0x1c: {  	s14 =	simm.s32 @p2 $0x80;
	s15 =	simm.s32 @p2 $0x3400;
	[sflag:s13] =	ssyncset.done @!p0 $0x0  }
0x1d: {  	s16 =	sadd.s32 @p5 $0x0, s6;
	[sflag:s13] =	ssyncadd.s32 @!p0 $0xFFFFF000;
	s13 =	simm.s32 @p2 $0x100  }
0x1e: {  	[tilespmem:s15], [sflag:$0x3] =	stream.indirect.gather @p2 [hbm4b:s3+s14], $0x20, s13, s14, $0xb8;
	[tilespmem:$0x4400] =	vst v63  }
0x1f: {  	s17 =	simm.s32 @p5 $0x0;
	s18 =	simm.s32 @p5 $0x2400;
	s13 =	simm.s32 @p5 $0x2  }
0x20: {  	p0 =	por $0x0, $0x0;
	s14 =	sadd.s32 $0x3, s12;
	_ =	swait.ge @p5 [sflag:s13], $0x1000  }
0x21: {  	s16 =	sadd.s32 @p5 $0x200, s16;
	p3 =	sgt.u32 @!p0 s14, $0x4E1;
	[sflag:s13] =	ssyncset.done @p5 $0x0  }
0x22: {  	p0 =	por p3, p0;
	[sflag:s13] =	ssyncadd.s32 @p5 $0xFFFFF000;
	s13 =	simm.s32 @!p1 $0x4  }
0x23: {  	[hbm4b:s16+s17] =	stream.linear.scatter @p5 [tilespmem:s18], [sflag:$0x5], $0x1000, $0x38;
	[tilespmem:$0x4400] =	vst v63  }
0x24: {  	s12 =	sadd.s32 $0x4, s12;
	s14 =	simm.s32 @!p0 $0x180;
	_ =	swait.ge @!p1 [sflag:s13], $0x1000  }
0x25: {  	s16 =	simm.s32 @!p0 $0x80;
	s17 =	simm.s32 @p2 $0x3;
	[sflag:s13] =	ssyncset.done @!p1 $0x0  }
0x26: {  	s18 =	simm.s32 @p5 $0x5;
	[sflag:s13] =	ssyncadd.s32 @!p1 $0xFFFFF000;
	s13 =	simm.s32 @!p0 $0x1400  }
0x27: {  	[tilespmem:s13], [sflag:$0x1] =	stream.indirect.gather @!p0 [hbm4b:s3+s16], $0x20, s14, s16, $0xb8;
	[tilespmem:$0x4400] =	vst v63  }
0x28: {  	p0 =	por $0x0, $0x0;
	s13 =	sadd.s32 @p2 $0x0, s6;
	s14 =	simm.s32 @p2 $0x0  }
0x29: {  	_ =	swait.ge @p2 [sflag:s17], $0x1000;
	s13 =	sadd.s32 @p2 $0x400, s13;
	p1 =	sgt.u32 @!p0 s12, $0x4E1  }
0x2a: {  	s12 =	simm.s32 $0x600;
	[sflag:s17] =	ssyncset.done @p2 $0x0;
	p1 =	por p1, p0  }
0x2b: {  	[sflag:s17] =	ssyncadd.s32 @p2 $0xFFFFF000;
	s19 =	simm.s32 @!p1 $0x80;
	s20 =	simm.s32 @!p1 $0x200  }
0x2c: {  	[hbm4b:s13+s14] =	stream.linear.scatter @p2 [tilespmem:s15], [sflag:$0x6], $0x1000, $0x38;
	[tilespmem:$0x4400] =	vst v63  }
0x2d: {  	s14 =	simm.s32 $0x3;
	s15 =	simm.s32 $0x6;
	_ =	swait.ge @p5 [sflag:s18], $0x1000  }
0x2e: {  	s13 =	simm.s32 $0x1;
	s17 =	rddreg [dreg:$0x2];
	[sflag:s18] =	ssyncset.done @p5 $0x0  }
.LBB2_2:
0x2f: {  	[sflag:s18] =	ssyncadd.s32 @p5 $0xFFFFF000;
	s18 =	simm.s32 @!p1 $0x2400  }
0x30: {  	s21 =	smov.u32 s15;
	s15 =	sadd.s32 $0x3, s15;
	s17 =	sadd.s32 s14, s17  }
0x31: {  	[tilespmem:s18], [sflag:$0x2] =	stream.indirect.gather @!p1 [hbm4b:s3+s19], $0x20, s20, s19, $0xb8;
	[tilespmem:$0x4400] =	vst v63  }
0x32: {  	p4 =	seq.s32 s14, $0x27;
	p0 =	sne.s32 s15, $0x2A;
	s28 =	sadd.s32 $0x1, s17  }
0x33: {  	s25 =	sadd.s32 $0xFFFFFFFF, s14;
	s18 =	simm.s32 @!p0 $0x0;
	p2 =	slt.u32 s28, $0x4E2  }
0x34: {  	p5 =	sne.s32 s14, $0x27;
	s18 =	simm.s32 @p0 $0x1;
	s19 =	simm.s32 @!p2 $0x0  }
0x35: {  	p3 =	sgt.u32 s17, $0x4E1;
	[smem:$0x7FD] =	sst s18;
	s19 =	simm.s32 @p2 $0x1  }
0x36: {  	s26 =	sadd.s32 $0x2, s17;
	s22 =	simm.s32 @!p3 $0x1;
	[smem:$0x7FA] =	sst s19  }
0x37: {  	p1 =	sgt.u32 s13, $0xB;
	p6 =	slt.u32 s26, $0x4E2;
	_ =	swait.ge @!p3 [sflag:s22], $0x1000  }
0x38: {  	s20 =	sadd.s32 @!p3 s12, s6;
	p2 =	sgt.u32 s25, $0x27;
	[sflag:s22] =	ssyncset.done @!p3 $0x0  }
0x39: {  	s18 =	simm.s32 @!p3 $0x0;
	s19 =	rddreg [dreg:$0x3];
	[sflag:s22] =	ssyncadd.s32 @!p3 $0xFFFFF000  }
0x3a: {  	s22 =	simm.s32 @!p3 $0x1400;
	p0 =	sgt.u32 @!p2 s14, s19;
	s14 =	sadd.s32 $0x3, s17  }
0x3b: {  	[hbm4b:s20+s18] =	stream.linear.scatter @!p3 [tilespmem:s22], [sflag:$0x4], $0x1000, $0x38;
	[tilespmem:$0x4400] =	vst v63  }
0x3c: {  	p0 =	por p0, p2;
	p2 =	por p4, p4;
	p4 =	sgt.u32 @!p4 s14, $0x4E1  }
0x3d: {  	p6 =	por !p5, !p6;
	s17 =	sadd.s32 $0x4, s17;
	s14 =	simm.s32 @!p4 $0x0  }
0x3e: {  	s29 =	sld [smem:$0x7FA];
	s14 =	simm.s32 @p4 $0x1;
	p4 =	sgt.u32 @!p1 s17, $0x4E1  }
0x3f: {  	p6 =	por !p6, !p6;
	[smem:$0x7FB] =	sst s14;
	s14 =	simm.s32 @!p4 $0x0  }
0x40: {  	s19 =	simm.s32 @p6 $0x80;
	s14 =	simm.s32 @p4 $0x1  }
0x41: {  	s18 =	sshra.s32 @p6 s12, $0x2;
	s17 =	simm.s32 @!p0 $0x6;
	[smem:$0x7FC] =	sst s14  }
0x42: {  	p4 =	por p1, p1;
	p1 =	seq.s32 s29, $0x1;
	_ =	swait.ge @!p0 [sflag:s17], $0x1000  }
0x43: {  	s20 =	simm.s32 @p6 $0x3400;
	p1 =	por !p5, !p1;
	[sflag:s17] =	ssyncset.done @!p0 $0x0  }
0x44: {  	p5 =	por !p1, !p1;
	[sflag:s17] =	ssyncadd.s32 @!p0 $0xFFFFF000;
	s17 =	sadd.s32 @p6 $0x100, s18  }
0x45: {  	[tilespmem:s20], [sflag:$0x3] =	stream.indirect.gather @p6 [hbm4b:s3+s19], $0x20, s17, s19, $0xb8;
	[tilespmem:$0x4400] =	vst v63  }
0x46: {  	s14 =	smov.u32 s21;
	s17 =	simm.s32 @p5 $0x2  }
0x47: {  	s21 =	simm.s32 @p5 $0x0;
	s22 =	simm.s32 @p5 $0x2400;
	_ =	swait.ge @p5 [sflag:s17], $0x1000  }
0x48: {  	s18 =	sadd.s32 @p5 s12, s6;
	[sflag:s17] =	ssyncset.done @p5 $0x0;
	s23 =	sld [smem:$0x7FB]  }
0x49: {  	s18 =	sadd.s32 @p5 $0x200, s18;
	[sflag:s17] =	ssyncadd.s32 @p5 $0xFFFFF000;
	s17 =	simm.s32 @!p3 $0x4  }
0x4a: {  	[hbm4b:s18+s21] =	stream.linear.scatter @p5 [tilespmem:s22], [sflag:$0x5], $0x1000, $0x38;
	[tilespmem:$0x4400] =	vst v63  }
0x4b: {  	p1 =	seq.s32 s23, $0x1;
	_ =	swait.ge @!p3 [sflag:s17], $0x1000  }
0x4c: {  	p0 =	por p1, p2;
	[sflag:s17] =	ssyncset.done @!p3 $0x0  }
0x4d: {  	s18 =	sshra.s32 @!p0 s12, $0x2;
	s21 =	simm.s32 @!p0 $0x1400;
	s22 =	simm.s32 @!p0 $0x80  }
0x4e: {  	[sflag:s17] =	ssyncadd.s32 @!p3 $0xFFFFF000;
	s17 =	simm.s32 @p6 $0x3;
	s18 =	sadd.s32 @!p0 $0x180, s18  }
0x4f: {  	[tilespmem:s21], [sflag:$0x1] =	stream.indirect.gather @!p0 [hbm4b:s3+s22], $0x20, s18, s22, $0xb8;
	[tilespmem:$0x4400] =	vst v63  }
0x50: {  	s19 =	sadd.s32 @p6 s12, s6;
	_ =	swait.ge @p6 [sflag:s17], $0x1000  }
0x51: {  	s19 =	sadd.s32 @p6 $0x400, s19;
	[sflag:s17] =	ssyncset.done @p6 $0x0  }
0x52: {  	s21 =	simm.s32 @p6 $0x0;
	s18 =	simm.s32 @p5 $0x5;
	[sflag:s17] =	ssyncadd.s32 @p6 $0xFFFFF000  }
0x53: {  	[hbm4b:s19+s21] =	stream.linear.scatter @p6 [tilespmem:s20], [sflag:$0x6], $0x1000, $0x38;
	[tilespmem:$0x4400] =	vst v63  }
0x54: {  	s30 =	sld [smem:$0x7FC];
	_ =	swait.ge @p5 [sflag:s18], $0x1000  }
0x55: {  	s31 =	sld [smem:$0x7FD];
	_ =	sdelay $0x2  }
0x56: {  	p0 =	seq.s32 s31, $0x1  }
.Ltmp0:
0x57: {  	_ = 	snop;
	(pc) =	sbr.rel @p0 .LBB2_2-.Ltmp0, $4  }
0x58: {  	p3 =	seq.s32 s30, $0x1  }
0x59: {  	s16 =	smov.u32 s12;
	s13 =	sadd.s32 $0x1, s13;
	p1 =	por p3, p4  }
0x5a: {  	s12 =	sadd.s32 $0x600, s12;
	s17 =	rddreg [dreg:$0x2];
	s16 =	sshra.s32 @!p1 s16, $0x2  }
0x5b: {  	[sflag:s18] =	ssyncset.done @p5 $0x0;
	s19 =	simm.s32 @!p1 $0x80;
	s20 =	sadd.s32 @!p1 $0x200, s16  }
0x5c: {  	[sflag:s18] =	ssyncadd.s32 @p5 $0xFFFFF000;
	s15 =	simm.s32 @!p1 $0x2400;
	s28 =	sadd.s32 s14, s17  }
0x5d: {  	[tilespmem:s15], [sflag:$0x2] =	stream.indirect.gather @!p1 [hbm4b:s3+s19], $0x20, s20, s19, $0xb8;
	[tilespmem:$0x4400] =	vst v63  }
0x5e: {  	s29 =	sadd.s32 $0xFFFFFFFF, s14;
	p5 =	sne.s32 s14, $0x27;
	p0 =	sgt.u32 s28, $0x4E1  }
0x5f: {  	p2 =	sgt.u32 s29, $0x27;
	s30 =	sadd.s32 $0x2, s28;
	s16 =	simm.s32 @!p0 $0x1  }
0x60: {  	s31 =	sadd.s32 $0x1, s28;
	p4 =	slt.u32 s30, $0x4E2;
	_ =	swait.ge @!p0 [sflag:s16], $0x1000  }
0x61: {  	p6 =	slt.u32 s31, $0x4E2;
	s18 =	simm.s32 @!p0 $0x1400;
	s17 =	rddreg [dreg:$0x3]  }
0x62: {  	[sflag:s16] =	ssyncset.done @!p0 $0x0;
	p3 =	sgt.u32 @!p2 s14, s17;
	s17 =	simm.s32 @!p0 $0x0  }
0x63: {  	[sflag:s16] =	ssyncadd.s32 @!p0 $0xFFFFF000;
	s16 =	sadd.s32 @!p0 s12, s6;
	p3 =	por p3, p2  }
0x64: {  	[hbm4b:s16+s17] =	stream.linear.scatter @!p0 [tilespmem:s18], [sflag:$0x4], $0x1000, $0x38;
	[tilespmem:$0x4400] =	vst v63  }
0x65: {  	p4 =	por !p5, !p4;
	p1 =	por !p5, !p6;
	s16 =	simm.s32 @!p3 $0x6  }
0x66: {  	p1 =	por !p1, !p1;
	p2 =	por !p4, !p4;
	_ =	swait.ge @!p3 [sflag:s16], $0x1000  }
0x67: {  	s17 =	sshra.s32 @p2 s12, $0x2;
	s18 =	simm.s32 @p2 $0x80;
	[sflag:s16] =	ssyncset.done @!p3 $0x0  }
0x68: {  	[sflag:s16] =	ssyncadd.s32 @!p3 $0xFFFFF000;
	s16 =	sadd.s32 @p2 $0x100, s17;
	s17 =	simm.s32 @p2 $0x3400  }
0x69: {  	[tilespmem:s17], [sflag:$0x3] =	stream.indirect.gather @p2 [hbm4b:s3+s18], $0x20, s16, s18, $0xb8;
	[tilespmem:$0x4400] =	vst v63  }
0x6a: {  	s19 =	simm.s32 @p1 $0x0;
	s16 =	simm.s32 @p1 $0x2  }
0x6b: {  	p3 =	seq.s32 s14, $0x27;
	s14 =	sadd.s32 $0x3, s28;
	_ =	swait.ge @p1 [sflag:s16], $0x1000  }
0x6c: {  	s18 =	sadd.s32 @p1 s12, s6;
	p4 =	sgt.u32 @!p3 s14, $0x4E1;
	[sflag:s16] =	ssyncset.done @p1 $0x0  }
0x6d: {  	s18 =	sadd.s32 @p1 $0x200, s18;
	[sflag:s16] =	ssyncadd.s32 @p1 $0xFFFFF000;
	s16 =	simm.s32 @p1 $0x2400  }
0x6e: {  	[hbm4b:s18+s19] =	stream.linear.scatter @p1 [tilespmem:s16], [sflag:$0x5], $0x1000, $0x38;
	[tilespmem:$0x4400] =	vst v63  }
0x6f: {  	p3 =	por p4, p3;
	s16 =	simm.s32 @!p0 $0x4  }
0x70: {  	s14 =	sshra.s32 @!p3 s12, $0x2;
	_ =	swait.ge @!p0 [sflag:s16], $0x1000  }
0x71: {  	s14 =	sadd.s32 @!p3 $0x180, s14;
	[sflag:s16] =	ssyncset.done @!p0 $0x0  }
0x72: {  	s18 =	simm.s32 @!p3 $0x80;
	[sflag:s16] =	ssyncadd.s32 @!p0 $0xFFFFF000;
	s16 =	simm.s32 @!p3 $0x1400  }
0x73: {  	[tilespmem:s16], [sflag:$0x1] =	stream.indirect.gather @!p3 [hbm4b:s3+s18], $0x20, s14, s18, $0xb8;
	[tilespmem:$0x4400] =	vst v63  }
0x74: {  	s14 =	simm.s32 @p2 $0x3  }
0x75: {  	s15 =	sadd.s32 $0x4, s28;
	_ =	swait.ge @p2 [sflag:s14], $0x1000  }
0x76: {  	p0 =	sgt.u32 s13, $0xB;
	s13 =	sadd.s32 @p2 s12, s6;
	[sflag:s14] =	ssyncset.done @p2 $0x0  }
0x77: {  	s13 =	sadd.s32 @p2 $0x400, s13;
	s16 =	simm.s32 @p2 $0x0;
	[sflag:s14] =	ssyncadd.s32 @p2 $0xFFFFF000  }
0x78: {  	[hbm4b:s13+s16] =	stream.linear.scatter @p2 [tilespmem:s17], [sflag:$0x6], $0x1000, $0x38;
	[tilespmem:$0x4400] =	vst v63  }
0x79: {  	s14 =	simm.s32 @p1 $0x5;
	p2 =	sgt.u32 @!p0 s15, $0x4E1  }
0x7a: {  	s11 =	sadd.s32 $0x1, s11;
	_ =	swait.ge @p1 [sflag:s14], $0x1000;
	p0 =	por p2, p0  }
0x7b: {  	[sflag:s14] =	ssyncset.done @p1 $0x0;
	s12 =	sshra.s32 @!p0 s12, $0x2;
	s13 =	simm.s32 @!p0 $0x80  }
0x7c: {  	[sflag:s14] =	ssyncadd.s32 @p1 $0xFFFFF000;
	s12 =	sadd.s32 @!p0 $0x200, s12;
	s14 =	simm.s32 @!p0 $0x2400  }
0x7d: {  	[tilespmem:s14], [sflag:$0x2] =	stream.indirect.gather @!p0 [hbm4b:s3+s13], $0x20, s12, s13, $0xb8;
	[tilespmem:$0x4400] =	vst v63  }
0x7e: {  	p0 =	sne.s32 s11, s5  }
.Ltmp1:
0x7f: {  	_ = 	snop;
	(pc) =	sbr.rel @p0 .LBB2_1-.Ltmp1, $1  }
0x80: {  	_ =	sdelay $0x3  }
0x81: {  	_ =	sfence.sel $0x180000  }
0x82: {  	[bflag:$0x0] =	sbarrier.arrive $0xFFFF  }
0x83: {  	p0 =	sne.s32 s0, $0x0;
	_ =	strace $0x90000047  }
0x84: {  	s0 =	sadd.s32 @!p0 $0x100000, s1;
	[bflag:$0x2] =	sbarrier.arrive $0xFFFF  }
0x85: {  	[sflag:s0] =	ssyncadd.tile.s32 @!p0 $0x1;
	_ =	shalt  }
.Lfunc_end2:
_tile_overlayer_lowered:
.L_overlay_start_2:
0x86: {  	(tag) =	ssettag $0x2  }
0x87: {  	s0 =	rddreg [dreg:$0x0];
	s2 =	stileid.u32  }
0x88: {  	s1 =	rddreg [dreg:$0x1];
	p0 =	sne.s32 s2, $0x0  }
0x89: {  	s3 =	rddreg [dreg:$0x2];
	[bflag:$0x3] =	sbarrier.arrive $0xFFFF;
	s2 =	simm.s32 @!p0 $0x1C07  }
0x8a: {  	[timem:s3], [sflag:s2] =	dma.local @!p0 [hbm:s0], s1  }
0x8b: {  	s0 =	simm.s32 @!p0 $0x7  }
0x8c: {  	_ =	swait.ge @!p0 [sflag:s0], s1  }
0x8d: {  	s1 =	ssub.s32 @!p0 $0x0, s1;
	[sflag:s0] =	ssyncset.done @!p0 $0x0  }
0x8e: {  	[sflag:s0] =	ssyncadd.s32 @!p0 s1  }
0x8f: {  	[bflag:$0x3] =	sbarrier.arrive $0xFFFF  }
0x90: {  	_ =	shalt  }

// kernel: kernel.16.cloned.1.call-start
scs
__scs_entry_jumppad:
0x0: {  	(pc) =	sbr.rel $0x88, $3  }
0x1: {  	(tag) =	ssettag $0x0;
	lr =	simm.s32 $0x1  }
0x2: {  	[smem:$0x3F8F] =	sst lr;
	_ =	strace $0xD0000000  }
0x3: {  	_ = 	snop  }
0x4: {  	_ = 	snop  }
0x5: {  	_ = 	snop  }
0x6: {  	_ = 	snop  }
0x7: {  	_ = 	snop  }
__scs_overlays_trampoline_lowered:
0x8: {  	[smem:$0x3F9E] =	sst s0  }
0x9: {  	[smem:$0x3F9F] =	sst s1  }
0xa: {  	[smem:$0x3FA0] =	sst s2  }
0xb: {  	[smem:$0x3FA1] =	sst s3  }
0xc: {  	[smem:$0x3FA2] =	sst s4  }
0xd: {  	[smem:$0x3FA3] =	sst s5  }
0xe: {  	[smem:$0x3FA4] =	sst s6  }
0xf: {  	[smem:$0x3FA5] =	sst s7  }
0x10: {  	[smem:$0x3FA6] =	sst s8  }
0x11: {  	[smem:$0x3FA7] =	sst s9;
	s0 =	simm.s32 @!p0 $0x0  }
0x12: {  	s1 =	sld [smem:$0x3F8D];
	s0 =	simm.s32 @p0 $0x1  }
0x13: {  	[smem:$0x3FA8] =	sst s0;
	s0 =	simm.s32 @!p1 $0x0  }
0x14: {  	s2 =	sld [smem:$0x3F8C];
	s0 =	simm.s32 @p1 $0x1  }
0x15: {  	[smem:$0x3FA9] =	sst s0;
	s0 =	simm.s32 @!p2 $0x0  }
0x16: {  	s3 =	sld [smem:$0x3FDB];
	s0 =	simm.s32 @p2 $0x1  }
0x17: {  	s4 =	simm.s32 $0x1BF5;
	[smem:$0x3FAB] =	sst s0  }
0x18: {  	s0 =	sld [smem:$0x3F8E];
	_ =	swait.ge [sflag:s4], $0x0  }
0x19: {  	s7 =	sld [smem:$0x3F8F]  }
0x1a: {  	s8 =	sadd.s32 $0xFFFFE003, lr  }
0x1b: {  	s9 =	sadd.s32 $0xFFFFFEF7, lr;
	s5 =	simm.s32 $0xFFFFFFFF;
	p2 =	slt.u32 s8, $0xFFFFF086  }
0x1c: {  	p1 =	slt.u32 s9, $0xF7A;
	s5 =	simm.s32 @!p2 $0x0  }
0x1d: {  	s5 =	simm.s32 @p1 $0x1;
	p0 =	seq.s32 s7, s2  }
0x1e: {  	s7 =	smul.u32 @!p0 $0xF7A, s2;
	p2 =	seq.s32 @!p0 s5, $0x0  }
0x1f: {  	s9 =	smul.u32 $0xF7A, s1;
	s8 =	simm.s32 @!p0 $0x1BF5;
	p2 =	por !p2, p0  }
0x20: {  	[sflag:s8] =	ssyncset.s32 @!p0 $0xFFFFF086;
	s6 =	sadd.s32 @!p0 s3, s7;
	s7 =	simm.s32 @!p0 $0x108  }
0x21: {  	s3 =	sadd.s32 s3, s9;
	s6 =	sadd.s32 @!p0 $0x88, s6;
	s7 =	simm.s32 @p2 $0x1082  }
0x22: {  	[simem:s7], [sflag:s8] =	dma.local @!p0 [hbm:s6], $0xF7A  }
0x23: {  	s9 =	sor.u32 $0xD0000000, s2;
	s6 =	simm.s32 $0x108;
	_ =	swait.ge @!p0 [sflag:s8], $0x0  }
0x24: {  	s3 =	sadd.s32 $0x88, s3;
	s6 =	simm.s32 @!p1 $0x1082;
	[sflag:s4] =	ssyncset.s32 $0xFFFFF086  }
0x25: {  	[simem:s6], [sflag:s4] =	dma.local [hbm:s3], $0xF7A  }
0x26: {  	[smem:$0x3F8F] =	sst s1;
	(tag) =	ssettag s2;
	_ =	strace s9  }
0x27: {  	s1 =	sld [smem:$0x3F9F]  }
0x28: {  	s2 =	sld [smem:$0x3FA0]  }
0x29: {  	s4 =	sld [smem:$0x3FA2]  }
0x2a: {  	p0 =	seq.s32 s5, $0x0;
	s5 =	sld [smem:$0x3FA3]  }
0x2b: {  	s6 =	sld [smem:$0x3FA4]  }
0x2c: {  	s7 =	sld [smem:$0x3FA5]  }
0x2d: {  	s3 =	simm.s32 $0x108;
	s8 =	sld [smem:$0x3FA6]  }
0x2e: {  	s3 =	simm.s32 @!p0 $0x1082;
	s9 =	sld [smem:$0x3FA7]  }
0x2f: {  	lr =	sadd.s32 s0, s3;
	s0 =	sld [smem:$0x3F9E]  }
0x30: {  	s3 =	sld [smem:$0x3FA1]  }
0x31: {  	[smem:$0x3FAA] =	sst s10  }
0x32: {  	s10 =	sld [smem:$0x3FA8];
	_ =	sdelay $0x3  }
0x33: {  	p0 =	seq.s32 s10, $0x1;
	s10 =	sld [smem:$0x3FAA];
	_ =	sdelay $0x3  }
0x34: {  	[smem:$0x3FAA] =	sst s10  }
0x35: {  	s10 =	sld [smem:$0x3FA9];
	_ =	sdelay $0x3  }
0x36: {  	p1 =	seq.s32 s10, $0x1;
	s10 =	sld [smem:$0x3FAA];
	_ =	sdelay $0x3  }
0x37: {  	[smem:$0x3FAA] =	sst s10  }
0x38: {  	s10 =	sld [smem:$0x3FAB]  }
0x39: {  	_ = 	snop;
	(pc) =	sbr.ind lr, $3  }
0x3a: {  	_ = 	snop  }
0x3b: {  	_ = 	snop  }
0x3c: {  	p2 =	seq.s32 s10, $0x1;
	s10 =	sld [smem:$0x3FAA]  }
0x3d: {  	_ =	shalt  }
0x3e: {  	_ =	shalt  }
0x3f: {  	_ =	shalt  }
0x40: {  	_ =	shalt  }
0x41: {  	_ =	shalt  }
0x42: {  	_ =	shalt  }
0x43: {  	_ =	shalt  }
0x44: {  	_ =	shalt  }
0x45: {  	_ =	shalt  }
0x46: {  	_ =	shalt  }
0x47: {  	_ =	shalt  }
0x48: {  	_ =	shalt  }
0x49: {  	_ =	shalt  }
0x4a: {  	_ =	shalt  }
0x4b: {  	_ =	shalt  }
0x4c: {  	_ =	shalt  }
0x4d: {  	_ =	shalt  }
0x4e: {  	_ =	shalt  }
0x4f: {  	_ =	shalt  }
0x50: {  	_ =	shalt  }
0x51: {  	_ =	shalt  }
0x52: {  	_ =	shalt  }
0x53: {  	_ =	shalt  }
0x54: {  	_ =	shalt  }
0x55: {  	_ =	shalt  }
0x56: {  	_ =	shalt  }
0x57: {  	_ =	shalt  }
0x58: {  	_ =	shalt  }
0x59: {  	_ =	shalt  }
0x5a: {  	_ =	shalt  }
0x5b: {  	_ =	shalt  }
0x5c: {  	_ =	shalt  }
0x5d: {  	_ =	shalt  }
0x5e: {  	_ =	shalt  }
0x5f: {  	_ =	shalt  }
0x60: {  	_ =	shalt  }
0x61: {  	_ =	shalt  }
0x62: {  	_ =	shalt  }
0x63: {  	_ =	shalt  }
0x64: {  	_ =	shalt  }
0x65: {  	_ =	shalt  }
0x66: {  	_ =	shalt  }
0x67: {  	_ =	shalt  }
0x68: {  	_ =	shalt  }
0x69: {  	_ =	shalt  }
0x6a: {  	_ =	shalt  }
0x6b: {  	_ =	shalt  }
0x6c: {  	_ =	shalt  }
0x6d: {  	_ =	shalt  }
0x6e: {  	_ =	shalt  }
0x6f: {  	_ =	shalt  }
0x70: {  	_ =	shalt  }
0x71: {  	_ =	shalt  }
0x72: {  	_ =	shalt  }
0x73: {  	_ =	shalt  }
0x74: {  	_ =	shalt  }
0x75: {  	_ =	shalt  }
0x76: {  	_ =	shalt  }
0x77: {  	_ =	shalt  }
0x78: {  	_ =	shalt  }
0x79: {  	_ =	shalt  }
0x7a: {  	_ =	shalt  }
0x7b: {  	_ =	shalt  }
0x7c: {  	_ =	shalt  }
0x7d: {  	_ =	shalt  }
0x7e: {  	_ =	shalt  }
0x7f: {  	_ =	shalt  }
0x80: {  	_ =	shalt  }
0x81: {  	_ =	shalt  }
0x82: {  	_ =	shalt  }
0x83: {  	_ =	shalt  }
0x84: {  	_ =	shalt  }
0x85: {  	_ =	shalt  }
0x86: {  	_ =	shalt  }
0x87: {  	_ =	shalt  }
.Lfunc_end0:
.L_simem_size_0:
called_computation.1_lowered:
.L_overlay_start_0:
0x88: {  	s2 =	sld [smem:$0x3FD9]  }
0x89: {  	s3 =	sld [smem:$0x3FFE];
	_ =	sdelay $0x1  }
0x8a: {  	s1 =	srdreg.scid  }
0x8b: {  	s0 =	sand.u32 $0x1, s1  }
0x8c: {  	s16 =	sshll.u32 s0, $0xA;
	s2 =	sadd.s32 s3, s2  }
0x8d: {  	s2 =	sadd.s32 s2, s16  }
0x8e: {  	[smem:$0x3FB6] =	sst s2  }
0x8f: {  	_ = 	snop  }
0x90: {  	(tm) =	ssettm $0x1  }
0x91: {  	s17 =	sld [smem:$0x3FFB];
	_ =	sdelay $0x3  }
0x92: {  	_ =	strace s17  }
0x93: {  	s2 =	sld [smem:$0x3FFC];
	_ =	sdelay $0x3  }
0x94: {  	_ =	strace s2  }
0x95: {  	s2 =	sld [smem:$0x3FFD];
	_ =	sdelay $0x3  }
0x96: {  	_ =	strace s2  }
0x97: {  	_ =	strace $0x8FFFFFFF  }
0x98: {  	s18 =	sld [smem:$0x3FDB];
	_ =	sdelay $0x1  }
0x99: {  	s19 =	simm.s32 $_scs_section_size  }
0x9a: {  	s4 =	simm.s32 $_size__tile_overlayer_lowered;
	s5 =	simm.s32 $_tile_overlayer_lowered  }
0x9b: {  	s22 =	simm.s32 $0x1BFF;
	s21 =	sshll.u32 s5, $0x1;
	s2 =	sadd.s32 s19, s18  }
0x9c: {  	s6 =	simm.s32 $0x0;
	s20 =	sshll.u32 s4, $0x1;
	s4 =	sadd.s32 s21, s2  }
0x9d: {  	[timem:s6], [sflag:s22] =	dma.local [hbm:s4], s20  }
0x9e: {  	_ =	swait.ge [sflag:s22], s20  }
0x9f: {  	s3 =	ssub.s32 $0x0, s20;
	[sflag:s22] =	ssyncset.done $0x0  }
0xa0: {  	[sflag:s22] =	ssyncadd.s32 s3;
	_ =	sdelay $0x1  }
0xa1: {  	s23 =	simm.s32 $0x1B8B  }
0xa2: {  	_ =	swait.ge [sflag:s23], $0x1  }
0xa3: {  	[sflag:s23] =	ssyncset.done $0x0  }
0xa4: {  	s25 =	simm.s32 $0x1B8E;
	s24 =	sld [smem:$0x3FFE];
	[sflag:s23] =	ssyncadd.s32 $0xFFFFFFFF  }
0xa5: {  	s26 =	simm.s32 $execute0_lowered;
	[smem:$0x3FD2] =	sst s25  }
0xa6: {  	s4 =	sshll.u32 s26, $0x1;
	_ =	strace $0x80000049;
	[dreg:$0x1] =	wrdreg $0xFFFFFFFF  }
0xa7: {  	s28 =	simm.s32 $_size_execute0_lowered;
	s2 =	sadd.s32 s2, s4;
	[dreg:$0x0] =	wrdreg $0x0  }
0xa8: {  	s4 =	sshll.u32 s28, $0x1;
	[dreg:$0x2] =	wrdreg s2  }
0xa9: {  	[dreg:$0x3] =	wrdreg s4  }
0xaa: {  	[dreg:$0x4] =	wrdreg $0xC0  }
0xab: {  	_ =	task [dreg:s6], $0x5FFFF  }
0xac: {  	[dreg:$0x1] =	wrdreg $0xFFFFFFFF  }
0xad: {  	[dreg:$0x0] =	wrdreg $0x60  }
0xae: {  	[dreg:$0x2] =	wrdreg s24  }
0xaf: {  	[dreg:$0x3] =	wrdreg $0x44000  }
0xb0: {  	[dreg:$0x4] =	wrdreg $0x9  }
0xb1: {  	_ =	task.clear_ibuf [dreg:s6], $0x5FFFF;
	_ =	strace $0x90000049  }
0xb2: {  	s29 =	simm.s32 $0x9;
	_ =	strace $0x8000004B  }
0xb3: {  	_ =	swait.ge [sflag:s29], $0x1  }
0xb4: {  	[sflag:s29] =	ssyncadd.s32 $0xFFFFFFFF  }
0xb5: {  	_ =	strace $0x9000004B  }
0xb6: {  	_ =	sfence  }
0xb7: {  	s30 =	sld [smem:$0x0];
	_ =	sdelay $0x2  }
0xb8: {  	s31 =	sshll.u32 s1, $0xD;
	s1 =	sshrl.u32 s1, $0x2  }
0xb9: {  	s3 =	sand.u32 $0x4000, s31;
	s1 =	sadd.s32 s1, s30  }
0xba: {  	s0 =	sor.u32 s3, s0;
	s1 =	sshll.u32 s1, $0x11  }
0xbb: {  	s0 =	sor.u32 s1, s0  }
0xbc: {  	s0 =	sadd.s32 $0x8F2B, s0  }
0xbd: {  	[sflag:s0] =	ssyncadd.remote.s32 $0x1  }
0xbe: {  	_ =	sfence.sel $0xFFFF  }
0xbf: {  	[dreg:$0x0] =	wrdreg $0xFFFFFFFF;
	(pc) =	sbr.abs _section_cstart, $3  }
0xc0: {  	[dreg:$0x1] =	wrdreg $0xFFFFFFFF  }
0xc1: {  	_ =	task.clear_ibuf [dreg:s6], $0x2FFFF;
	_ =	strace $0x9FFFFFFF  }
0xc2: {  	(tm) =	ssettm $0x7FFFFFFF  }
0xc3: {  	_ =	shalt  }
tec
execute0_lowered:
.L_overlay_start_1:
0x0: {  	(tag) =	ssettag $0x1  }
0x1: {  	s0 =	stileid.u32  }
0x2: {  	s1 =	srdreg.scid;
	s7 =	smul.u32 $0x4E20, s0  }
0x3: {  	s4 =	rddreg [dreg:$0x0];
	s16 =	smul.u32 $0xA000, s0  }
0x4: {  	s2 =	rddreg [dreg:$0x1];
	s9 =	sand.u32 $0x1, s1;
	s26 =	smul.u32 $0x50, s0  }
0x5: {  	s3 =	simm.s32 $0x0;
	s1 =	rddreg [dreg:$0x2];
	s8 =	smul.u32 $0x4E200, s9  }
0x6: {  	s24 =	sshll.u32 s0, $0x1;
	[smem:$0x7FF] =	sst s3;
	s29 =	smul.u32 $0x28, s9  }
0x7: {  	s10 =	sadd.s32 $0x3AC00, s4;
	s5 =	sor.u32 s9, s24;
	s30 =	smul.u32 $0x5000, s9  }
0x8: {  	s31 =	sshll.u32 s0, $0x6;
	_ =	strace $0x8000004A;
	s6 =	smul.u32 $0x280, s5  }
0x9: {  	s12 =	ssub.s32 $0x2, s9;
	s11 =	sshrl.u32 s7, $0x3;
	s14 =	smul.u32 $0x28, s5  }
0xa: {  	s13 =	sshrl.u32 s12, $0x1;
	s25 =	smul.u32 $0x5000, s5;
	s15 =	sadd.s32 s7, s2  }
0xb: {  	s11 =	sadd.s32 s11, s4;
	s8 =	sadd.s32 s7, s8;
	s12 =	ssub.s32 s12, s13  }
0xc: {  	s13 =	sshrl.u32 s15, $0x3;
	s15 =	simm.s32 $0x2400;
	s6 =	sadd.s32 s6, s4  }
0xd: {  	s8 =	sshrl.u32 s8, $0x3;
	s5 =	sadd.s32 $0x2BE00, s11;
	s28 =	ssub.s32 $0x4E2, s14  }
0xe: {  	s9 =	smax.u32 s12, $0x1;
	s11 =	sadd.s32 s29, s26;
	s12 =	sor.u32 $0x1C07, s31  }
0xf: {  	s14 =	simm.s32 $0x1400;
	s8 =	sadd.s32 s8, s4;
	s4 =	sadd.s32 $0x349000, s6  }
0x10: {  	s6 =	sadd.s32 s10, s25;
	[dreg:$0x4] =	wrdreg s28;
	s10 =	sadd.s32 s16, s10  }
0x11: {  	[dreg:$0x3] =	wrdreg s11;
	s11 =	simm.s32 $0x7;
	s16 =	simm.s32 $0x0  }
0x12: {  	s7 =	sadd.s32 $0x200, s6;
	s8 =	sadd.s32 $0x34E200, s8;
	s10 =	sadd.s32 s30, s10  }
.LBB2_1:
0x13: {  	[tilespmem:s3], [sflag:$0x7] =	stream.linear.gather [hbm4b:s4+s3], $0x1400, $0x38;
	[tilespmem:$0x9220] =	vst v63  }
0x14: {  	_ =	swait.ge [sflag:s11], $0x1400  }
0x15: {  	[sflag:s11] =	ssyncset.done $0x0  }
0x16: {  	[sflag:s11] =	ssyncadd.s32 $0xFFFFEC00  }
0x17: {  	[spmem:s13], [sflag:s12] =	dma.local [hbm:s5], $0x9C4  }
0x18: {  	_ =	swait.ge [sflag:s11], $0x9C4  }
0x19: {  	[sflag:s11] =	ssyncset.done $0x0  }
0x1a: {  	[sflag:s11] =	ssyncadd.s32 $0xFFFFF63C  }
0x1b: {  	[bflag:$0x0] =	sbarrier.arrive $0xFFFF  }
0x1c: {  	[tilespmem:s14], [sflag:$0x1] =	stream.linear.gather [hbm4b:s6+s3], $0x1000, $0x38;
	[tilespmem:$0x9220] =	vst v63  }
0x1d: {  	s17 =	rddreg [dreg:$0x3]  }
0x1e: {  	s17 =	sadd.s32 $0x0, s17  }
0x1f: {  	[tilespmem:s15], [sflag:$0x2] =	stream.linear.gather [hbm4b:s7+s3], $0x1000, $0x38;
	[tilespmem:$0x9220] =	vst v63  }
0x20: {  	p2 =	por $0x1, $0x1;
	p0 =	sgt.u32 s17, $0x4E1  }
0x21: {  	p1 =	por $0x1, $0x1;
	s20 =	sadd.s32 $0x2, s17;
	s18 =	simm.s32 @!p0 $0x1  }
0x22: {  	s31 =	sadd.s32 $0x1, s17;
	p4 =	slt.u32 s20, $0x4E2;
	_ =	swait.ge @!p0 [sflag:s18], $0x1000  }
0x23: {  	p6 =	slt.u32 s31, $0x4E2;
	s20 =	simm.s32 @!p0 $0x1400;
	s19 =	rddreg [dreg:$0x4]  }
0x24: {  	[sflag:s18] =	ssyncset.done @!p0 $0x0;
	p3 =	slt.u32 @!p2 s19, $0x0;
	s19 =	simm.s32 @!p0 $0x80  }
0x25: {  	[sflag:s18] =	ssyncadd.s32 @!p0 $0xFFFFF000;
	s18 =	simm.s32 @!p0 $0x0;
	p3 =	por p3, p2  }
0x26: {  	[spmem:s2] =	stream.indirect.scatter.add.f32 @!p0 [tilespmem:s20], [sflag:$0x4], $0x20, s18, s19, $0xb8;
	[tilespmem:$0x9220] =	vst v63  }
0x27: {  	p4 =	por !p1, !p4;
	p1 =	por !p1, !p6;
	s18 =	simm.s32 @!p3 $0x6  }
0x28: {  	p1 =	por !p1, !p1;
	p2 =	por !p4, !p4;
	_ =	swait.ge @!p3 [sflag:s18], $0x1000  }
0x29: {  	s19 =	sadd.s32 @p2 $0x0, s10;
	s20 =	simm.s32 @p2 $0x0;
	[sflag:s18] =	ssyncset.done @!p3 $0x0  }
0x2a: {  	[sflag:s18] =	ssyncadd.s32 @!p3 $0xFFFFF000;
	s18 =	sadd.s32 @p2 $0x400, s19;
	s19 =	simm.s32 @p2 $0x3400  }
0x2b: {  	[tilespmem:s19], [sflag:$0x3] =	stream.linear.gather @p2 [hbm4b:s18+s20], $0x1000, $0x38;
	[tilespmem:$0x9220] =	vst v63  }
0x2c: {  	s18 =	simm.s32 @p1 $0x2  }
0x2d: {  	s21 =	simm.s32 @p1 $0x80;
	s22 =	simm.s32 @p1 $0x80;
	_ =	swait.ge @p1 [sflag:s18], $0x1000  }
0x2e: {  	s23 =	simm.s32 @p1 $0x2400;
	p3 =	por $0x0, $0x0;
	[sflag:s18] =	ssyncset.done @p1 $0x0  }
0x2f: {  	s20 =	sadd.s32 $0x3, s17;
	[sflag:s18] =	ssyncadd.s32 @p1 $0xFFFFF000;
	s18 =	simm.s32 @!p0 $0x4  }
0x30: {  	[spmem:s2] =	stream.indirect.scatter.add.f32 @p1 [tilespmem:s23], [sflag:$0x5], $0x20, s21, s22, $0xb8;
	[tilespmem:$0x9220] =	vst v63  }
0x31: {  	p4 =	sgt.u32 @!p3 s20, $0x4E1;
	_ =	swait.ge @!p0 [sflag:s18], $0x1000  }
0x32: {  	p3 =	por p4, p3;
	[sflag:s18] =	ssyncset.done @!p0 $0x0  }
0x33: {  	s20 =	simm.s32 @!p3 $0x1400;
	[sflag:s18] =	ssyncadd.s32 @!p0 $0xFFFFF000;
	s18 =	sadd.s32 @!p3 $0x0, s10  }
0x34: {  	s21 =	simm.s32 @!p3 $0x0;
	s22 =	simm.s32 @p2 $0x3;
	s18 =	sadd.s32 @!p3 $0x600, s18  }
0x35: {  	[tilespmem:s20], [sflag:$0x1] =	stream.linear.gather @!p3 [hbm4b:s18+s21], $0x1000, $0x38;
	[tilespmem:$0x9220] =	vst v63  }
0x36: {  	s17 =	sadd.s32 $0x4, s17;
	_ =	swait.ge @p2 [sflag:s22], $0x1000  }
0x37: {  	s23 =	simm.s32 @p1 $0x5;
	p0 =	por $0x0, $0x0;
	[sflag:s22] =	ssyncset.done @p2 $0x0  }
0x38: {  	s18 =	simm.s32 @p2 $0x100;
	s20 =	simm.s32 @p2 $0x80;
	[sflag:s22] =	ssyncadd.s32 @p2 $0xFFFFF000  }
0x39: {  	[spmem:s2] =	stream.indirect.scatter.add.f32 @p2 [tilespmem:s19], [sflag:$0x6], $0x20, s18, s20, $0xb8;
	[tilespmem:$0x9220] =	vst v63  }
0x3a: {  	p2 =	sgt.u32 @!p0 s17, $0x4E1;
	s19 =	simm.s32 $0x3;
	s20 =	simm.s32 $0x6  }
0x3b: {  	s18 =	simm.s32 $0x1;
	s17 =	simm.s32 $0x600;
	p2 =	por p2, p0  }
0x3c: {  	_ =	swait.ge @p1 [sflag:s23], $0x1000;
	s21 =	sadd.s32 @!p2 $0x0, s10;
	s24 =	simm.s32 @!p2 $0x0  }
0x3d: {  	s22 =	rddreg [dreg:$0x3];
	[sflag:s23] =	ssyncset.done @p1 $0x0;
	s25 =	sadd.s32 @!p2 $0x800, s21  }
.LBB2_2:
0x3e: {  	[sflag:s23] =	ssyncadd.s32 @p1 $0xFFFFF000;
	s23 =	simm.s32 @!p2 $0x2400  }
0x3f: {  	s26 =	smov.u32 s20;
	s20 =	sadd.s32 $0x3, s20;
	s22 =	sadd.s32 s19, s22  }
0x40: {  	[tilespmem:s23], [sflag:$0x2] =	stream.linear.gather @!p2 [hbm4b:s25+s24], $0x1000, $0x38;
	[tilespmem:$0x9220] =	vst v63  }
0x41: {  	p0 =	sne.s32 s20, $0x2A;
	s31 =	sadd.s32 $0x1, s22  }
0x42: {  	p5 =	seq.s32 s19, $0x27;
	s23 =	simm.s32 @!p0 $0x0;
	p2 =	slt.u32 s31, $0x4E2  }
0x43: {  	p4 =	sgt.u32 s18, $0xB;
	s23 =	simm.s32 @p0 $0x1;
	s24 =	simm.s32 @!p2 $0x0  }
0x44: {  	p3 =	sgt.u32 s22, $0x4E1;
	[smem:$0x7FD] =	sst s23;
	s24 =	simm.s32 @p2 $0x1  }
0x45: {  	s29 =	sadd.s32 $0xFFFFFFFF, s19;
	s28 =	simm.s32 @!p3 $0x1;
	[smem:$0x7FA] =	sst s24  }
0x46: {  	p1 =	sne.s32 s19, $0x27;
	s30 =	sadd.s32 $0x2, s22;
	_ =	swait.ge @!p3 [sflag:s28], $0x1000  }
0x47: {  	s25 =	sshra.s32 @!p3 s17, $0x2;
	p2 =	sgt.u32 s29, $0x27;
	[sflag:s28] =	ssyncset.done @!p3 $0x0  }
0x48: {  	s23 =	simm.s32 @!p3 $0x80;
	s24 =	rddreg [dreg:$0x4];
	[sflag:s28] =	ssyncadd.s32 @!p3 $0xFFFFF000  }
0x49: {  	s28 =	simm.s32 @!p3 $0x1400;
	p0 =	sgt.u32 @!p2 s19, s24;
	s19 =	sadd.s32 $0x3, s22  }
0x4a: {  	[spmem:s2] =	stream.indirect.scatter.add.f32 @!p3 [tilespmem:s28], [sflag:$0x4], $0x20, s25, s23, $0xb8;
	[tilespmem:$0x9220] =	vst v63  }
0x4b: {  	p0 =	por p0, p2;
	p2 =	por p5, p5;
	p5 =	sgt.u32 @!p5 s19, $0x4E1  }
0x4c: {  	p6 =	slt.u32 s30, $0x4E2;
	s22 =	sadd.s32 $0x4, s22;
	s19 =	simm.s32 @!p5 $0x0  }
0x4d: {  	s29 =	sld [smem:$0x7FA];
	s19 =	simm.s32 @p5 $0x1;
	p5 =	sgt.u32 @!p4 s22, $0x4E1  }
0x4e: {  	p6 =	por !p1, !p6;
	[smem:$0x7FB] =	sst s19;
	s19 =	simm.s32 @!p5 $0x0  }
0x4f: {  	p6 =	por !p6, !p6;
	s19 =	simm.s32 @p5 $0x1  }
0x50: {  	s24 =	simm.s32 @p6 $0x0;
	s22 =	simm.s32 @!p0 $0x6;
	[smem:$0x7FC] =	sst s19  }
0x51: {  	s23 =	sadd.s32 @p6 s17, s10;
	p5 =	seq.s32 s29, $0x1;
	_ =	swait.ge @!p0 [sflag:s22], $0x1000  }
0x52: {  	s25 =	simm.s32 @p6 $0x3400;
	p1 =	por !p1, !p5;
	[sflag:s22] =	ssyncset.done @!p0 $0x0  }
0x53: {  	p1 =	por !p1, !p1;
	[sflag:s22] =	ssyncadd.s32 @!p0 $0xFFFFF000;
	s22 =	sadd.s32 @p6 $0x400, s23  }
0x54: {  	[tilespmem:s25], [sflag:$0x3] =	stream.linear.gather @p6 [hbm4b:s22+s24], $0x1000, $0x38;
	[tilespmem:$0x9220] =	vst v63  }
0x55: {  	s19 =	smov.u32 s26;
	s22 =	simm.s32 @p1 $0x2  }
0x56: {  	s26 =	simm.s32 @p1 $0x80;
	s28 =	simm.s32 @p1 $0x2400;
	_ =	swait.ge @p1 [sflag:s22], $0x1000  }
0x57: {  	s23 =	sshra.s32 @p1 s17, $0x2;
	[sflag:s22] =	ssyncset.done @p1 $0x0;
	s29 =	sld [smem:$0x7FB]  }
0x58: {  	s23 =	sadd.s32 @p1 $0x80, s23;
	[sflag:s22] =	ssyncadd.s32 @p1 $0xFFFFF000;
	s22 =	simm.s32 @!p3 $0x4  }
0x59: {  	[spmem:s2] =	stream.indirect.scatter.add.f32 @p1 [tilespmem:s28], [sflag:$0x5], $0x20, s23, s26, $0xb8;
	[tilespmem:$0x9220] =	vst v63  }
0x5a: {  	p5 =	seq.s32 s29, $0x1;
	_ =	swait.ge @!p3 [sflag:s22], $0x1000  }
0x5b: {  	p0 =	por p5, p2;
	[sflag:s22] =	ssyncset.done @!p3 $0x0  }
0x5c: {  	s23 =	sadd.s32 @!p0 s17, s10;
	s26 =	simm.s32 @!p0 $0x1400;
	s28 =	simm.s32 @!p0 $0x0  }
0x5d: {  	[sflag:s22] =	ssyncadd.s32 @!p3 $0xFFFFF000;
	s22 =	simm.s32 @p6 $0x3;
	s23 =	sadd.s32 @!p0 $0x600, s23  }
0x5e: {  	[tilespmem:s26], [sflag:$0x1] =	stream.linear.gather @!p0 [hbm4b:s23+s28], $0x1000, $0x38;
	[tilespmem:$0x9220] =	vst v63  }
0x5f: {  	s24 =	sshra.s32 @p6 s17, $0x2;
	_ =	swait.ge @p6 [sflag:s22], $0x1000  }
0x60: {  	s24 =	sadd.s32 @p6 $0x100, s24;
	[sflag:s22] =	ssyncset.done @p6 $0x0  }
0x61: {  	s26 =	simm.s32 @p6 $0x80;
	s23 =	simm.s32 @p1 $0x5;
	[sflag:s22] =	ssyncadd.s32 @p6 $0xFFFFF000  }
0x62: {  	[spmem:s2] =	stream.indirect.scatter.add.f32 @p6 [tilespmem:s25], [sflag:$0x6], $0x20, s24, s26, $0xb8;
	[tilespmem:$0x9220] =	vst v63  }
0x63: {  	s30 =	sld [smem:$0x7FC];
	_ =	swait.ge @p1 [sflag:s23], $0x1000  }
0x64: {  	s31 =	sld [smem:$0x7FD];
	_ =	sdelay $0x2  }
0x65: {  	p0 =	seq.s32 s31, $0x1  }
.Ltmp0:
0x66: {  	_ = 	snop;
	(pc) =	sbr.rel @p0 .LBB2_2-.Ltmp0, $4  }
0x67: {  	p5 =	seq.s32 s30, $0x1  }
0x68: {  	s21 =	smov.u32 s17;
	s18 =	sadd.s32 $0x1, s18;
	p2 =	por p5, p4  }
0x69: {  	s17 =	sadd.s32 $0x600, s17;
	s22 =	rddreg [dreg:$0x3];
	s21 =	sadd.s32 @!p2 s21, s10  }
0x6a: {  	[sflag:s23] =	ssyncset.done @p1 $0x0;
	s24 =	simm.s32 @!p2 $0x0;
	s25 =	sadd.s32 @!p2 $0x800, s21  }
0x6b: {  	[sflag:s23] =	ssyncadd.s32 @p1 $0xFFFFF000;
	s20 =	simm.s32 @!p2 $0x2400;
	s28 =	sadd.s32 s19, s22  }
0x6c: {  	[tilespmem:s20], [sflag:$0x2] =	stream.linear.gather @!p2 [hbm4b:s25+s24], $0x1000, $0x38;
	[tilespmem:$0x9220] =	vst v63  }
0x6d: {  	s29 =	sadd.s32 $0xFFFFFFFF, s19;
	p5 =	sne.s32 s19, $0x27;
	p0 =	sgt.u32 s28, $0x4E1  }
0x6e: {  	p2 =	sgt.u32 s29, $0x27;
	s30 =	sadd.s32 $0x2, s28;
	s21 =	simm.s32 @!p0 $0x1  }
0x6f: {  	s31 =	sadd.s32 $0x1, s28;
	p4 =	slt.u32 s30, $0x4E2;
	_ =	swait.ge @!p0 [sflag:s21], $0x1000  }
0x70: {  	p6 =	slt.u32 s31, $0x4E2;
	s23 =	simm.s32 @!p0 $0x1400;
	s22 =	rddreg [dreg:$0x4]  }
0x71: {  	[sflag:s21] =	ssyncset.done @!p0 $0x0;
	p3 =	sgt.u32 @!p2 s19, s22;
	s22 =	simm.s32 @!p0 $0x80  }
0x72: {  	[sflag:s21] =	ssyncadd.s32 @!p0 $0xFFFFF000;
	s21 =	sshra.s32 @!p0 s17, $0x2;
	p3 =	por p3, p2  }
0x73: {  	[spmem:s2] =	stream.indirect.scatter.add.f32 @!p0 [tilespmem:s23], [sflag:$0x4], $0x20, s21, s22, $0xb8;
	[tilespmem:$0x9220] =	vst v63  }
0x74: {  	p4 =	por !p5, !p4;
	p1 =	por !p5, !p6;
	s21 =	simm.s32 @!p3 $0x6  }
0x75: {  	p1 =	por !p1, !p1;
	p2 =	por !p4, !p4;
	_ =	swait.ge @!p3 [sflag:s21], $0x1000  }
0x76: {  	s22 =	sadd.s32 @p2 s17, s10;
	s23 =	simm.s32 @p2 $0x0;
	[sflag:s21] =	ssyncset.done @!p3 $0x0  }
0x77: {  	[sflag:s21] =	ssyncadd.s32 @!p3 $0xFFFFF000;
	s21 =	sadd.s32 @p2 $0x400, s22;
	s22 =	simm.s32 @p2 $0x3400  }
0x78: {  	[tilespmem:s22], [sflag:$0x3] =	stream.linear.gather @p2 [hbm4b:s21+s23], $0x1000, $0x38;
	[tilespmem:$0x9220] =	vst v63  }
0x79: {  	s24 =	simm.s32 @p1 $0x80;
	s21 =	simm.s32 @p1 $0x2  }
0x7a: {  	p3 =	seq.s32 s19, $0x27;
	s19 =	sadd.s32 $0x3, s28;
	_ =	swait.ge @p1 [sflag:s21], $0x1000  }
0x7b: {  	s23 =	sshra.s32 @p1 s17, $0x2;
	p4 =	sgt.u32 @!p3 s19, $0x4E1;
	[sflag:s21] =	ssyncset.done @p1 $0x0  }
0x7c: {  	s23 =	sadd.s32 @p1 $0x80, s23;
	[sflag:s21] =	ssyncadd.s32 @p1 $0xFFFFF000;
	s21 =	simm.s32 @p1 $0x2400  }
0x7d: {  	[spmem:s2] =	stream.indirect.scatter.add.f32 @p1 [tilespmem:s21], [sflag:$0x5], $0x20, s23, s24, $0xb8;
	[tilespmem:$0x9220] =	vst v63  }
0x7e: {  	p3 =	por p4, p3;
	s21 =	simm.s32 @!p0 $0x4  }
0x7f: {  	s19 =	sadd.s32 @!p3 s17, s10;
	_ =	swait.ge @!p0 [sflag:s21], $0x1000  }
0x80: {  	s19 =	sadd.s32 @!p3 $0x600, s19;
	[sflag:s21] =	ssyncset.done @!p0 $0x0  }
0x81: {  	s23 =	simm.s32 @!p3 $0x0;
	[sflag:s21] =	ssyncadd.s32 @!p0 $0xFFFFF000;
	s21 =	simm.s32 @!p3 $0x1400  }
0x82: {  	[tilespmem:s21], [sflag:$0x1] =	stream.linear.gather @!p3 [hbm4b:s19+s23], $0x1000, $0x38;
	[tilespmem:$0x9220] =	vst v63  }
0x83: {  	s19 =	simm.s32 @p2 $0x3  }
0x84: {  	s20 =	sadd.s32 $0x4, s28;
	_ =	swait.ge @p2 [sflag:s19], $0x1000  }
0x85: {  	p0 =	sgt.u32 s18, $0xB;
	s18 =	sshra.s32 @p2 s17, $0x2;
	[sflag:s19] =	ssyncset.done @p2 $0x0  }
0x86: {  	s18 =	sadd.s32 @p2 $0x100, s18;
	s21 =	simm.s32 @p2 $0x80;
	[sflag:s19] =	ssyncadd.s32 @p2 $0xFFFFF000  }
0x87: {  	[spmem:s2] =	stream.indirect.scatter.add.f32 @p2 [tilespmem:s22], [sflag:$0x6], $0x20, s18, s21, $0xb8;
	[tilespmem:$0x9220] =	vst v63  }
0x88: {  	s19 =	simm.s32 @p1 $0x5;
	p2 =	sgt.u32 @!p0 s20, $0x4E1  }
0x89: {  	s16 =	sadd.s32 $0x1, s16;
	_ =	swait.ge @p1 [sflag:s19], $0x1000;
	p0 =	por p2, p0  }
0x8a: {  	[sflag:s19] =	ssyncset.done @p1 $0x0;
	s17 =	sadd.s32 @!p0 s17, s10;
	s18 =	simm.s32 @!p0 $0x0  }
0x8b: {  	[sflag:s19] =	ssyncadd.s32 @p1 $0xFFFFF000;
	s17 =	sadd.s32 @!p0 $0x800, s17;
	s19 =	simm.s32 @!p0 $0x2400  }
0x8c: {  	[tilespmem:s19], [sflag:$0x2] =	stream.linear.gather @!p0 [hbm4b:s17+s18], $0x1000, $0x38;
	[tilespmem:$0x9220] =	vst v63  }
0x8d: {  	p0 =	sne.s32 s16, s9  }
.Ltmp1:
0x8e: {  	[bflag:$0x0] =	sbarrier.arrive $0xFFFF;
	(pc) =	sbr.rel @p0 .LBB2_1-.Ltmp1, $4  }
0x8f: {  	[hbm:s8], [sflag:s12] =	dma.local [spmem:s13], $0x9C4  }
0x90: {  	_ =	swait.ge [sflag:s11], $0x9C4  }
0x91: {  	[sflag:s11] =	ssyncset.done $0x0  }
0x92: {  	[sflag:s11] =	ssyncadd.s32 $0xFFFFF63C  }
0x93: {  	_ =	sfence.sel $0x180000  }
0x94: {  	[bflag:$0x0] =	sbarrier.arrive $0xFFFF  }
0x95: {  	p0 =	sne.s32 s0, $0x0;
	_ =	strace $0x9000004A  }
0x96: {  	s0 =	sadd.s32 @!p0 $0x100000, s1;
	[bflag:$0x2] =	sbarrier.arrive $0xFFFF  }
0x97: {  	[sflag:s0] =	ssyncadd.tile.s32 @!p0 $0x1;
	_ =	shalt  }
.Lfunc_end2:
_tile_overlayer_lowered:
.L_overlay_start_2:
0x98: {  	(tag) =	ssettag $0x2  }
0x99: {  	s0 =	rddreg [dreg:$0x0];
	s2 =	stileid.u32  }
0x9a: {  	s1 =	rddreg [dreg:$0x1];
	p0 =	sne.s32 s2, $0x0  }
0x9b: {  	s3 =	rddreg [dreg:$0x2];
	[bflag:$0x3] =	sbarrier.arrive $0xFFFF;
	s2 =	simm.s32 @!p0 $0x1C07  }
0x9c: {  	[timem:s3], [sflag:s2] =	dma.local @!p0 [hbm:s0], s1  }
0x9d: {  	s0 =	simm.s32 @!p0 $0x7  }
0x9e: {  	_ =	swait.ge @!p0 [sflag:s0], s1  }
0x9f: {  	s1 =	ssub.s32 @!p0 $0x0, s1;
	[sflag:s0] =	ssyncset.done @!p0 $0x0  }
0xa0: {  	[sflag:s0] =	ssyncadd.s32 @!p0 s1  }
0xa1: {  	[bflag:$0x3] =	sbarrier.arrive $0xFFFF  }
0xa2: {  	_ =	shalt  }

// kernel: kernel.19.cloned.1.call-start
scs
__scs_entry_jumppad:
0x0: {  	(pc) =	sbr.rel $0x88, $3  }
0x1: {  	(tag) =	ssettag $0x0;
	lr =	simm.s32 $0x1  }
0x2: {  	[smem:$0x3F8F] =	sst lr;
	_ =	strace $0xD0000000  }
0x3: {  	_ = 	snop  }
0x4: {  	_ = 	snop  }
0x5: {  	_ = 	snop  }
0x6: {  	_ = 	snop  }
0x7: {  	_ = 	snop  }
__scs_overlays_trampoline_lowered:
0x8: {  	[smem:$0x3F9E] =	sst s0  }
0x9: {  	[smem:$0x3F9F] =	sst s1  }
0xa: {  	[smem:$0x3FA0] =	sst s2  }
0xb: {  	[smem:$0x3FA1] =	sst s3  }
0xc: {  	[smem:$0x3FA2] =	sst s4  }
0xd: {  	[smem:$0x3FA3] =	sst s5  }
0xe: {  	[smem:$0x3FA4] =	sst s6  }
0xf: {  	[smem:$0x3FA5] =	sst s7  }
0x10: {  	[smem:$0x3FA6] =	sst s8  }
0x11: {  	[smem:$0x3FA7] =	sst s9;
	s0 =	simm.s32 @!p0 $0x0  }
0x12: {  	s1 =	sld [smem:$0x3F8D];
	s0 =	simm.s32 @p0 $0x1  }
0x13: {  	[smem:$0x3FA8] =	sst s0;
	s0 =	simm.s32 @!p1 $0x0  }
0x14: {  	s2 =	sld [smem:$0x3F8C];
	s0 =	simm.s32 @p1 $0x1  }
0x15: {  	[smem:$0x3FA9] =	sst s0;
	s0 =	simm.s32 @!p2 $0x0  }
0x16: {  	s3 =	sld [smem:$0x3FDB];
	s0 =	simm.s32 @p2 $0x1  }
0x17: {  	s4 =	simm.s32 $0x1BF5;
	[smem:$0x3FAB] =	sst s0  }
0x18: {  	s0 =	sld [smem:$0x3F8E];
	_ =	swait.ge [sflag:s4], $0x0  }
0x19: {  	s7 =	sld [smem:$0x3F8F]  }
0x1a: {  	s8 =	sadd.s32 $0xFFFFE003, lr  }
0x1b: {  	s9 =	sadd.s32 $0xFFFFFEF7, lr;
	s5 =	simm.s32 $0xFFFFFFFF;
	p2 =	slt.u32 s8, $0xFFFFF086  }
0x1c: {  	p1 =	slt.u32 s9, $0xF7A;
	s5 =	simm.s32 @!p2 $0x0  }
0x1d: {  	s5 =	simm.s32 @p1 $0x1;
	p0 =	seq.s32 s7, s2  }
0x1e: {  	s7 =	smul.u32 @!p0 $0xF7A, s2;
	p2 =	seq.s32 @!p0 s5, $0x0  }
0x1f: {  	s9 =	smul.u32 $0xF7A, s1;
	s8 =	simm.s32 @!p0 $0x1BF5;
	p2 =	por !p2, p0  }
0x20: {  	[sflag:s8] =	ssyncset.s32 @!p0 $0xFFFFF086;
	s6 =	sadd.s32 @!p0 s3, s7;
	s7 =	simm.s32 @!p0 $0x108  }
0x21: {  	s3 =	sadd.s32 s3, s9;
	s6 =	sadd.s32 @!p0 $0x88, s6;
	s7 =	simm.s32 @p2 $0x1082  }
0x22: {  	[simem:s7], [sflag:s8] =	dma.local @!p0 [hbm:s6], $0xF7A  }
0x23: {  	s9 =	sor.u32 $0xD0000000, s2;
	s6 =	simm.s32 $0x108;
	_ =	swait.ge @!p0 [sflag:s8], $0x0  }
0x24: {  	s3 =	sadd.s32 $0x88, s3;
	s6 =	simm.s32 @!p1 $0x1082;
	[sflag:s4] =	ssyncset.s32 $0xFFFFF086  }
0x25: {  	[simem:s6], [sflag:s4] =	dma.local [hbm:s3], $0xF7A  }
0x26: {  	[smem:$0x3F8F] =	sst s1;
	(tag) =	ssettag s2;
	_ =	strace s9  }
0x27: {  	s1 =	sld [smem:$0x3F9F]  }
0x28: {  	s2 =	sld [smem:$0x3FA0]  }
0x29: {  	s4 =	sld [smem:$0x3FA2]  }
0x2a: {  	p0 =	seq.s32 s5, $0x0;
	s5 =	sld [smem:$0x3FA3]  }
0x2b: {  	s6 =	sld [smem:$0x3FA4]  }
0x2c: {  	s7 =	sld [smem:$0x3FA5]  }
0x2d: {  	s3 =	simm.s32 $0x108;
	s8 =	sld [smem:$0x3FA6]  }
0x2e: {  	s3 =	simm.s32 @!p0 $0x1082;
	s9 =	sld [smem:$0x3FA7]  }
0x2f: {  	lr =	sadd.s32 s0, s3;
	s0 =	sld [smem:$0x3F9E]  }
0x30: {  	s3 =	sld [smem:$0x3FA1]  }
0x31: {  	[smem:$0x3FAA] =	sst s10  }
0x32: {  	s10 =	sld [smem:$0x3FA8];
	_ =	sdelay $0x3  }
0x33: {  	p0 =	seq.s32 s10, $0x1;
	s10 =	sld [smem:$0x3FAA];
	_ =	sdelay $0x3  }
0x34: {  	[smem:$0x3FAA] =	sst s10  }
0x35: {  	s10 =	sld [smem:$0x3FA9];
	_ =	sdelay $0x3  }
0x36: {  	p1 =	seq.s32 s10, $0x1;
	s10 =	sld [smem:$0x3FAA];
	_ =	sdelay $0x3  }
0x37: {  	[smem:$0x3FAA] =	sst s10  }
0x38: {  	s10 =	sld [smem:$0x3FAB]  }
0x39: {  	_ = 	snop;
	(pc) =	sbr.ind lr, $3  }
0x3a: {  	_ = 	snop  }
0x3b: {  	_ = 	snop  }
0x3c: {  	p2 =	seq.s32 s10, $0x1;
	s10 =	sld [smem:$0x3FAA]  }
0x3d: {  	_ =	shalt  }
0x3e: {  	_ =	shalt  }
0x3f: {  	_ =	shalt  }
0x40: {  	_ =	shalt  }
0x41: {  	_ =	shalt  }
0x42: {  	_ =	shalt  }
0x43: {  	_ =	shalt  }
0x44: {  	_ =	shalt  }
0x45: {  	_ =	shalt  }
0x46: {  	_ =	shalt  }
0x47: {  	_ =	shalt  }
0x48: {  	_ =	shalt  }
0x49: {  	_ =	shalt  }
0x4a: {  	_ =	shalt  }
0x4b: {  	_ =	shalt  }
0x4c: {  	_ =	shalt  }
0x4d: {  	_ =	shalt  }
0x4e: {  	_ =	shalt  }
0x4f: {  	_ =	shalt  }
0x50: {  	_ =	shalt  }
0x51: {  	_ =	shalt  }
0x52: {  	_ =	shalt  }
0x53: {  	_ =	shalt  }
0x54: {  	_ =	shalt  }
0x55: {  	_ =	shalt  }
0x56: {  	_ =	shalt  }
0x57: {  	_ =	shalt  }
0x58: {  	_ =	shalt  }
0x59: {  	_ =	shalt  }
0x5a: {  	_ =	shalt  }
0x5b: {  	_ =	shalt  }
0x5c: {  	_ =	shalt  }
0x5d: {  	_ =	shalt  }
0x5e: {  	_ =	shalt  }
0x5f: {  	_ =	shalt  }
0x60: {  	_ =	shalt  }
0x61: {  	_ =	shalt  }
0x62: {  	_ =	shalt  }
0x63: {  	_ =	shalt  }
0x64: {  	_ =	shalt  }
0x65: {  	_ =	shalt  }
0x66: {  	_ =	shalt  }
0x67: {  	_ =	shalt  }
0x68: {  	_ =	shalt  }
0x69: {  	_ =	shalt  }
0x6a: {  	_ =	shalt  }
0x6b: {  	_ =	shalt  }
0x6c: {  	_ =	shalt  }
0x6d: {  	_ =	shalt  }
0x6e: {  	_ =	shalt  }
0x6f: {  	_ =	shalt  }
0x70: {  	_ =	shalt  }
0x71: {  	_ =	shalt  }
0x72: {  	_ =	shalt  }
0x73: {  	_ =	shalt  }
0x74: {  	_ =	shalt  }
0x75: {  	_ =	shalt  }
0x76: {  	_ =	shalt  }
0x77: {  	_ =	shalt  }
0x78: {  	_ =	shalt  }
0x79: {  	_ =	shalt  }
0x7a: {  	_ =	shalt  }
0x7b: {  	_ =	shalt  }
0x7c: {  	_ =	shalt  }
0x7d: {  	_ =	shalt  }
0x7e: {  	_ =	shalt  }
0x7f: {  	_ =	shalt  }
0x80: {  	_ =	shalt  }
0x81: {  	_ =	shalt  }
0x82: {  	_ =	shalt  }
0x83: {  	_ =	shalt  }
0x84: {  	_ =	shalt  }
0x85: {  	_ =	shalt  }
0x86: {  	_ =	shalt  }
0x87: {  	_ =	shalt  }
.Lfunc_end0:
.L_simem_size_0:
called_computation.2_lowered:
.L_overlay_start_0:
0x88: {  	s2 =	sld [smem:$0x3FD9]  }
0x89: {  	s3 =	sld [smem:$0x3FFE];
	_ =	sdelay $0x1  }
0x8a: {  	s1 =	srdreg.scid  }
0x8b: {  	s0 =	sand.u32 $0x1, s1  }
0x8c: {  	s16 =	sshll.u32 s0, $0xA;
	s2 =	sadd.s32 s3, s2  }
0x8d: {  	s2 =	sadd.s32 s2, s16  }
0x8e: {  	[smem:$0x3FB6] =	sst s2  }
0x8f: {  	_ = 	snop  }
0x90: {  	(tm) =	ssettm $0x1  }
0x91: {  	s17 =	sld [smem:$0x3FFB];
	_ =	sdelay $0x3  }
0x92: {  	_ =	strace s17  }
0x93: {  	s2 =	sld [smem:$0x3FFC];
	_ =	sdelay $0x3  }
0x94: {  	_ =	strace s2  }
0x95: {  	s2 =	sld [smem:$0x3FFD];
	_ =	sdelay $0x3  }
0x96: {  	_ =	strace s2  }
0x97: {  	_ =	strace $0x8FFFFFFF  }
0x98: {  	s18 =	sld [smem:$0x3FDB];
	_ =	sdelay $0x1  }
0x99: {  	s19 =	simm.s32 $_scs_section_size  }
0x9a: {  	s4 =	simm.s32 $_size__tile_overlayer_lowered;
	s5 =	simm.s32 $_tile_overlayer_lowered  }
0x9b: {  	s22 =	simm.s32 $0x1BFF;
	s21 =	sshll.u32 s5, $0x1;
	s2 =	sadd.s32 s19, s18  }
0x9c: {  	s6 =	simm.s32 $0x0;
	s20 =	sshll.u32 s4, $0x1;
	s4 =	sadd.s32 s21, s2  }
0x9d: {  	[timem:s6], [sflag:s22] =	dma.local [hbm:s4], s20  }
0x9e: {  	_ =	swait.ge [sflag:s22], s20  }
0x9f: {  	s3 =	ssub.s32 $0x0, s20;
	[sflag:s22] =	ssyncset.done $0x0  }
0xa0: {  	[sflag:s22] =	ssyncadd.s32 s3;
	_ =	sdelay $0x1  }
0xa1: {  	s23 =	simm.s32 $0x1B8B  }
0xa2: {  	_ =	swait.ge [sflag:s23], $0x1  }
0xa3: {  	[sflag:s23] =	ssyncset.done $0x0  }
0xa4: {  	s25 =	simm.s32 $0x1B8E;
	s24 =	sld [smem:$0x3FFE];
	[sflag:s23] =	ssyncadd.s32 $0xFFFFFFFF  }
0xa5: {  	s26 =	simm.s32 $execute0_lowered;
	[smem:$0x3FD2] =	sst s25  }
0xa6: {  	s4 =	sshll.u32 s26, $0x1;
	_ =	strace $0x8000004C;
	[dreg:$0x1] =	wrdreg $0xFFFFFFFF  }
0xa7: {  	s28 =	simm.s32 $_size_execute0_lowered;
	s2 =	sadd.s32 s2, s4;
	[dreg:$0x0] =	wrdreg $0x0  }
0xa8: {  	s4 =	sshll.u32 s28, $0x1;
	[dreg:$0x2] =	wrdreg s2  }
0xa9: {  	[dreg:$0x3] =	wrdreg s4  }
0xaa: {  	[dreg:$0x4] =	wrdreg $0xC0  }
0xab: {  	_ =	task [dreg:s6], $0x5FFFF  }
0xac: {  	[dreg:$0x1] =	wrdreg $0xFFFFFFFF  }
0xad: {  	[dreg:$0x0] =	wrdreg $0x60  }
0xae: {  	[dreg:$0x2] =	wrdreg s24  }
0xaf: {  	[dreg:$0x3] =	wrdreg $0x9  }
0xb0: {  	_ =	task.clear_ibuf [dreg:s6], $0x4FFFF;
	_ =	strace $0x9000004C  }
0xb1: {  	s29 =	simm.s32 $0x9;
	_ =	strace $0x8000004E  }
0xb2: {  	_ =	swait.ge [sflag:s29], $0x1  }
0xb3: {  	[sflag:s29] =	ssyncadd.s32 $0xFFFFFFFF  }
0xb4: {  	_ =	strace $0x9000004E  }
0xb5: {  	_ =	sfence  }
0xb6: {  	s30 =	sld [smem:$0x0];
	_ =	sdelay $0x2  }
0xb7: {  	s31 =	sshll.u32 s1, $0xD;
	s1 =	sshrl.u32 s1, $0x2  }
0xb8: {  	s3 =	sand.u32 $0x4000, s31;
	s1 =	sadd.s32 s1, s30  }
0xb9: {  	s0 =	sor.u32 s3, s0;
	s1 =	sshll.u32 s1, $0x11  }
0xba: {  	s0 =	sor.u32 s1, s0  }
0xbb: {  	s0 =	sadd.s32 $0x8F2B, s0  }
0xbc: {  	[sflag:s0] =	ssyncadd.remote.s32 $0x1  }
0xbd: {  	_ =	sfence.sel $0xFFFF  }
0xbe: {  	[dreg:$0x0] =	wrdreg $0xFFFFFFFF;
	(pc) =	sbr.abs _section_cstart, $3  }
0xbf: {  	[dreg:$0x1] =	wrdreg $0xFFFFFFFF  }
0xc0: {  	_ =	task.clear_ibuf [dreg:s6], $0x2FFFF;
	_ =	strace $0x9FFFFFFF  }
0xc1: {  	(tm) =	ssettm $0x7FFFFFFF  }
tec
execute0_lowered:
.L_overlay_start_1:
0x0: {  	(tag) =	ssettag $0x1  }
0x1: {  	s1 =	srdreg.scid;
	s0 =	stileid.u32  }
0x2: {  	s4 =	rddreg [dreg:$0x0];
	s2 =	simm.s32 $0x0;
	s8 =	smul.u32 $0xA000, s0  }
0x3: {  	s5 =	sand.u32 $0x1, s1;
	s1 =	rddreg [dreg:$0x1];
	s11 =	smul.u32 $0x50, s0  }
0x4: {  	s3 =	sshll.u32 s0, $0x1;
	[smem:$0x7FF] =	sst s2;
	s10 =	smul.u32 $0x5000, s5  }
0x5: {  	s6 =	sor.u32 s5, s3;
	_ =	strace $0x8000004D;
	s12 =	smul.u32 $0x28, s5  }
0x6: {  	s3 =	sadd.s32 $0x34E200, s4;
	s9 =	ssub.s32 $0x2, s5;
	s7 =	smul.u32 $0x280, s6  }
0x7: {  	s6 =	smul.u32 $0x28, s6;
	s8 =	sadd.s32 s8, s4;
	s29 =	sshrl.u32 s9, $0x1  }
0x8: {  	s9 =	ssub.s32 s9, s29;
	s30 =	sadd.s32 s10, s8;
	s31 =	sadd.s32 s12, s11  }
0x9: {  	s8 =	simm.s32 $0x80;
	s10 =	simm.s32 $0x2400;
	s11 =	simm.s32 $0x0  }
0xa: {  	s7 =	sadd.s32 s7, s4;
	s6 =	ssub.s32 $0x4E2, s6;
	s5 =	smax.u32 s9, $0x1  }
0xb: {  	[dreg:$0x2] =	wrdreg s31;
	s9 =	simm.s32 $0x1400;
	s4 =	sadd.s32 $0x35C00, s7  }
0xc: {  	[dreg:$0x3] =	wrdreg s6;
	s6 =	sadd.s32 $0x3AC00, s30;
	s7 =	simm.s32 $0x7  }
.LBB2_1:
0xd: {  	[tilespmem:s2], [sflag:$0x7] =	stream.linear.gather [hbm4b:s4+s2], $0x1400, $0x38;
	[tilespmem:$0x4400] =	vst v63  }
0xe: {  	_ =	swait.ge [sflag:s7], $0x1400  }
0xf: {  	[sflag:s7] =	ssyncset.done $0x0;
	s12 =	rddreg [dreg:$0x2]  }
0x10: {  	[sflag:s7] =	ssyncadd.s32 $0xFFFFEC00;
	s12 =	sadd.s32 $0x0, s12  }
0x11: {  	[tilespmem:s9], [sflag:$0x1] =	stream.indirect.gather [hbm4b:s3+s8], $0x20, s2, s8, $0xb8;
	[tilespmem:$0x4400] =	vst v63  }
0x12: {  	p0 =	por $0x1, $0x1;
	p1 =	sgt.u32 s12, $0x4E1  }
0x13: {  	p2 =	por $0x1, $0x1;
	s30 =	sadd.s32 $0x2, s12;
	s13 =	simm.s32 @!p1 $0x1  }
0x14: {  	[tilespmem:s10], [sflag:$0x2] =	stream.indirect.gather [hbm4b:s3+s8], $0x20, s8, s8, $0xb8;
	[tilespmem:$0x4400] =	vst v63  }
0x15: {  	s31 =	sadd.s32 $0x1, s12;
	s14 =	simm.s32 @!p1 $0x0;
	_ =	swait.ge @!p1 [sflag:s13], $0x1000  }
0x16: {  	s16 =	simm.s32 @!p1 $0x1400;
	[sflag:s13] =	ssyncset.done @!p1 $0x0;
	s15 =	rddreg [dreg:$0x3]  }
0x17: {  	[sflag:s13] =	ssyncadd.s32 @!p1 $0xFFFFF000;
	s13 =	sadd.s32 @!p1 $0x0, s6;
	p3 =	slt.u32 @!p0 s15, $0x0  }
0x18: {  	[hbm4b:s13+s14] =	stream.linear.scatter @!p1 [tilespmem:s16], [sflag:$0x4], $0x1000, $0x38;
	[tilespmem:$0x4400] =	vst v63  }
0x19: {  	p4 =	slt.u32 s30, $0x4E2;
	p6 =	slt.u32 s31, $0x4E2;
	p0 =	por p3, p0  }
0x1a: {  	p4 =	por !p2, !p4;
	p3 =	por !p2, !p6;
	s13 =	simm.s32 @!p0 $0x6  }
0x1b: {  	p2 =	por !p4, !p4;
	p5 =	por !p3, !p3;
	_ =	swait.ge @!p0 [sflag:s13], $0x1000  }
0x1c: {  	s14 =	simm.s32 @p2 $0x80;
	s15 =	simm.s32 @p2 $0x3400;
	[sflag:s13] =	ssyncset.done @!p0 $0x0  }
0x1d: {  	s16 =	sadd.s32 @p5 $0x0, s6;
	[sflag:s13] =	ssyncadd.s32 @!p0 $0xFFFFF000;
	s13 =	simm.s32 @p2 $0x100  }
0x1e: {  	[tilespmem:s15], [sflag:$0x3] =	stream.indirect.gather @p2 [hbm4b:s3+s14], $0x20, s13, s14, $0xb8;
	[tilespmem:$0x4400] =	vst v63  }
0x1f: {  	s17 =	simm.s32 @p5 $0x0;
	s18 =	simm.s32 @p5 $0x2400;
	s13 =	simm.s32 @p5 $0x2  }
0x20: {  	p0 =	por $0x0, $0x0;
	s14 =	sadd.s32 $0x3, s12;
	_ =	swait.ge @p5 [sflag:s13], $0x1000  }
0x21: {  	s16 =	sadd.s32 @p5 $0x200, s16;
	p3 =	sgt.u32 @!p0 s14, $0x4E1;
	[sflag:s13] =	ssyncset.done @p5 $0x0  }
0x22: {  	p0 =	por p3, p0;
	[sflag:s13] =	ssyncadd.s32 @p5 $0xFFFFF000;
	s13 =	simm.s32 @!p1 $0x4  }
0x23: {  	[hbm4b:s16+s17] =	stream.linear.scatter @p5 [tilespmem:s18], [sflag:$0x5], $0x1000, $0x38;
	[tilespmem:$0x4400] =	vst v63  }
0x24: {  	s12 =	sadd.s32 $0x4, s12;
	s14 =	simm.s32 @!p0 $0x180;
	_ =	swait.ge @!p1 [sflag:s13], $0x1000  }
0x25: {  	s16 =	simm.s32 @!p0 $0x80;
	s17 =	simm.s32 @p2 $0x3;
	[sflag:s13] =	ssyncset.done @!p1 $0x0  }
0x26: {  	s18 =	simm.s32 @p5 $0x5;
	[sflag:s13] =	ssyncadd.s32 @!p1 $0xFFFFF000;
	s13 =	simm.s32 @!p0 $0x1400  }
0x27: {  	[tilespmem:s13], [sflag:$0x1] =	stream.indirect.gather @!p0 [hbm4b:s3+s16], $0x20, s14, s16, $0xb8;
	[tilespmem:$0x4400] =	vst v63  }
0x28: {  	p0 =	por $0x0, $0x0;
	s13 =	sadd.s32 @p2 $0x0, s6;
	s14 =	simm.s32 @p2 $0x0  }
0x29: {  	_ =	swait.ge @p2 [sflag:s17], $0x1000;
	s13 =	sadd.s32 @p2 $0x400, s13;
	p1 =	sgt.u32 @!p0 s12, $0x4E1  }
0x2a: {  	s12 =	simm.s32 $0x600;
	[sflag:s17] =	ssyncset.done @p2 $0x0;
	p1 =	por p1, p0  }
0x2b: {  	[sflag:s17] =	ssyncadd.s32 @p2 $0xFFFFF000;
	s19 =	simm.s32 @!p1 $0x80;
	s20 =	simm.s32 @!p1 $0x200  }
0x2c: {  	[hbm4b:s13+s14] =	stream.linear.scatter @p2 [tilespmem:s15], [sflag:$0x6], $0x1000, $0x38;
	[tilespmem:$0x4400] =	vst v63  }
0x2d: {  	s14 =	simm.s32 $0x3;
	s15 =	simm.s32 $0x6;
	_ =	swait.ge @p5 [sflag:s18], $0x1000  }
0x2e: {  	s13 =	simm.s32 $0x1;
	s17 =	rddreg [dreg:$0x2];
	[sflag:s18] =	ssyncset.done @p5 $0x0  }
.LBB2_2:
0x2f: {  	[sflag:s18] =	ssyncadd.s32 @p5 $0xFFFFF000;
	s18 =	simm.s32 @!p1 $0x2400  }
0x30: {  	s21 =	smov.u32 s15;
	s15 =	sadd.s32 $0x3, s15;
	s17 =	sadd.s32 s14, s17  }
0x31: {  	[tilespmem:s18], [sflag:$0x2] =	stream.indirect.gather @!p1 [hbm4b:s3+s19], $0x20, s20, s19, $0xb8;
	[tilespmem:$0x4400] =	vst v63  }
0x32: {  	p4 =	seq.s32 s14, $0x27;
	p0 =	sne.s32 s15, $0x2A;
	s28 =	sadd.s32 $0x1, s17  }
0x33: {  	s25 =	sadd.s32 $0xFFFFFFFF, s14;
	s18 =	simm.s32 @!p0 $0x0;
	p2 =	slt.u32 s28, $0x4E2  }
0x34: {  	p5 =	sne.s32 s14, $0x27;
	s18 =	simm.s32 @p0 $0x1;
	s19 =	simm.s32 @!p2 $0x0  }
0x35: {  	p3 =	sgt.u32 s17, $0x4E1;
	[smem:$0x7FD] =	sst s18;
	s19 =	simm.s32 @p2 $0x1  }
0x36: {  	s26 =	sadd.s32 $0x2, s17;
	s22 =	simm.s32 @!p3 $0x1;
	[smem:$0x7FA] =	sst s19  }
0x37: {  	p1 =	sgt.u32 s13, $0xB;
	p6 =	slt.u32 s26, $0x4E2;
	_ =	swait.ge @!p3 [sflag:s22], $0x1000  }
0x38: {  	s20 =	sadd.s32 @!p3 s12, s6;
	p2 =	sgt.u32 s25, $0x27;
	[sflag:s22] =	ssyncset.done @!p3 $0x0  }
0x39: {  	s18 =	simm.s32 @!p3 $0x0;
	s19 =	rddreg [dreg:$0x3];
	[sflag:s22] =	ssyncadd.s32 @!p3 $0xFFFFF000  }
0x3a: {  	s22 =	simm.s32 @!p3 $0x1400;
	p0 =	sgt.u32 @!p2 s14, s19;
	s14 =	sadd.s32 $0x3, s17  }
0x3b: {  	[hbm4b:s20+s18] =	stream.linear.scatter @!p3 [tilespmem:s22], [sflag:$0x4], $0x1000, $0x38;
	[tilespmem:$0x4400] =	vst v63  }
0x3c: {  	p0 =	por p0, p2;
	p2 =	por p4, p4;
	p4 =	sgt.u32 @!p4 s14, $0x4E1  }
0x3d: {  	p6 =	por !p5, !p6;
	s17 =	sadd.s32 $0x4, s17;
	s14 =	simm.s32 @!p4 $0x0  }
0x3e: {  	s29 =	sld [smem:$0x7FA];
	s14 =	simm.s32 @p4 $0x1;
	p4 =	sgt.u32 @!p1 s17, $0x4E1  }
0x3f: {  	p6 =	por !p6, !p6;
	[smem:$0x7FB] =	sst s14;
	s14 =	simm.s32 @!p4 $0x0  }
0x40: {  	s19 =	simm.s32 @p6 $0x80;
	s14 =	simm.s32 @p4 $0x1  }
0x41: {  	s18 =	sshra.s32 @p6 s12, $0x2;
	s17 =	simm.s32 @!p0 $0x6;
	[smem:$0x7FC] =	sst s14  }
0x42: {  	p4 =	por p1, p1;
	p1 =	seq.s32 s29, $0x1;
	_ =	swait.ge @!p0 [sflag:s17], $0x1000  }
0x43: {  	s20 =	simm.s32 @p6 $0x3400;
	p1 =	por !p5, !p1;
	[sflag:s17] =	ssyncset.done @!p0 $0x0  }
0x44: {  	p5 =	por !p1, !p1;
	[sflag:s17] =	ssyncadd.s32 @!p0 $0xFFFFF000;
	s17 =	sadd.s32 @p6 $0x100, s18  }
0x45: {  	[tilespmem:s20], [sflag:$0x3] =	stream.indirect.gather @p6 [hbm4b:s3+s19], $0x20, s17, s19, $0xb8;
	[tilespmem:$0x4400] =	vst v63  }
0x46: {  	s14 =	smov.u32 s21;
	s17 =	simm.s32 @p5 $0x2  }
0x47: {  	s21 =	simm.s32 @p5 $0x0;
	s22 =	simm.s32 @p5 $0x2400;
	_ =	swait.ge @p5 [sflag:s17], $0x1000  }
0x48: {  	s18 =	sadd.s32 @p5 s12, s6;
	[sflag:s17] =	ssyncset.done @p5 $0x0;
	s23 =	sld [smem:$0x7FB]  }
0x49: {  	s18 =	sadd.s32 @p5 $0x200, s18;
	[sflag:s17] =	ssyncadd.s32 @p5 $0xFFFFF000;
	s17 =	simm.s32 @!p3 $0x4  }
0x4a: {  	[hbm4b:s18+s21] =	stream.linear.scatter @p5 [tilespmem:s22], [sflag:$0x5], $0x1000, $0x38;
	[tilespmem:$0x4400] =	vst v63  }
0x4b: {  	p1 =	seq.s32 s23, $0x1;
	_ =	swait.ge @!p3 [sflag:s17], $0x1000  }
0x4c: {  	p0 =	por p1, p2;
	[sflag:s17] =	ssyncset.done @!p3 $0x0  }
0x4d: {  	s18 =	sshra.s32 @!p0 s12, $0x2;
	s21 =	simm.s32 @!p0 $0x1400;
	s22 =	simm.s32 @!p0 $0x80  }
0x4e: {  	[sflag:s17] =	ssyncadd.s32 @!p3 $0xFFFFF000;
	s17 =	simm.s32 @p6 $0x3;
	s18 =	sadd.s32 @!p0 $0x180, s18  }
0x4f: {  	[tilespmem:s21], [sflag:$0x1] =	stream.indirect.gather @!p0 [hbm4b:s3+s22], $0x20, s18, s22, $0xb8;
	[tilespmem:$0x4400] =	vst v63  }
0x50: {  	s19 =	sadd.s32 @p6 s12, s6;
	_ =	swait.ge @p6 [sflag:s17], $0x1000  }
0x51: {  	s19 =	sadd.s32 @p6 $0x400, s19;
	[sflag:s17] =	ssyncset.done @p6 $0x0  }
0x52: {  	s21 =	simm.s32 @p6 $0x0;
	s18 =	simm.s32 @p5 $0x5;
	[sflag:s17] =	ssyncadd.s32 @p6 $0xFFFFF000  }
0x53: {  	[hbm4b:s19+s21] =	stream.linear.scatter @p6 [tilespmem:s20], [sflag:$0x6], $0x1000, $0x38;
	[tilespmem:$0x4400] =	vst v63  }
0x54: {  	s30 =	sld [smem:$0x7FC];
	_ =	swait.ge @p5 [sflag:s18], $0x1000  }
0x55: {  	s31 =	sld [smem:$0x7FD];
	_ =	sdelay $0x2  }
0x56: {  	p0 =	seq.s32 s31, $0x1  }
.Ltmp0:
0x57: {  	_ = 	snop;
	(pc) =	sbr.rel @p0 .LBB2_2-.Ltmp0, $4  }
0x58: {  	p3 =	seq.s32 s30, $0x1  }
0x59: {  	s16 =	smov.u32 s12;
	s13 =	sadd.s32 $0x1, s13;
	p1 =	por p3, p4  }
0x5a: {  	s12 =	sadd.s32 $0x600, s12;
	s17 =	rddreg [dreg:$0x2];
	s16 =	sshra.s32 @!p1 s16, $0x2  }
0x5b: {  	[sflag:s18] =	ssyncset.done @p5 $0x0;
	s19 =	simm.s32 @!p1 $0x80;
	s20 =	sadd.s32 @!p1 $0x200, s16  }
0x5c: {  	[sflag:s18] =	ssyncadd.s32 @p5 $0xFFFFF000;
	s15 =	simm.s32 @!p1 $0x2400;
	s28 =	sadd.s32 s14, s17  }
0x5d: {  	[tilespmem:s15], [sflag:$0x2] =	stream.indirect.gather @!p1 [hbm4b:s3+s19], $0x20, s20, s19, $0xb8;
	[tilespmem:$0x4400] =	vst v63  }
0x5e: {  	s29 =	sadd.s32 $0xFFFFFFFF, s14;
	p5 =	sne.s32 s14, $0x27;
	p0 =	sgt.u32 s28, $0x4E1  }
0x5f: {  	p2 =	sgt.u32 s29, $0x27;
	s30 =	sadd.s32 $0x2, s28;
	s16 =	simm.s32 @!p0 $0x1  }
0x60: {  	s31 =	sadd.s32 $0x1, s28;
	p4 =	slt.u32 s30, $0x4E2;
	_ =	swait.ge @!p0 [sflag:s16], $0x1000  }
0x61: {  	p6 =	slt.u32 s31, $0x4E2;
	s18 =	simm.s32 @!p0 $0x1400;
	s17 =	rddreg [dreg:$0x3]  }
0x62: {  	[sflag:s16] =	ssyncset.done @!p0 $0x0;
	p3 =	sgt.u32 @!p2 s14, s17;
	s17 =	simm.s32 @!p0 $0x0  }
0x63: {  	[sflag:s16] =	ssyncadd.s32 @!p0 $0xFFFFF000;
	s16 =	sadd.s32 @!p0 s12, s6;
	p3 =	por p3, p2  }
0x64: {  	[hbm4b:s16+s17] =	stream.linear.scatter @!p0 [tilespmem:s18], [sflag:$0x4], $0x1000, $0x38;
	[tilespmem:$0x4400] =	vst v63  }
0x65: {  	p4 =	por !p5, !p4;
	p1 =	por !p5, !p6;
	s16 =	simm.s32 @!p3 $0x6  }
0x66: {  	p1 =	por !p1, !p1;
	p2 =	por !p4, !p4;
	_ =	swait.ge @!p3 [sflag:s16], $0x1000  }
0x67: {  	s17 =	sshra.s32 @p2 s12, $0x2;
	s18 =	simm.s32 @p2 $0x80;
	[sflag:s16] =	ssyncset.done @!p3 $0x0  }
0x68: {  	[sflag:s16] =	ssyncadd.s32 @!p3 $0xFFFFF000;
	s16 =	sadd.s32 @p2 $0x100, s17;
	s17 =	simm.s32 @p2 $0x3400  }
0x69: {  	[tilespmem:s17], [sflag:$0x3] =	stream.indirect.gather @p2 [hbm4b:s3+s18], $0x20, s16, s18, $0xb8;
	[tilespmem:$0x4400] =	vst v63  }
0x6a: {  	s19 =	simm.s32 @p1 $0x0;
	s16 =	simm.s32 @p1 $0x2  }
0x6b: {  	p3 =	seq.s32 s14, $0x27;
	s14 =	sadd.s32 $0x3, s28;
	_ =	swait.ge @p1 [sflag:s16], $0x1000  }
0x6c: {  	s18 =	sadd.s32 @p1 s12, s6;
	p4 =	sgt.u32 @!p3 s14, $0x4E1;
	[sflag:s16] =	ssyncset.done @p1 $0x0  }
0x6d: {  	s18 =	sadd.s32 @p1 $0x200, s18;
	[sflag:s16] =	ssyncadd.s32 @p1 $0xFFFFF000;
	s16 =	simm.s32 @p1 $0x2400  }
0x6e: {  	[hbm4b:s18+s19] =	stream.linear.scatter @p1 [tilespmem:s16], [sflag:$0x5], $0x1000, $0x38;
	[tilespmem:$0x4400] =	vst v63  }
0x6f: {  	p3 =	por p4, p3;
	s16 =	simm.s32 @!p0 $0x4  }
0x70: {  	s14 =	sshra.s32 @!p3 s12, $0x2;
	_ =	swait.ge @!p0 [sflag:s16], $0x1000  }
0x71: {  	s14 =	sadd.s32 @!p3 $0x180, s14;
	[sflag:s16] =	ssyncset.done @!p0 $0x0  }
0x72: {  	s18 =	simm.s32 @!p3 $0x80;
	[sflag:s16] =	ssyncadd.s32 @!p0 $0xFFFFF000;
	s16 =	simm.s32 @!p3 $0x1400  }
0x73: {  	[tilespmem:s16], [sflag:$0x1] =	stream.indirect.gather @!p3 [hbm4b:s3+s18], $0x20, s14, s18, $0xb8;
	[tilespmem:$0x4400] =	vst v63  }
0x74: {  	s14 =	simm.s32 @p2 $0x3  }
0x75: {  	s15 =	sadd.s32 $0x4, s28;
	_ =	swait.ge @p2 [sflag:s14], $0x1000  }
0x76: {  	p0 =	sgt.u32 s13, $0xB;
	s13 =	sadd.s32 @p2 s12, s6;
	[sflag:s14] =	ssyncset.done @p2 $0x0  }
0x77: {  	s13 =	sadd.s32 @p2 $0x400, s13;
	s16 =	simm.s32 @p2 $0x0;
	[sflag:s14] =	ssyncadd.s32 @p2 $0xFFFFF000  }
0x78: {  	[hbm4b:s13+s16] =	stream.linear.scatter @p2 [tilespmem:s17], [sflag:$0x6], $0x1000, $0x38;
	[tilespmem:$0x4400] =	vst v63  }
0x79: {  	s14 =	simm.s32 @p1 $0x5;
	p2 =	sgt.u32 @!p0 s15, $0x4E1  }
0x7a: {  	s11 =	sadd.s32 $0x1, s11;
	_ =	swait.ge @p1 [sflag:s14], $0x1000;
	p0 =	por p2, p0  }
0x7b: {  	[sflag:s14] =	ssyncset.done @p1 $0x0;
	s12 =	sshra.s32 @!p0 s12, $0x2;
	s13 =	simm.s32 @!p0 $0x80  }
0x7c: {  	[sflag:s14] =	ssyncadd.s32 @p1 $0xFFFFF000;
	s12 =	sadd.s32 @!p0 $0x200, s12;
	s14 =	simm.s32 @!p0 $0x2400  }
0x7d: {  	[tilespmem:s14], [sflag:$0x2] =	stream.indirect.gather @!p0 [hbm4b:s3+s13], $0x20, s12, s13, $0xb8;
	[tilespmem:$0x4400] =	vst v63  }
0x7e: {  	p0 =	sne.s32 s11, s5  }
.Ltmp1:
0x7f: {  	_ = 	snop;
	(pc) =	sbr.rel @p0 .LBB2_1-.Ltmp1, $1  }
0x80: {  	_ =	sdelay $0x3  }
0x81: {  	_ =	sfence.sel $0x180000  }
0x82: {  	[bflag:$0x0] =	sbarrier.arrive $0xFFFF  }
0x83: {  	p0 =	sne.s32 s0, $0x0;
	_ =	strace $0x9000004D  }
0x84: {  	s0 =	sadd.s32 @!p0 $0x100000, s1;
	[bflag:$0x2] =	sbarrier.arrive $0xFFFF  }
0x85: {  	[sflag:s0] =	ssyncadd.tile.s32 @!p0 $0x1;
	_ =	shalt  }
.Lfunc_end2:
_tile_overlayer_lowered:
.L_overlay_start_2:
0x86: {  	(tag) =	ssettag $0x2  }
0x87: {  	s0 =	rddreg [dreg:$0x0];
	s2 =	stileid.u32  }
0x88: {  	s1 =	rddreg [dreg:$0x1];
	p0 =	sne.s32 s2, $0x0  }
0x89: {  	s3 =	rddreg [dreg:$0x2];
	[bflag:$0x3] =	sbarrier.arrive $0xFFFF;
	s2 =	simm.s32 @!p0 $0x1C07  }
0x8a: {  	[timem:s3], [sflag:s2] =	dma.local @!p0 [hbm:s0], s1  }
0x8b: {  	s0 =	simm.s32 @!p0 $0x7  }
0x8c: {  	_ =	swait.ge @!p0 [sflag:s0], s1  }
0x8d: {  	s1 =	ssub.s32 @!p0 $0x0, s1;
	[sflag:s0] =	ssyncset.done @!p0 $0x0  }
0x8e: {  	[sflag:s0] =	ssyncadd.s32 @!p0 s1  }
0x8f: {  	[bflag:$0x3] =	sbarrier.arrive $0xFFFF  }
0x90: {  	_ =	shalt  }

// kernel: kernel.22.cloned.1.call-start
scs
__scs_entry_jumppad:
0x0: {  	(pc) =	sbr.rel $0x88, $3  }
0x1: {  	(tag) =	ssettag $0x0;
	lr =	simm.s32 $0x1  }
0x2: {  	[smem:$0x3F8F] =	sst lr;
	_ =	strace $0xD0000000  }
0x3: {  	_ = 	snop  }
0x4: {  	_ = 	snop  }
0x5: {  	_ = 	snop  }
0x6: {  	_ = 	snop  }
0x7: {  	_ = 	snop  }
__scs_overlays_trampoline_lowered:
0x8: {  	[smem:$0x3F9E] =	sst s0  }
0x9: {  	[smem:$0x3F9F] =	sst s1  }
0xa: {  	[smem:$0x3FA0] =	sst s2  }
0xb: {  	[smem:$0x3FA1] =	sst s3  }
0xc: {  	[smem:$0x3FA2] =	sst s4  }
0xd: {  	[smem:$0x3FA3] =	sst s5  }
0xe: {  	[smem:$0x3FA4] =	sst s6  }
0xf: {  	[smem:$0x3FA5] =	sst s7  }
0x10: {  	[smem:$0x3FA6] =	sst s8  }
0x11: {  	[smem:$0x3FA7] =	sst s9;
	s0 =	simm.s32 @!p0 $0x0  }
0x12: {  	s1 =	sld [smem:$0x3F8D];
	s0 =	simm.s32 @p0 $0x1  }
0x13: {  	[smem:$0x3FA8] =	sst s0;
	s0 =	simm.s32 @!p1 $0x0  }
0x14: {  	s2 =	sld [smem:$0x3F8C];
	s0 =	simm.s32 @p1 $0x1  }
0x15: {  	[smem:$0x3FA9] =	sst s0;
	s0 =	simm.s32 @!p2 $0x0  }
0x16: {  	s3 =	sld [smem:$0x3FDB];
	s0 =	simm.s32 @p2 $0x1  }
0x17: {  	s4 =	simm.s32 $0x1BF5;
	[smem:$0x3FAB] =	sst s0  }
0x18: {  	s0 =	sld [smem:$0x3F8E];
	_ =	swait.ge [sflag:s4], $0x0  }
0x19: {  	s7 =	sld [smem:$0x3F8F]  }
0x1a: {  	s8 =	sadd.s32 $0xFFFFE003, lr  }
0x1b: {  	s9 =	sadd.s32 $0xFFFFFEF7, lr;
	s5 =	simm.s32 $0xFFFFFFFF;
	p2 =	slt.u32 s8, $0xFFFFF086  }
0x1c: {  	p1 =	slt.u32 s9, $0xF7A;
	s5 =	simm.s32 @!p2 $0x0  }
0x1d: {  	s5 =	simm.s32 @p1 $0x1;
	p0 =	seq.s32 s7, s2  }
0x1e: {  	s7 =	smul.u32 @!p0 $0xF7A, s2;
	p2 =	seq.s32 @!p0 s5, $0x0  }
0x1f: {  	s9 =	smul.u32 $0xF7A, s1;
	s8 =	simm.s32 @!p0 $0x1BF5;
	p2 =	por !p2, p0  }
0x20: {  	[sflag:s8] =	ssyncset.s32 @!p0 $0xFFFFF086;
	s6 =	sadd.s32 @!p0 s3, s7;
	s7 =	simm.s32 @!p0 $0x108  }
0x21: {  	s3 =	sadd.s32 s3, s9;
	s6 =	sadd.s32 @!p0 $0x88, s6;
	s7 =	simm.s32 @p2 $0x1082  }
0x22: {  	[simem:s7], [sflag:s8] =	dma.local @!p0 [hbm:s6], $0xF7A  }
0x23: {  	s9 =	sor.u32 $0xD0000000, s2;
	s6 =	simm.s32 $0x108;
	_ =	swait.ge @!p0 [sflag:s8], $0x0  }
0x24: {  	s3 =	sadd.s32 $0x88, s3;
	s6 =	simm.s32 @!p1 $0x1082;
	[sflag:s4] =	ssyncset.s32 $0xFFFFF086  }
0x25: {  	[simem:s6], [sflag:s4] =	dma.local [hbm:s3], $0xF7A  }
0x26: {  	[smem:$0x3F8F] =	sst s1;
	(tag) =	ssettag s2;
	_ =	strace s9  }
0x27: {  	s1 =	sld [smem:$0x3F9F]  }
0x28: {  	s2 =	sld [smem:$0x3FA0]  }
0x29: {  	s4 =	sld [smem:$0x3FA2]  }
0x2a: {  	p0 =	seq.s32 s5, $0x0;
	s5 =	sld [smem:$0x3FA3]  }
0x2b: {  	s6 =	sld [smem:$0x3FA4]  }
0x2c: {  	s7 =	sld [smem:$0x3FA5]  }
0x2d: {  	s3 =	simm.s32 $0x108;
	s8 =	sld [smem:$0x3FA6]  }
0x2e: {  	s3 =	simm.s32 @!p0 $0x1082;
	s9 =	sld [smem:$0x3FA7]  }
0x2f: {  	lr =	sadd.s32 s0, s3;
	s0 =	sld [smem:$0x3F9E]  }
0x30: {  	s3 =	sld [smem:$0x3FA1]  }
0x31: {  	[smem:$0x3FAA] =	sst s10  }
0x32: {  	s10 =	sld [smem:$0x3FA8];
	_ =	sdelay $0x3  }
0x33: {  	p0 =	seq.s32 s10, $0x1;
	s10 =	sld [smem:$0x3FAA];
	_ =	sdelay $0x3  }
0x34: {  	[smem:$0x3FAA] =	sst s10  }
0x35: {  	s10 =	sld [smem:$0x3FA9];
	_ =	sdelay $0x3  }
0x36: {  	p1 =	seq.s32 s10, $0x1;
	s10 =	sld [smem:$0x3FAA];
	_ =	sdelay $0x3  }
0x37: {  	[smem:$0x3FAA] =	sst s10  }
0x38: {  	s10 =	sld [smem:$0x3FAB]  }
0x39: {  	_ = 	snop;
	(pc) =	sbr.ind lr, $3  }
0x3a: {  	_ = 	snop  }
0x3b: {  	_ = 	snop  }
0x3c: {  	p2 =	seq.s32 s10, $0x1;
	s10 =	sld [smem:$0x3FAA]  }
0x3d: {  	_ =	shalt  }
0x3e: {  	_ =	shalt  }
0x3f: {  	_ =	shalt  }
0x40: {  	_ =	shalt  }
0x41: {  	_ =	shalt  }
0x42: {  	_ =	shalt  }
0x43: {  	_ =	shalt  }
0x44: {  	_ =	shalt  }
0x45: {  	_ =	shalt  }
0x46: {  	_ =	shalt  }
0x47: {  	_ =	shalt  }
0x48: {  	_ =	shalt  }
0x49: {  	_ =	shalt  }
0x4a: {  	_ =	shalt  }
0x4b: {  	_ =	shalt  }
0x4c: {  	_ =	shalt  }
0x4d: {  	_ =	shalt  }
0x4e: {  	_ =	shalt  }
0x4f: {  	_ =	shalt  }
0x50: {  	_ =	shalt  }
0x51: {  	_ =	shalt  }
0x52: {  	_ =	shalt  }
0x53: {  	_ =	shalt  }
0x54: {  	_ =	shalt  }
0x55: {  	_ =	shalt  }
0x56: {  	_ =	shalt  }
0x57: {  	_ =	shalt  }
0x58: {  	_ =	shalt  }
0x59: {  	_ =	shalt  }
0x5a: {  	_ =	shalt  }
0x5b: {  	_ =	shalt  }
0x5c: {  	_ =	shalt  }
0x5d: {  	_ =	shalt  }
0x5e: {  	_ =	shalt  }
0x5f: {  	_ =	shalt  }
0x60: {  	_ =	shalt  }
0x61: {  	_ =	shalt  }
0x62: {  	_ =	shalt  }
0x63: {  	_ =	shalt  }
0x64: {  	_ =	shalt  }
0x65: {  	_ =	shalt  }
0x66: {  	_ =	shalt  }
0x67: {  	_ =	shalt  }
0x68: {  	_ =	shalt  }
0x69: {  	_ =	shalt  }
0x6a: {  	_ =	shalt  }
0x6b: {  	_ =	shalt  }
0x6c: {  	_ =	shalt  }
0x6d: {  	_ =	shalt  }
0x6e: {  	_ =	shalt  }
0x6f: {  	_ =	shalt  }
0x70: {  	_ =	shalt  }
0x71: {  	_ =	shalt  }
0x72: {  	_ =	shalt  }
0x73: {  	_ =	shalt  }
0x74: {  	_ =	shalt  }
0x75: {  	_ =	shalt  }
0x76: {  	_ =	shalt  }
0x77: {  	_ =	shalt  }
0x78: {  	_ =	shalt  }
0x79: {  	_ =	shalt  }
0x7a: {  	_ =	shalt  }
0x7b: {  	_ =	shalt  }
0x7c: {  	_ =	shalt  }
0x7d: {  	_ =	shalt  }
0x7e: {  	_ =	shalt  }
0x7f: {  	_ =	shalt  }
0x80: {  	_ =	shalt  }
0x81: {  	_ =	shalt  }
0x82: {  	_ =	shalt  }
0x83: {  	_ =	shalt  }
0x84: {  	_ =	shalt  }
0x85: {  	_ =	shalt  }
0x86: {  	_ =	shalt  }
0x87: {  	_ =	shalt  }
.Lfunc_end0:
.L_simem_size_0:
called_computation.3_lowered:
.L_overlay_start_0:
0x88: {  	s2 =	sld [smem:$0x3FD9]  }
0x89: {  	s3 =	sld [smem:$0x3FFE];
	_ =	sdelay $0x1  }
0x8a: {  	s1 =	srdreg.scid  }
0x8b: {  	s0 =	sand.u32 $0x1, s1  }
0x8c: {  	s16 =	sshll.u32 s0, $0xA;
	s2 =	sadd.s32 s3, s2  }
0x8d: {  	s2 =	sadd.s32 s2, s16  }
0x8e: {  	[smem:$0x3FB6] =	sst s2  }
0x8f: {  	_ = 	snop  }
0x90: {  	(tm) =	ssettm $0x1  }
0x91: {  	s17 =	sld [smem:$0x3FFB];
	_ =	sdelay $0x3  }
0x92: {  	_ =	strace s17  }
0x93: {  	s2 =	sld [smem:$0x3FFC];
	_ =	sdelay $0x3  }
0x94: {  	_ =	strace s2  }
0x95: {  	s2 =	sld [smem:$0x3FFD];
	_ =	sdelay $0x3  }
0x96: {  	_ =	strace s2  }
0x97: {  	_ =	strace $0x8FFFFFFF  }
0x98: {  	s18 =	sld [smem:$0x3FDB];
	_ =	sdelay $0x1  }
0x99: {  	s19 =	simm.s32 $_scs_section_size  }
0x9a: {  	s4 =	simm.s32 $_size__tile_overlayer_lowered;
	s5 =	simm.s32 $_tile_overlayer_lowered  }
0x9b: {  	s22 =	simm.s32 $0x1BFF;
	s21 =	sshll.u32 s5, $0x1;
	s2 =	sadd.s32 s19, s18  }
0x9c: {  	s6 =	simm.s32 $0x0;
	s20 =	sshll.u32 s4, $0x1;
	s4 =	sadd.s32 s21, s2  }
0x9d: {  	[timem:s6], [sflag:s22] =	dma.local [hbm:s4], s20  }
0x9e: {  	_ =	swait.ge [sflag:s22], s20  }
0x9f: {  	s3 =	ssub.s32 $0x0, s20;
	[sflag:s22] =	ssyncset.done $0x0  }
0xa0: {  	[sflag:s22] =	ssyncadd.s32 s3;
	_ =	sdelay $0x1  }
0xa1: {  	s23 =	simm.s32 $0x1B8B  }
0xa2: {  	_ =	swait.ge [sflag:s23], $0x1  }
0xa3: {  	[sflag:s23] =	ssyncset.done $0x0  }
0xa4: {  	s25 =	simm.s32 $0x1B8E;
	s24 =	sld [smem:$0x3FFE];
	[sflag:s23] =	ssyncadd.s32 $0xFFFFFFFF  }
0xa5: {  	s26 =	simm.s32 $execute0_lowered;
	[smem:$0x3FD2] =	sst s25  }
0xa6: {  	s4 =	sshll.u32 s26, $0x1;
	_ =	strace $0x8000004F;
	[dreg:$0x1] =	wrdreg $0xFFFFFFFF  }
0xa7: {  	s28 =	simm.s32 $_size_execute0_lowered;
	s2 =	sadd.s32 s2, s4;
	[dreg:$0x0] =	wrdreg $0x0  }
0xa8: {  	s4 =	sshll.u32 s28, $0x1;
	[dreg:$0x2] =	wrdreg s2  }
0xa9: {  	[dreg:$0x3] =	wrdreg s4  }
0xaa: {  	[dreg:$0x4] =	wrdreg $0xC0  }
0xab: {  	_ =	task [dreg:s6], $0x5FFFF  }
0xac: {  	[dreg:$0x1] =	wrdreg $0xFFFFFFFF  }
0xad: {  	[dreg:$0x0] =	wrdreg $0x60  }
0xae: {  	[dreg:$0x2] =	wrdreg s24  }
0xaf: {  	[dreg:$0x3] =	wrdreg $0x44000  }
0xb0: {  	[dreg:$0x4] =	wrdreg $0x9  }
0xb1: {  	_ =	task.clear_ibuf [dreg:s6], $0x5FFFF;
	_ =	strace $0x9000004F  }
0xb2: {  	s29 =	simm.s32 $0x9;
	_ =	strace $0x80000051  }
0xb3: {  	_ =	swait.ge [sflag:s29], $0x1  }
0xb4: {  	[sflag:s29] =	ssyncadd.s32 $0xFFFFFFFF  }
0xb5: {  	_ =	strace $0x90000051  }
0xb6: {  	_ =	sfence  }
0xb7: {  	s30 =	sld [smem:$0x0];
	_ =	sdelay $0x2  }
0xb8: {  	s31 =	sshll.u32 s1, $0xD;
	s1 =	sshrl.u32 s1, $0x2  }
0xb9: {  	s3 =	sand.u32 $0x4000, s31;
	s1 =	sadd.s32 s1, s30  }
0xba: {  	s0 =	sor.u32 s3, s0;
	s1 =	sshll.u32 s1, $0x11  }
0xbb: {  	s0 =	sor.u32 s1, s0  }
0xbc: {  	s0 =	sadd.s32 $0x8F2B, s0  }
0xbd: {  	[sflag:s0] =	ssyncadd.remote.s32 $0x1  }
0xbe: {  	_ =	sfence.sel $0xFFFF  }
0xbf: {  	[dreg:$0x0] =	wrdreg $0xFFFFFFFF;
	(pc) =	sbr.abs _section_cstart, $3  }
0xc0: {  	[dreg:$0x1] =	wrdreg $0xFFFFFFFF  }
0xc1: {  	_ =	task.clear_ibuf [dreg:s6], $0x2FFFF;
	_ =	strace $0x9FFFFFFF  }
0xc2: {  	(tm) =	ssettm $0x7FFFFFFF  }
0xc3: {  	_ =	shalt  }
tec
execute0_lowered:
.L_overlay_start_1:
0x0: {  	(tag) =	ssettag $0x1  }
0x1: {  	s0 =	stileid.u32  }
0x2: {  	s1 =	srdreg.scid;
	s7 =	smul.u32 $0x4E20, s0  }
0x3: {  	s4 =	rddreg [dreg:$0x0];
	s16 =	smul.u32 $0xA000, s0  }
0x4: {  	s2 =	rddreg [dreg:$0x1];
	s9 =	sand.u32 $0x1, s1;
	s26 =	smul.u32 $0x50, s0  }
0x5: {  	s3 =	simm.s32 $0x0;
	s1 =	rddreg [dreg:$0x2];
	s8 =	smul.u32 $0x4E200, s9  }
0x6: {  	s24 =	sshll.u32 s0, $0x1;
	[smem:$0x7FF] =	sst s3;
	s29 =	smul.u32 $0x28, s9  }
0x7: {  	s10 =	sadd.s32 $0x362000, s4;
	s5 =	sor.u32 s9, s24;
	s30 =	smul.u32 $0x5000, s9  }
0x8: {  	s31 =	sshll.u32 s0, $0x6;
	_ =	strace $0x80000050;
	s6 =	smul.u32 $0x280, s5  }
0x9: {  	s12 =	ssub.s32 $0x2, s9;
	s11 =	sshrl.u32 s7, $0x3;
	s14 =	smul.u32 $0x28, s5  }
0xa: {  	s13 =	sshrl.u32 s12, $0x1;
	s25 =	smul.u32 $0x5000, s5;
	s15 =	sadd.s32 s7, s2  }
0xb: {  	s11 =	sadd.s32 s11, s4;
	s8 =	sadd.s32 s7, s8;
	s12 =	ssub.s32 s12, s13  }
0xc: {  	s13 =	sshrl.u32 s15, $0x3;
	s15 =	simm.s32 $0x2400;
	s6 =	sadd.s32 s6, s4  }
0xd: {  	s8 =	sshrl.u32 s8, $0x3;
	s5 =	sadd.s32 $0x2BE00, s11;
	s28 =	ssub.s32 $0x4E2, s14  }
0xe: {  	s9 =	smax.u32 s12, $0x1;
	s11 =	sadd.s32 s29, s26;
	s12 =	sor.u32 $0x1C07, s31  }
0xf: {  	s14 =	simm.s32 $0x1400;
	s8 =	sadd.s32 s8, s4;
	s4 =	sadd.s32 $0x349000, s6  }
0x10: {  	s6 =	sadd.s32 s10, s25;
	[dreg:$0x4] =	wrdreg s28;
	s10 =	sadd.s32 s16, s10  }
0x11: {  	[dreg:$0x3] =	wrdreg s11;
	s11 =	simm.s32 $0x7;
	s16 =	simm.s32 $0x0  }
0x12: {  	s7 =	sadd.s32 $0x200, s6;
	s8 =	sadd.s32 $0x34E000, s8;
	s10 =	sadd.s32 s30, s10  }
.LBB2_1:
0x13: {  	[tilespmem:s3], [sflag:$0x7] =	stream.linear.gather [hbm4b:s4+s3], $0x1400, $0x38;
	[tilespmem:$0x9220] =	vst v63  }
0x14: {  	_ =	swait.ge [sflag:s11], $0x1400  }
0x15: {  	[sflag:s11] =	ssyncset.done $0x0  }
0x16: {  	[sflag:s11] =	ssyncadd.s32 $0xFFFFEC00  }
0x17: {  	[spmem:s13], [sflag:s12] =	dma.local [hbm:s5], $0x9C4  }
0x18: {  	_ =	swait.ge [sflag:s11], $0x9C4  }
0x19: {  	[sflag:s11] =	ssyncset.done $0x0  }
0x1a: {  	[sflag:s11] =	ssyncadd.s32 $0xFFFFF63C  }
0x1b: {  	[bflag:$0x0] =	sbarrier.arrive $0xFFFF  }
0x1c: {  	[tilespmem:s14], [sflag:$0x1] =	stream.linear.gather [hbm4b:s6+s3], $0x1000, $0x38;
	[tilespmem:$0x9220] =	vst v63  }
0x1d: {  	s17 =	rddreg [dreg:$0x3]  }
0x1e: {  	s17 =	sadd.s32 $0x0, s17  }
0x1f: {  	[tilespmem:s15], [sflag:$0x2] =	stream.linear.gather [hbm4b:s7+s3], $0x1000, $0x38;
	[tilespmem:$0x9220] =	vst v63  }
0x20: {  	p2 =	por $0x1, $0x1;
	p0 =	sgt.u32 s17, $0x4E1  }
0x21: {  	p1 =	por $0x1, $0x1;
	s20 =	sadd.s32 $0x2, s17;
	s18 =	simm.s32 @!p0 $0x1  }
0x22: {  	s31 =	sadd.s32 $0x1, s17;
	p4 =	slt.u32 s20, $0x4E2;
	_ =	swait.ge @!p0 [sflag:s18], $0x1000  }
0x23: {  	p6 =	slt.u32 s31, $0x4E2;
	s20 =	simm.s32 @!p0 $0x1400;
	s19 =	rddreg [dreg:$0x4]  }
0x24: {  	[sflag:s18] =	ssyncset.done @!p0 $0x0;
	p3 =	slt.u32 @!p2 s19, $0x0;
	s19 =	simm.s32 @!p0 $0x80  }
0x25: {  	[sflag:s18] =	ssyncadd.s32 @!p0 $0xFFFFF000;
	s18 =	simm.s32 @!p0 $0x0;
	p3 =	por p3, p2  }
0x26: {  	[spmem:s2] =	stream.indirect.scatter.add.f32 @!p0 [tilespmem:s20], [sflag:$0x4], $0x20, s18, s19, $0xb8;
	[tilespmem:$0x9220] =	vst v63  }
0x27: {  	p4 =	por !p1, !p4;
	p1 =	por !p1, !p6;
	s18 =	simm.s32 @!p3 $0x6  }
0x28: {  	p1 =	por !p1, !p1;
	p2 =	por !p4, !p4;
	_ =	swait.ge @!p3 [sflag:s18], $0x1000  }
0x29: {  	s19 =	sadd.s32 @p2 $0x0, s10;
	s20 =	simm.s32 @p2 $0x0;
	[sflag:s18] =	ssyncset.done @!p3 $0x0  }
0x2a: {  	[sflag:s18] =	ssyncadd.s32 @!p3 $0xFFFFF000;
	s18 =	sadd.s32 @p2 $0x400, s19;
	s19 =	simm.s32 @p2 $0x3400  }
0x2b: {  	[tilespmem:s19], [sflag:$0x3] =	stream.linear.gather @p2 [hbm4b:s18+s20], $0x1000, $0x38;
	[tilespmem:$0x9220] =	vst v63  }
0x2c: {  	s18 =	simm.s32 @p1 $0x2  }
0x2d: {  	s21 =	simm.s32 @p1 $0x80;
	s22 =	simm.s32 @p1 $0x80;
	_ =	swait.ge @p1 [sflag:s18], $0x1000  }
0x2e: {  	s23 =	simm.s32 @p1 $0x2400;
	p3 =	por $0x0, $0x0;
	[sflag:s18] =	ssyncset.done @p1 $0x0  }
0x2f: {  	s20 =	sadd.s32 $0x3, s17;
	[sflag:s18] =	ssyncadd.s32 @p1 $0xFFFFF000;
	s18 =	simm.s32 @!p0 $0x4  }
0x30: {  	[spmem:s2] =	stream.indirect.scatter.add.f32 @p1 [tilespmem:s23], [sflag:$0x5], $0x20, s21, s22, $0xb8;
	[tilespmem:$0x9220] =	vst v63  }
0x31: {  	p4 =	sgt.u32 @!p3 s20, $0x4E1;
	_ =	swait.ge @!p0 [sflag:s18], $0x1000  }
0x32: {  	p3 =	por p4, p3;
	[sflag:s18] =	ssyncset.done @!p0 $0x0  }
0x33: {  	s20 =	simm.s32 @!p3 $0x1400;
	[sflag:s18] =	ssyncadd.s32 @!p0 $0xFFFFF000;
	s18 =	sadd.s32 @!p3 $0x0, s10  }
0x34: {  	s21 =	simm.s32 @!p3 $0x0;
	s22 =	simm.s32 @p2 $0x3;
	s18 =	sadd.s32 @!p3 $0x600, s18  }
0x35: {  	[tilespmem:s20], [sflag:$0x1] =	stream.linear.gather @!p3 [hbm4b:s18+s21], $0x1000, $0x38;
	[tilespmem:$0x9220] =	vst v63  }
0x36: {  	s17 =	sadd.s32 $0x4, s17;
	_ =	swait.ge @p2 [sflag:s22], $0x1000  }
0x37: {  	s23 =	simm.s32 @p1 $0x5;
	p0 =	por $0x0, $0x0;
	[sflag:s22] =	ssyncset.done @p2 $0x0  }
0x38: {  	s18 =	simm.s32 @p2 $0x100;
	s20 =	simm.s32 @p2 $0x80;
	[sflag:s22] =	ssyncadd.s32 @p2 $0xFFFFF000  }
0x39: {  	[spmem:s2] =	stream.indirect.scatter.add.f32 @p2 [tilespmem:s19], [sflag:$0x6], $0x20, s18, s20, $0xb8;
	[tilespmem:$0x9220] =	vst v63  }
0x3a: {  	p2 =	sgt.u32 @!p0 s17, $0x4E1;
	s19 =	simm.s32 $0x3;
	s20 =	simm.s32 $0x6  }
0x3b: {  	s18 =	simm.s32 $0x1;
	s17 =	simm.s32 $0x600;
	p2 =	por p2, p0  }
0x3c: {  	_ =	swait.ge @p1 [sflag:s23], $0x1000;
	s21 =	sadd.s32 @!p2 $0x0, s10;
	s24 =	simm.s32 @!p2 $0x0  }
0x3d: {  	s22 =	rddreg [dreg:$0x3];
	[sflag:s23] =	ssyncset.done @p1 $0x0;
	s25 =	sadd.s32 @!p2 $0x800, s21  }
.LBB2_2:
0x3e: {  	[sflag:s23] =	ssyncadd.s32 @p1 $0xFFFFF000;
	s23 =	simm.s32 @!p2 $0x2400  }
0x3f: {  	s26 =	smov.u32 s20;
	s20 =	sadd.s32 $0x3, s20;
	s22 =	sadd.s32 s19, s22  }
0x40: {  	[tilespmem:s23], [sflag:$0x2] =	stream.linear.gather @!p2 [hbm4b:s25+s24], $0x1000, $0x38;
	[tilespmem:$0x9220] =	vst v63  }
0x41: {  	p0 =	sne.s32 s20, $0x2A;
	s31 =	sadd.s32 $0x1, s22  }
0x42: {  	p5 =	seq.s32 s19, $0x27;
	s23 =	simm.s32 @!p0 $0x0;
	p2 =	slt.u32 s31, $0x4E2  }
0x43: {  	p4 =	sgt.u32 s18, $0xB;
	s23 =	simm.s32 @p0 $0x1;
	s24 =	simm.s32 @!p2 $0x0  }
0x44: {  	p3 =	sgt.u32 s22, $0x4E1;
	[smem:$0x7FD] =	sst s23;
	s24 =	simm.s32 @p2 $0x1  }
0x45: {  	s29 =	sadd.s32 $0xFFFFFFFF, s19;
	s28 =	simm.s32 @!p3 $0x1;
	[smem:$0x7FA] =	sst s24  }
0x46: {  	p1 =	sne.s32 s19, $0x27;
	s30 =	sadd.s32 $0x2, s22;
	_ =	swait.ge @!p3 [sflag:s28], $0x1000  }
0x47: {  	s25 =	sshra.s32 @!p3 s17, $0x2;
	p2 =	sgt.u32 s29, $0x27;
	[sflag:s28] =	ssyncset.done @!p3 $0x0  }
0x48: {  	s23 =	simm.s32 @!p3 $0x80;
	s24 =	rddreg [dreg:$0x4];
	[sflag:s28] =	ssyncadd.s32 @!p3 $0xFFFFF000  }
0x49: {  	s28 =	simm.s32 @!p3 $0x1400;
	p0 =	sgt.u32 @!p2 s19, s24;
	s19 =	sadd.s32 $0x3, s22  }
0x4a: {  	[spmem:s2] =	stream.indirect.scatter.add.f32 @!p3 [tilespmem:s28], [sflag:$0x4], $0x20, s25, s23, $0xb8;
	[tilespmem:$0x9220] =	vst v63  }
0x4b: {  	p0 =	por p0, p2;
	p2 =	por p5, p5;
	p5 =	sgt.u32 @!p5 s19, $0x4E1  }
0x4c: {  	p6 =	slt.u32 s30, $0x4E2;
	s22 =	sadd.s32 $0x4, s22;
	s19 =	simm.s32 @!p5 $0x0  }
0x4d: {  	s29 =	sld [smem:$0x7FA];
	s19 =	simm.s32 @p5 $0x1;
	p5 =	sgt.u32 @!p4 s22, $0x4E1  }
0x4e: {  	p6 =	por !p1, !p6;
	[smem:$0x7FB] =	sst s19;
	s19 =	simm.s32 @!p5 $0x0  }
0x4f: {  	p6 =	por !p6, !p6;
	s19 =	simm.s32 @p5 $0x1  }
0x50: {  	s24 =	simm.s32 @p6 $0x0;
	s22 =	simm.s32 @!p0 $0x6;
	[smem:$0x7FC] =	sst s19  }
0x51: {  	s23 =	sadd.s32 @p6 s17, s10;
	p5 =	seq.s32 s29, $0x1;
	_ =	swait.ge @!p0 [sflag:s22], $0x1000  }
0x52: {  	s25 =	simm.s32 @p6 $0x3400;
	p1 =	por !p1, !p5;
	[sflag:s22] =	ssyncset.done @!p0 $0x0  }
0x53: {  	p1 =	por !p1, !p1;
	[sflag:s22] =	ssyncadd.s32 @!p0 $0xFFFFF000;
	s22 =	sadd.s32 @p6 $0x400, s23  }
0x54: {  	[tilespmem:s25], [sflag:$0x3] =	stream.linear.gather @p6 [hbm4b:s22+s24], $0x1000, $0x38;
	[tilespmem:$0x9220] =	vst v63  }
0x55: {  	s19 =	smov.u32 s26;
	s22 =	simm.s32 @p1 $0x2  }
0x56: {  	s26 =	simm.s32 @p1 $0x80;
	s28 =	simm.s32 @p1 $0x2400;
	_ =	swait.ge @p1 [sflag:s22], $0x1000  }
0x57: {  	s23 =	sshra.s32 @p1 s17, $0x2;
	[sflag:s22] =	ssyncset.done @p1 $0x0;
	s29 =	sld [smem:$0x7FB]  }
0x58: {  	s23 =	sadd.s32 @p1 $0x80, s23;
	[sflag:s22] =	ssyncadd.s32 @p1 $0xFFFFF000;
	s22 =	simm.s32 @!p3 $0x4  }
0x59: {  	[spmem:s2] =	stream.indirect.scatter.add.f32 @p1 [tilespmem:s28], [sflag:$0x5], $0x20, s23, s26, $0xb8;
	[tilespmem:$0x9220] =	vst v63  }
0x5a: {  	p5 =	seq.s32 s29, $0x1;
	_ =	swait.ge @!p3 [sflag:s22], $0x1000  }
0x5b: {  	p0 =	por p5, p2;
	[sflag:s22] =	ssyncset.done @!p3 $0x0  }
0x5c: {  	s23 =	sadd.s32 @!p0 s17, s10;
	s26 =	simm.s32 @!p0 $0x1400;
	s28 =	simm.s32 @!p0 $0x0  }
0x5d: {  	[sflag:s22] =	ssyncadd.s32 @!p3 $0xFFFFF000;
	s22 =	simm.s32 @p6 $0x3;
	s23 =	sadd.s32 @!p0 $0x600, s23  }
0x5e: {  	[tilespmem:s26], [sflag:$0x1] =	stream.linear.gather @!p0 [hbm4b:s23+s28], $0x1000, $0x38;
	[tilespmem:$0x9220] =	vst v63  }
0x5f: {  	s24 =	sshra.s32 @p6 s17, $0x2;
	_ =	swait.ge @p6 [sflag:s22], $0x1000  }
0x60: {  	s24 =	sadd.s32 @p6 $0x100, s24;
	[sflag:s22] =	ssyncset.done @p6 $0x0  }
0x61: {  	s26 =	simm.s32 @p6 $0x80;
	s23 =	simm.s32 @p1 $0x5;
	[sflag:s22] =	ssyncadd.s32 @p6 $0xFFFFF000  }
0x62: {  	[spmem:s2] =	stream.indirect.scatter.add.f32 @p6 [tilespmem:s25], [sflag:$0x6], $0x20, s24, s26, $0xb8;
	[tilespmem:$0x9220] =	vst v63  }
0x63: {  	s30 =	sld [smem:$0x7FC];
	_ =	swait.ge @p1 [sflag:s23], $0x1000  }
0x64: {  	s31 =	sld [smem:$0x7FD];
	_ =	sdelay $0x2  }
0x65: {  	p0 =	seq.s32 s31, $0x1  }
.Ltmp0:
0x66: {  	_ = 	snop;
	(pc) =	sbr.rel @p0 .LBB2_2-.Ltmp0, $4  }
0x67: {  	p5 =	seq.s32 s30, $0x1  }
0x68: {  	s21 =	smov.u32 s17;
	s18 =	sadd.s32 $0x1, s18;
	p2 =	por p5, p4  }
0x69: {  	s17 =	sadd.s32 $0x600, s17;
	s22 =	rddreg [dreg:$0x3];
	s21 =	sadd.s32 @!p2 s21, s10  }
0x6a: {  	[sflag:s23] =	ssyncset.done @p1 $0x0;
	s24 =	simm.s32 @!p2 $0x0;
	s25 =	sadd.s32 @!p2 $0x800, s21  }
0x6b: {  	[sflag:s23] =	ssyncadd.s32 @p1 $0xFFFFF000;
	s20 =	simm.s32 @!p2 $0x2400;
	s28 =	sadd.s32 s19, s22  }
0x6c: {  	[tilespmem:s20], [sflag:$0x2] =	stream.linear.gather @!p2 [hbm4b:s25+s24], $0x1000, $0x38;
	[tilespmem:$0x9220] =	vst v63  }
0x6d: {  	s29 =	sadd.s32 $0xFFFFFFFF, s19;
	p5 =	sne.s32 s19, $0x27;
	p0 =	sgt.u32 s28, $0x4E1  }
0x6e: {  	p2 =	sgt.u32 s29, $0x27;
	s30 =	sadd.s32 $0x2, s28;
	s21 =	simm.s32 @!p0 $0x1  }
0x6f: {  	s31 =	sadd.s32 $0x1, s28;
	p4 =	slt.u32 s30, $0x4E2;
	_ =	swait.ge @!p0 [sflag:s21], $0x1000  }
0x70: {  	p6 =	slt.u32 s31, $0x4E2;
	s23 =	simm.s32 @!p0 $0x1400;
	s22 =	rddreg [dreg:$0x4]  }
0x71: {  	[sflag:s21] =	ssyncset.done @!p0 $0x0;
	p3 =	sgt.u32 @!p2 s19, s22;
	s22 =	simm.s32 @!p0 $0x80  }
0x72: {  	[sflag:s21] =	ssyncadd.s32 @!p0 $0xFFFFF000;
	s21 =	sshra.s32 @!p0 s17, $0x2;
	p3 =	por p3, p2  }
0x73: {  	[spmem:s2] =	stream.indirect.scatter.add.f32 @!p0 [tilespmem:s23], [sflag:$0x4], $0x20, s21, s22, $0xb8;
	[tilespmem:$0x9220] =	vst v63  }
0x74: {  	p4 =	por !p5, !p4;
	p1 =	por !p5, !p6;
	s21 =	simm.s32 @!p3 $0x6  }
0x75: {  	p1 =	por !p1, !p1;
	p2 =	por !p4, !p4;
	_ =	swait.ge @!p3 [sflag:s21], $0x1000  }
0x76: {  	s22 =	sadd.s32 @p2 s17, s10;
	s23 =	simm.s32 @p2 $0x0;
	[sflag:s21] =	ssyncset.done @!p3 $0x0  }
0x77: {  	[sflag:s21] =	ssyncadd.s32 @!p3 $0xFFFFF000;
	s21 =	sadd.s32 @p2 $0x400, s22;
	s22 =	simm.s32 @p2 $0x3400  }
0x78: {  	[tilespmem:s22], [sflag:$0x3] =	stream.linear.gather @p2 [hbm4b:s21+s23], $0x1000, $0x38;
	[tilespmem:$0x9220] =	vst v63  }
0x79: {  	s24 =	simm.s32 @p1 $0x80;
	s21 =	simm.s32 @p1 $0x2  }
0x7a: {  	p3 =	seq.s32 s19, $0x27;
	s19 =	sadd.s32 $0x3, s28;
	_ =	swait.ge @p1 [sflag:s21], $0x1000  }
0x7b: {  	s23 =	sshra.s32 @p1 s17, $0x2;
	p4 =	sgt.u32 @!p3 s19, $0x4E1;
	[sflag:s21] =	ssyncset.done @p1 $0x0  }
0x7c: {  	s23 =	sadd.s32 @p1 $0x80, s23;
	[sflag:s21] =	ssyncadd.s32 @p1 $0xFFFFF000;
	s21 =	simm.s32 @p1 $0x2400  }
0x7d: {  	[spmem:s2] =	stream.indirect.scatter.add.f32 @p1 [tilespmem:s21], [sflag:$0x5], $0x20, s23, s24, $0xb8;
	[tilespmem:$0x9220] =	vst v63  }
0x7e: {  	p3 =	por p4, p3;
	s21 =	simm.s32 @!p0 $0x4  }
0x7f: {  	s19 =	sadd.s32 @!p3 s17, s10;
	_ =	swait.ge @!p0 [sflag:s21], $0x1000  }
0x80: {  	s19 =	sadd.s32 @!p3 $0x600, s19;
	[sflag:s21] =	ssyncset.done @!p0 $0x0  }
0x81: {  	s23 =	simm.s32 @!p3 $0x0;
	[sflag:s21] =	ssyncadd.s32 @!p0 $0xFFFFF000;
	s21 =	simm.s32 @!p3 $0x1400  }
0x82: {  	[tilespmem:s21], [sflag:$0x1] =	stream.linear.gather @!p3 [hbm4b:s19+s23], $0x1000, $0x38;
	[tilespmem:$0x9220] =	vst v63  }
0x83: {  	s19 =	simm.s32 @p2 $0x3  }
0x84: {  	s20 =	sadd.s32 $0x4, s28;
	_ =	swait.ge @p2 [sflag:s19], $0x1000  }
0x85: {  	p0 =	sgt.u32 s18, $0xB;
	s18 =	sshra.s32 @p2 s17, $0x2;
	[sflag:s19] =	ssyncset.done @p2 $0x0  }
0x86: {  	s18 =	sadd.s32 @p2 $0x100, s18;
	s21 =	simm.s32 @p2 $0x80;
	[sflag:s19] =	ssyncadd.s32 @p2 $0xFFFFF000  }
0x87: {  	[spmem:s2] =	stream.indirect.scatter.add.f32 @p2 [tilespmem:s22], [sflag:$0x6], $0x20, s18, s21, $0xb8;
	[tilespmem:$0x9220] =	vst v63  }
0x88: {  	s19 =	simm.s32 @p1 $0x5;
	p2 =	sgt.u32 @!p0 s20, $0x4E1  }
0x89: {  	s16 =	sadd.s32 $0x1, s16;
	_ =	swait.ge @p1 [sflag:s19], $0x1000;
	p0 =	por p2, p0  }
0x8a: {  	[sflag:s19] =	ssyncset.done @p1 $0x0;
	s17 =	sadd.s32 @!p0 s17, s10;
	s18 =	simm.s32 @!p0 $0x0  }
0x8b: {  	[sflag:s19] =	ssyncadd.s32 @p1 $0xFFFFF000;
	s17 =	sadd.s32 @!p0 $0x800, s17;
	s19 =	simm.s32 @!p0 $0x2400  }
0x8c: {  	[tilespmem:s19], [sflag:$0x2] =	stream.linear.gather @!p0 [hbm4b:s17+s18], $0x1000, $0x38;
	[tilespmem:$0x9220] =	vst v63  }
0x8d: {  	p0 =	sne.s32 s16, s9  }
.Ltmp1:
0x8e: {  	[bflag:$0x0] =	sbarrier.arrive $0xFFFF;
	(pc) =	sbr.rel @p0 .LBB2_1-.Ltmp1, $4  }
0x8f: {  	[hbm:s8], [sflag:s12] =	dma.local [spmem:s13], $0x9C4  }
0x90: {  	_ =	swait.ge [sflag:s11], $0x9C4  }
0x91: {  	[sflag:s11] =	ssyncset.done $0x0  }
0x92: {  	[sflag:s11] =	ssyncadd.s32 $0xFFFFF63C  }
0x93: {  	_ =	sfence.sel $0x180000  }
0x94: {  	[bflag:$0x0] =	sbarrier.arrive $0xFFFF  }
0x95: {  	p0 =	sne.s32 s0, $0x0;
	_ =	strace $0x90000050  }
0x96: {  	s0 =	sadd.s32 @!p0 $0x100000, s1;
	[bflag:$0x2] =	sbarrier.arrive $0xFFFF  }
0x97: {  	[sflag:s0] =	ssyncadd.tile.s32 @!p0 $0x1;
	_ =	shalt  }
.Lfunc_end2:
_tile_overlayer_lowered:
.L_overlay_start_2:
0x98: {  	(tag) =	ssettag $0x2  }
0x99: {  	s0 =	rddreg [dreg:$0x0];
	s2 =	stileid.u32  }
0x9a: {  	s1 =	rddreg [dreg:$0x1];
	p0 =	sne.s32 s2, $0x0  }
0x9b: {  	s3 =	rddreg [dreg:$0x2];
	[bflag:$0x3] =	sbarrier.arrive $0xFFFF;
	s2 =	simm.s32 @!p0 $0x1C07  }
0x9c: {  	[timem:s3], [sflag:s2] =	dma.local @!p0 [hbm:s0], s1  }
0x9d: {  	s0 =	simm.s32 @!p0 $0x7  }
0x9e: {  	_ =	swait.ge @!p0 [sflag:s0], s1  }
0x9f: {  	s1 =	ssub.s32 @!p0 $0x0, s1;
	[sflag:s0] =	ssyncset.done @!p0 $0x0  }
0xa0: {  	[sflag:s0] =	ssyncadd.s32 @!p0 s1  }
0xa1: {  	[bflag:$0x3] =	sbarrier.arrive $0xFFFF  }
0xa2: {  	_ =	shalt  }

// kernel: kernel.25.cloned.1.call-start
scs
__scs_entry_jumppad:
0x0: {  	(pc) =	sbr.rel $0x88, $3  }
0x1: {  	(tag) =	ssettag $0x0;
	lr =	simm.s32 $0x1  }
0x2: {  	[smem:$0x3F8F] =	sst lr;
	_ =	strace $0xD0000000  }
0x3: {  	_ = 	snop  }
0x4: {  	_ = 	snop  }
0x5: {  	_ = 	snop  }
0x6: {  	_ = 	snop  }
0x7: {  	_ = 	snop  }
__scs_overlays_trampoline_lowered:
0x8: {  	[smem:$0x3F9E] =	sst s0  }
0x9: {  	[smem:$0x3F9F] =	sst s1  }
0xa: {  	[smem:$0x3FA0] =	sst s2  }
0xb: {  	[smem:$0x3FA1] =	sst s3  }
0xc: {  	[smem:$0x3FA2] =	sst s4  }
0xd: {  	[smem:$0x3FA3] =	sst s5  }
0xe: {  	[smem:$0x3FA4] =	sst s6  }
0xf: {  	[smem:$0x3FA5] =	sst s7  }
0x10: {  	[smem:$0x3FA6] =	sst s8  }
0x11: {  	[smem:$0x3FA7] =	sst s9;
	s0 =	simm.s32 @!p0 $0x0  }
0x12: {  	s1 =	sld [smem:$0x3F8D];
	s0 =	simm.s32 @p0 $0x1  }
0x13: {  	[smem:$0x3FA8] =	sst s0;
	s0 =	simm.s32 @!p1 $0x0  }
0x14: {  	s2 =	sld [smem:$0x3F8C];
	s0 =	simm.s32 @p1 $0x1  }
0x15: {  	[smem:$0x3FA9] =	sst s0;
	s0 =	simm.s32 @!p2 $0x0  }
0x16: {  	s3 =	sld [smem:$0x3FDB];
	s0 =	simm.s32 @p2 $0x1  }
0x17: {  	s4 =	simm.s32 $0x1BF5;
	[smem:$0x3FAB] =	sst s0  }
0x18: {  	s0 =	sld [smem:$0x3F8E];
	_ =	swait.ge [sflag:s4], $0x0  }
0x19: {  	s7 =	sld [smem:$0x3F8F]  }
0x1a: {  	s8 =	sadd.s32 $0xFFFFE003, lr  }
0x1b: {  	s9 =	sadd.s32 $0xFFFFFEF7, lr;
	s5 =	simm.s32 $0xFFFFFFFF;
	p2 =	slt.u32 s8, $0xFFFFF086  }
0x1c: {  	p1 =	slt.u32 s9, $0xF7A;
	s5 =	simm.s32 @!p2 $0x0  }
0x1d: {  	s5 =	simm.s32 @p1 $0x1;
	p0 =	seq.s32 s7, s2  }
0x1e: {  	s7 =	smul.u32 @!p0 $0xF7A, s2;
	p2 =	seq.s32 @!p0 s5, $0x0  }
0x1f: {  	s9 =	smul.u32 $0xF7A, s1;
	s8 =	simm.s32 @!p0 $0x1BF5;
	p2 =	por !p2, p0  }
0x20: {  	[sflag:s8] =	ssyncset.s32 @!p0 $0xFFFFF086;
	s6 =	sadd.s32 @!p0 s3, s7;
	s7 =	simm.s32 @!p0 $0x108  }
0x21: {  	s3 =	sadd.s32 s3, s9;
	s6 =	sadd.s32 @!p0 $0x88, s6;
	s7 =	simm.s32 @p2 $0x1082  }
0x22: {  	[simem:s7], [sflag:s8] =	dma.local @!p0 [hbm:s6], $0xF7A  }
0x23: {  	s9 =	sor.u32 $0xD0000000, s2;
	s6 =	simm.s32 $0x108;
	_ =	swait.ge @!p0 [sflag:s8], $0x0  }
0x24: {  	s3 =	sadd.s32 $0x88, s3;
	s6 =	simm.s32 @!p1 $0x1082;
	[sflag:s4] =	ssyncset.s32 $0xFFFFF086  }
0x25: {  	[simem:s6], [sflag:s4] =	dma.local [hbm:s3], $0xF7A  }
0x26: {  	[smem:$0x3F8F] =	sst s1;
	(tag) =	ssettag s2;
	_ =	strace s9  }
0x27: {  	s1 =	sld [smem:$0x3F9F]  }
0x28: {  	s2 =	sld [smem:$0x3FA0]  }
0x29: {  	s4 =	sld [smem:$0x3FA2]  }
0x2a: {  	p0 =	seq.s32 s5, $0x0;
	s5 =	sld [smem:$0x3FA3]  }
0x2b: {  	s6 =	sld [smem:$0x3FA4]  }
0x2c: {  	s7 =	sld [smem:$0x3FA5]  }
0x2d: {  	s3 =	simm.s32 $0x108;
	s8 =	sld [smem:$0x3FA6]  }
0x2e: {  	s3 =	simm.s32 @!p0 $0x1082;
	s9 =	sld [smem:$0x3FA7]  }
0x2f: {  	lr =	sadd.s32 s0, s3;
	s0 =	sld [smem:$0x3F9E]  }
0x30: {  	s3 =	sld [smem:$0x3FA1]  }
0x31: {  	[smem:$0x3FAA] =	sst s10  }
0x32: {  	s10 =	sld [smem:$0x3FA8];
	_ =	sdelay $0x3  }
0x33: {  	p0 =	seq.s32 s10, $0x1;
	s10 =	sld [smem:$0x3FAA];
	_ =	sdelay $0x3  }
0x34: {  	[smem:$0x3FAA] =	sst s10  }
0x35: {  	s10 =	sld [smem:$0x3FA9];
	_ =	sdelay $0x3  }
0x36: {  	p1 =	seq.s32 s10, $0x1;
	s10 =	sld [smem:$0x3FAA];
	_ =	sdelay $0x3  }
0x37: {  	[smem:$0x3FAA] =	sst s10  }
0x38: {  	s10 =	sld [smem:$0x3FAB]  }
0x39: {  	_ = 	snop;
	(pc) =	sbr.ind lr, $3  }
0x3a: {  	_ = 	snop  }
0x3b: {  	_ = 	snop  }
0x3c: {  	p2 =	seq.s32 s10, $0x1;
	s10 =	sld [smem:$0x3FAA]  }
0x3d: {  	_ =	shalt  }
0x3e: {  	_ =	shalt  }
0x3f: {  	_ =	shalt  }
0x40: {  	_ =	shalt  }
0x41: {  	_ =	shalt  }
0x42: {  	_ =	shalt  }
0x43: {  	_ =	shalt  }
0x44: {  	_ =	shalt  }
0x45: {  	_ =	shalt  }
0x46: {  	_ =	shalt  }
0x47: {  	_ =	shalt  }
0x48: {  	_ =	shalt  }
0x49: {  	_ =	shalt  }
0x4a: {  	_ =	shalt  }
0x4b: {  	_ =	shalt  }
0x4c: {  	_ =	shalt  }
0x4d: {  	_ =	shalt  }
0x4e: {  	_ =	shalt  }
0x4f: {  	_ =	shalt  }
0x50: {  	_ =	shalt  }
0x51: {  	_ =	shalt  }
0x52: {  	_ =	shalt  }
0x53: {  	_ =	shalt  }
0x54: {  	_ =	shalt  }
0x55: {  	_ =	shalt  }
0x56: {  	_ =	shalt  }
0x57: {  	_ =	shalt  }
0x58: {  	_ =	shalt  }
0x59: {  	_ =	shalt  }
0x5a: {  	_ =	shalt  }
0x5b: {  	_ =	shalt  }
0x5c: {  	_ =	shalt  }
0x5d: {  	_ =	shalt  }
0x5e: {  	_ =	shalt  }
0x5f: {  	_ =	shalt  }
0x60: {  	_ =	shalt  }
0x61: {  	_ =	shalt  }
0x62: {  	_ =	shalt  }
0x63: {  	_ =	shalt  }
0x64: {  	_ =	shalt  }
0x65: {  	_ =	shalt  }
0x66: {  	_ =	shalt  }
0x67: {  	_ =	shalt  }
0x68: {  	_ =	shalt  }
0x69: {  	_ =	shalt  }
0x6a: {  	_ =	shalt  }
0x6b: {  	_ =	shalt  }
0x6c: {  	_ =	shalt  }
0x6d: {  	_ =	shalt  }
0x6e: {  	_ =	shalt  }
0x6f: {  	_ =	shalt  }
0x70: {  	_ =	shalt  }
0x71: {  	_ =	shalt  }
0x72: {  	_ =	shalt  }
0x73: {  	_ =	shalt  }
0x74: {  	_ =	shalt  }
0x75: {  	_ =	shalt  }
0x76: {  	_ =	shalt  }
0x77: {  	_ =	shalt  }
0x78: {  	_ =	shalt  }
0x79: {  	_ =	shalt  }
0x7a: {  	_ =	shalt  }
0x7b: {  	_ =	shalt  }
0x7c: {  	_ =	shalt  }
0x7d: {  	_ =	shalt  }
0x7e: {  	_ =	shalt  }
0x7f: {  	_ =	shalt  }
0x80: {  	_ =	shalt  }
0x81: {  	_ =	shalt  }
0x82: {  	_ =	shalt  }
0x83: {  	_ =	shalt  }
0x84: {  	_ =	shalt  }
0x85: {  	_ =	shalt  }
0x86: {  	_ =	shalt  }
0x87: {  	_ =	shalt  }
.Lfunc_end0:
.L_simem_size_0:
called_computation.4_lowered:
.L_overlay_start_0:
0x88: {  	s2 =	sld [smem:$0x3FD9]  }
0x89: {  	s3 =	sld [smem:$0x3FFE];
	_ =	sdelay $0x1  }
0x8a: {  	s1 =	srdreg.scid  }
0x8b: {  	s0 =	sand.u32 $0x1, s1  }
0x8c: {  	s16 =	sshll.u32 s0, $0xA;
	s2 =	sadd.s32 s3, s2  }
0x8d: {  	s2 =	sadd.s32 s2, s16  }
0x8e: {  	[smem:$0x3FB6] =	sst s2  }
0x8f: {  	_ = 	snop  }
0x90: {  	(tm) =	ssettm $0x1  }
0x91: {  	s17 =	sld [smem:$0x3FFB];
	_ =	sdelay $0x3  }
0x92: {  	_ =	strace s17  }
0x93: {  	s2 =	sld [smem:$0x3FFC];
	_ =	sdelay $0x3  }
0x94: {  	_ =	strace s2  }
0x95: {  	s2 =	sld [smem:$0x3FFD];
	_ =	sdelay $0x3  }
0x96: {  	_ =	strace s2  }
0x97: {  	_ =	strace $0x8FFFFFFF  }
0x98: {  	s18 =	sld [smem:$0x3FDB];
	_ =	sdelay $0x1  }
0x99: {  	s19 =	simm.s32 $_scs_section_size  }
0x9a: {  	s4 =	simm.s32 $_size__tile_overlayer_lowered;
	s5 =	simm.s32 $_tile_overlayer_lowered  }
0x9b: {  	s22 =	simm.s32 $0x1BFF;
	s21 =	sshll.u32 s5, $0x1;
	s2 =	sadd.s32 s19, s18  }
0x9c: {  	s6 =	simm.s32 $0x0;
	s20 =	sshll.u32 s4, $0x1;
	s4 =	sadd.s32 s21, s2  }
0x9d: {  	[timem:s6], [sflag:s22] =	dma.local [hbm:s4], s20  }
0x9e: {  	_ =	swait.ge [sflag:s22], s20  }
0x9f: {  	s3 =	ssub.s32 $0x0, s20;
	[sflag:s22] =	ssyncset.done $0x0  }
0xa0: {  	[sflag:s22] =	ssyncadd.s32 s3;
	_ =	sdelay $0x1  }
0xa1: {  	s23 =	simm.s32 $0x1B8B  }
0xa2: {  	_ =	swait.ge [sflag:s23], $0x1  }
0xa3: {  	[sflag:s23] =	ssyncset.done $0x0  }
0xa4: {  	s25 =	simm.s32 $0x1B8E;
	s24 =	sld [smem:$0x3FFE];
	[sflag:s23] =	ssyncadd.s32 $0xFFFFFFFF  }
0xa5: {  	s26 =	simm.s32 $execute0_lowered;
	[smem:$0x3FD2] =	sst s25  }
0xa6: {  	s4 =	sshll.u32 s26, $0x1;
	_ =	strace $0x80000052;
	[dreg:$0x1] =	wrdreg $0xFFFFFFFF  }
0xa7: {  	s28 =	simm.s32 $_size_execute0_lowered;
	s2 =	sadd.s32 s2, s4;
	[dreg:$0x0] =	wrdreg $0x0  }
0xa8: {  	s4 =	sshll.u32 s28, $0x1;
	[dreg:$0x2] =	wrdreg s2  }
0xa9: {  	[dreg:$0x3] =	wrdreg s4  }
0xaa: {  	[dreg:$0x4] =	wrdreg $0xC0  }
0xab: {  	_ =	task [dreg:s6], $0x5FFFF  }
0xac: {  	[dreg:$0x1] =	wrdreg $0xFFFFFFFF  }
0xad: {  	[dreg:$0x0] =	wrdreg $0x60  }
0xae: {  	[dreg:$0x2] =	wrdreg s24  }
0xaf: {  	[dreg:$0x3] =	wrdreg $0x9  }
0xb0: {  	_ =	task.clear_ibuf [dreg:s6], $0x4FFFF;
	_ =	strace $0x90000052  }
0xb1: {  	s29 =	simm.s32 $0x9;
	_ =	strace $0x80000054  }
0xb2: {  	_ =	swait.ge [sflag:s29], $0x1  }
0xb3: {  	[sflag:s29] =	ssyncadd.s32 $0xFFFFFFFF  }
0xb4: {  	_ =	strace $0x90000054  }
0xb5: {  	_ =	sfence  }
0xb6: {  	s30 =	sld [smem:$0x0];
	_ =	sdelay $0x2  }
0xb7: {  	s31 =	sshll.u32 s1, $0xD;
	s1 =	sshrl.u32 s1, $0x2  }
0xb8: {  	s3 =	sand.u32 $0x4000, s31;
	s1 =	sadd.s32 s1, s30  }
0xb9: {  	s0 =	sor.u32 s3, s0;
	s1 =	sshll.u32 s1, $0x11  }
0xba: {  	s0 =	sor.u32 s1, s0  }
0xbb: {  	s0 =	sadd.s32 $0x8F2B, s0  }
0xbc: {  	[sflag:s0] =	ssyncadd.remote.s32 $0x1  }
0xbd: {  	_ =	sfence.sel $0xFFFF  }
0xbe: {  	[dreg:$0x0] =	wrdreg $0xFFFFFFFF;
	(pc) =	sbr.abs _section_cstart, $3  }
0xbf: {  	[dreg:$0x1] =	wrdreg $0xFFFFFFFF  }
0xc0: {  	_ =	task.clear_ibuf [dreg:s6], $0x2FFFF;
	_ =	strace $0x9FFFFFFF  }
0xc1: {  	(tm) =	ssettm $0x7FFFFFFF  }
tec
execute0_lowered:
.L_overlay_start_1:
0x0: {  	(tag) =	ssettag $0x1  }
0x1: {  	s1 =	srdreg.scid  }
0x2: {  	s0 =	stileid.u32;
	s9 =	rddreg [dreg:$0x0]  }
0x3: {  	s2 =	simm.s32 $0x0;
	s6 =	sand.u32 $0x1, s1;
	s1 =	rddreg [dreg:$0x1]  }
0x4: {  	s3 =	sshll.u32 s0, $0x1;
	[smem:$0x7FF] =	sst s2  }
0x5: {  	p0 =	sgt.u32 s0, $0x3;
	s4 =	sor.u32 s6, s3;
	_ =	strace $0x80000053  }
0x6: {  	s3 =	sadd.s32 $0x4C00, s9;
	s11 =	ssub.s32 $0x2, s6;
	s5 =	sshll.u32 s4, $0x4  }
0x7: {  	s6 =	simm.s32 @!p0 $0x1;
	s10 =	sshll.u32 s4, $0x9;
	s5 =	sadd.s32 s5, s9  }
0x8: {  	s12 =	sshrl.u32 s11, $0x1;
	s4 =	sadd.s32 $0x35C00, s5;
	s5 =	simm.s32 $0x3  }
0x9: {  	[tilespmem:s2], [sflag:$0x3] =	stream.linear.gather [hbm4b:s4+s2], $0x80, $0x38;
	[tilespmem:$0x1080] =	vst v63  }
0xa: {  	s7 =	simm.s32 @!p0 $0x0;
	s31 =	ssub.s32 s11, s12;
	_ =	swait.ge [sflag:s5], $0x80  }
0xb: {  	s9 =	sadd.s32 s10, s9;
	s10 =	smax.u32 s31, $0x1;
	[sflag:s5] =	ssyncset.done $0x0  }
0xc: {  	s8 =	simm.s32 @!p0 $0x80;
	s11 =	sadd.s32 $0xFFFFFFFF, s10;
	[sflag:s5] =	ssyncadd.s32 $0xFFFFFF80  }
0xd: {  	[tilespmem:s8], [sflag:$0x1] =	stream.indirect.gather @!p0 [hbm4b:s3+s8], $0x20, s7, s8, $0xb8;
	[tilespmem:$0x1080] =	vst v63  }
0xe: {  	p1 =	sne.s32 s11, $0x0;
	_ =	swait.ge @!p0 [sflag:s6], $0x1000  }
.Ltmp0:
0xf: {  	[sflag:s6] =	ssyncset.done @!p0 $0x0;
	(pc) =	sbr.rel @!p1 .LBB2_2-.Ltmp0, $4  }
0x10: {  	s9 =	sadd.s32 $0xEA00, s9;
	s10 =	simm.s32 @!p0 $0x2;
	[sflag:s6] =	ssyncadd.s32 @!p0 $0xFFFFF000  }
0x11: {  	[hbm4b:s9+s7] =	stream.linear.scatter @!p0 [tilespmem:s8], [sflag:$0x2], $0x1000, $0x38;
	[tilespmem:$0x1080] =	vst v63  }
0x12: {  	_ =	swait.ge @!p0 [sflag:s10], $0x1000  }
0x13: {  	[sflag:s10] =	ssyncset.done @!p0 $0x0  }
.LBB2_1:
0x14: {  	s11 =	sadd.s32 $0xFFFFFFFF, s11;
	[sflag:s10] =	ssyncadd.s32 @!p0 $0xFFFFF000  }
0x15: {  	[tilespmem:s2], [sflag:$0x3] =	stream.linear.gather [hbm4b:s4+s2], $0x80, $0x38;
	[tilespmem:$0x1080] =	vst v63  }
0x16: {  	p1 =	sne.s32 s11, $0x0;
	_ =	swait.ge [sflag:s5], $0x80  }
0x17: {  	[sflag:s5] =	ssyncset.done $0x0  }
0x18: {  	[sflag:s5] =	ssyncadd.s32 $0xFFFFFF80  }
0x19: {  	[tilespmem:s8], [sflag:$0x1] =	stream.indirect.gather @!p0 [hbm4b:s3+s8], $0x20, s7, s8, $0xb8;
	[tilespmem:$0x1080] =	vst v63  }
0x1a: {  	_ =	swait.ge @!p0 [sflag:s6], $0x1000  }
.Ltmp1:
0x1b: {  	[sflag:s6] =	ssyncset.done @!p0 $0x0;
	(pc) =	sbr.rel @p1 .LBB2_1-.Ltmp1, $4  }
0x1c: {  	[sflag:s6] =	ssyncadd.s32 @!p0 $0xFFFFF000  }
0x1d: {  	[hbm4b:s9+s7] =	stream.linear.scatter @!p0 [tilespmem:s8], [sflag:$0x2], $0x1000, $0x38;
	[tilespmem:$0x1080] =	vst v63  }
0x1e: {  	_ =	swait.ge @!p0 [sflag:s10], $0x1000  }
0x1f: {  	[sflag:s10] =	ssyncset.done @!p0 $0x0  }
.LBB2_2:
0x20: {  	[sflag:s10] =	ssyncadd.s32 @!p0 $0xFFFFF000  }
0x21: {  	_ =	sfence.sel $0x180000  }
0x22: {  	[bflag:$0x0] =	sbarrier.arrive $0xFFFF  }
0x23: {  	p0 =	sne.s32 s0, $0x0;
	_ =	strace $0x90000053  }
0x24: {  	s0 =	sadd.s32 @!p0 $0x100000, s1;
	[bflag:$0x2] =	sbarrier.arrive $0xFFFF  }
0x25: {  	[sflag:s0] =	ssyncadd.tile.s32 @!p0 $0x1;
	_ =	shalt  }
.Lfunc_end2:
_tile_overlayer_lowered:
.L_overlay_start_2:
0x26: {  	(tag) =	ssettag $0x2  }
0x27: {  	s0 =	rddreg [dreg:$0x0];
	s2 =	stileid.u32  }
0x28: {  	s1 =	rddreg [dreg:$0x1];
	p0 =	sne.s32 s2, $0x0  }
0x29: {  	s3 =	rddreg [dreg:$0x2];
	[bflag:$0x3] =	sbarrier.arrive $0xFFFF;
	s2 =	simm.s32 @!p0 $0x1C03  }
0x2a: {  	[timem:s3], [sflag:s2] =	dma.local @!p0 [hbm:s0], s1  }
0x2b: {  	s0 =	simm.s32 @!p0 $0x3  }
0x2c: {  	_ =	swait.ge @!p0 [sflag:s0], s1  }
0x2d: {  	s1 =	ssub.s32 @!p0 $0x0, s1;
	[sflag:s0] =	ssyncset.done @!p0 $0x0  }
0x2e: {  	[sflag:s0] =	ssyncadd.s32 @!p0 s1  }
0x2f: {  	[bflag:$0x3] =	sbarrier.arrive $0xFFFF  }
0x30: {  	_ =	shalt  }

</sc_bundles>
